<compile_context>
chip_gen: v7x
topology: tpu7x:2x2x1
jax: 0.10.2.dev20260603
libtpu: 0.0.44.dev20260713+nightly
codegen_flags: <defaults>
</compile_context>

<pallas_src>
import functools

import jax
import jax.numpy as jnp
from jax import lax
from jax.experimental import pallas as pl
from jax.experimental.pallas import tpu as pltpu
from jax.experimental.pallas import tpu_sc as plsc

B, N, D = 4, 576, 384
LAMBDA_SPATIAL = 0.5
SIGMA_SQ = 100.0 * 100.0
NEG = -3.0e38
L = 16
NCHUNK = N // L
ROWS_PER_TILE = N // 8


def _tc_body(feat_ref, coord_ref, coordT_ref,
             sim_out, pen_out, row0_out, startv_out):
    iota_l = lax.broadcasted_iota(jnp.int32, (1, N), 1)
    for b in range(B):
        f = feat_ref[b]
        s = jnp.sum(f * f, axis=1, keepdims=True)
        norm = jnp.maximum(jnp.sqrt(s), 1e-12)
        fn = f / norm
        sem = lax.dot_general(fn, fn, (((1,), (1,)), ((), ())),
                              preferred_element_type=jnp.float32)
        x_col = coord_ref[b][:, 0:1]
        y_col = coord_ref[b][:, 1:2]
        x_row = coordT_ref[b][0:1, :]
        y_row = coordT_ref[b][1:2, :]
        dx = x_col - x_row
        dy = y_col - y_row
        dist = jnp.sqrt(dx * dx + dy * dy)
        spat = jnp.exp(-(dist * dist) / SIGMA_SQ)
        sim_out[b] = sem + LAMBDA_SPATIAL * spat

        conn = jnp.sum(sim_out[b], axis=1, keepdims=True)
        mconn = jnp.max(conn)
        iota_s = lax.broadcasted_iota(jnp.int32, (N, 1), 0)
        start = jnp.min(jnp.where(conn == mconn, iota_s, N))
        pen_out[pl.ds(b, 1), :] = jnp.where(iota_l == start, NEG, 0.0)
        row0_out[pl.ds(b, 1), :] = sim_out[b, pl.ds(start, 1), :]
        startv_out[pl.ds(b, 1), :] = jnp.full((1, N), start,
                                              jnp.int32).astype(jnp.float32)


def _tc_stage(features, coords, coordT):
    return pl.pallas_call(
        _tc_body,
        out_shape=(
            jax.ShapeDtypeStruct((B, N, N), jnp.float32),
            jax.ShapeDtypeStruct((B, N), jnp.float32),
            jax.ShapeDtypeStruct((B, N), jnp.float32),
            jax.ShapeDtypeStruct((B, N), jnp.float32),
        ),
    )(features, coords, coordT)


def _argmax_chunks(vals, idxs):
    while len(vals) > 1:
        nv, ni = [], []
        for k in range(0, len(vals) - 1, 2):
            take_hi = vals[k + 1] > vals[k]
            nv.append(jnp.where(take_hi, vals[k + 1], vals[k]))
            ni.append(jnp.where(take_hi, idxs[k + 1], idxs[k]))
        if len(vals) % 2:
            nv.append(vals[-1])
            ni.append(idxs[-1])
        vals, idxs = nv, ni
    return vals[0], idxs[0]


def _store1(ref, pos, val, lane_i):
    off = pl.multiple_of((pos >> 4) * L, L)
    chunk = ref[pl.ds(off, L)]
    ref[pl.ds(off, L)] = jnp.where(lane_i == (pos & (L - 1)), val, chunk)


def _sc_body(sim_hbm, pen_hbm, row0_hbm, startv_hbm, feat_hbm,
             out_r_hbm, out_o_hbm, ord2_hbm,
             spmem_sim, row_v, pen_v, ord_v, ord2_v, st_v,
             idx_v, rows_v, sem, sem2, sem3):
    c = lax.axis_index("c")
    s = lax.axis_index("s")

    for bl in range(2):
        gbase = (2 * c + bl) * (N * N)
        lbase = bl * (N * N)
        pltpu.sync_copy(
            sim_hbm.at[pl.ds(gbase + s * NCHUNK * N, NCHUNK * N)],
            spmem_sim.at[pl.ds(lbase + s * NCHUNK * N, NCHUNK * N)])
    plsc.subcore_barrier()

    @pl.when(s < 2)
    def _greedy():
        b = 2 * c + s
        boff = b * N
        lbase = s * (N * N)
        pltpu.sync_copy(row0_hbm.at[pl.ds(boff, N)], row_v)
        pltpu.sync_copy(pen_hbm.at[pl.ds(boff, N)], pen_v)
        pltpu.sync_copy(startv_hbm.at[pl.ds(boff, L)], st_v)
        start = st_v[...][0].astype(jnp.int32)
        lane_i = lax.broadcasted_iota(jnp.int32, (L,), 0)
        lane = lane_i.astype(jnp.float32)
        ord_v[pl.ds(0, L)] = jnp.where(lane_i == 0, start, ord_v[pl.ds(0, L)])
        ord2_v[pl.ds(0, L)] = jnp.where(lane_i == 0, start + boff,
                                        ord2_v[pl.ds(0, L)])
        pen0 = tuple(pen_v[pl.ds(ch * L, L)] for ch in range(NCHUNK))

        half = NCHUNK // 2
        off0 = pl.multiple_of(lbase + start * N + half * L, 8)
        pltpu.async_copy(spmem_sim.at[pl.ds(off0, N - half * L)],
                         row_v.at[pl.ds(half * L, N - half * L)], sem3)

        def step(i, carry):
            pen = carry[1:]
            idxs = [lane + float(ch * L) for ch in range(NCHUNK)]
            valsA = [row_v[pl.ds(ch * L, L)] + pen[ch] for ch in range(half)]
            valA, idxA = _argmax_chunks(valsA, idxs[:half])
            pltpu.make_async_copy(
                row0_hbm.at[pl.ds(0, N - half * L)],
                row_v.at[pl.ds(half * L, N - half * L)], sem3).wait()
            valsB = [row_v[pl.ds(ch * L, L)] + pen[ch]
                     for ch in range(half, NCHUNK)]
            valB, idxB = _argmax_chunks(valsB, idxs[half:])
            val, idx = _argmax_chunks([valA, valB], [idxA, idxB])
            for k in (8, 4, 2, 1):
                perm = jnp.bitwise_xor(lane_i, k)
                vs = val.at[perm].get(mode="promise_in_bounds")
                ids = idx.at[perm].get(mode="promise_in_bounds")
                swap = (vs > val) | ((vs == val) & (ids < idx))
                val = jnp.where(swap, vs, val)
                idx = jnp.where(swap, ids, idx)
            nxt_f = idx[0]
            nxt = nxt_f.astype(jnp.int32)
            off = pl.multiple_of(lbase + nxt * N, 8)
            dmaA = pltpu.async_copy(
                spmem_sim.at[pl.ds(off, half * L)],
                row_v.at[pl.ds(0, half * L)], sem2)
            pltpu.async_copy(
                spmem_sim.at[pl.ds(off + half * L, N - half * L)],
                row_v.at[pl.ds(half * L, N - half * L)], sem3)
            _store1(ord_v, i, nxt, lane_i)
            _store1(ord2_v, i, nxt + boff, lane_i)
            pen = tuple(
                jnp.where(idxs[ch] == nxt_f, NEG, pen[ch])
                for ch in range(NCHUNK))
            dmaA.wait()
            return (nxt,) + pen

        lax.fori_loop(1, N, step, (start,) + pen0, unroll=False)
        pltpu.make_async_copy(
            row0_hbm.at[pl.ds(0, N - half * L)],
            row_v.at[pl.ds(half * L, N - half * L)], sem3).wait()
        pltpu.sync_copy(ord_v, out_o_hbm.at[pl.ds(boff, N)])
        pltpu.sync_copy(ord2_v, ord2_hbm.at[pl.ds(boff, N)])

    plsc.subcore_barrier()

    bg = 2 * c + s // 8
    r0 = bg * N + (s % 8) * ROWS_PER_TILE
    pltpu.sync_copy(ord2_hbm.at[pl.ds(r0, ROWS_PER_TILE)], idx_v)
    pltpu.async_copy(feat_hbm.at[idx_v], rows_v, sem).wait()
    pltpu.sync_copy(rows_v, out_r_hbm.at[pl.ds(r0, ROWS_PER_TILE)])


_sc_kernel = functools.partial(
    pl.kernel,
    out_type=(
        jax.ShapeDtypeStruct((B * N, D), jnp.float32),
        jax.ShapeDtypeStruct((B * N,), jnp.int32),
        jax.ShapeDtypeStruct((B * N,), jnp.int32),
    ),
    mesh=plsc.VectorSubcoreMesh(core_axis_name="c", subcore_axis_name="s",
                                num_cores=2, num_subcores=16),
    scratch_types=[
        pltpu.VMEM_SHARED((2 * N * N,), jnp.float32),
        pltpu.VMEM((N,), jnp.float32),
        pltpu.VMEM((N,), jnp.float32),
        pltpu.VMEM((N,), jnp.int32),
        pltpu.VMEM((N,), jnp.int32),
        pltpu.VMEM((L,), jnp.float32),
        pltpu.VMEM((ROWS_PER_TILE,), jnp.int32),
        pltpu.VMEM((ROWS_PER_TILE, D), jnp.float32),
        pltpu.SemaphoreType.DMA,
        pltpu.SemaphoreType.DMA,
        pltpu.SemaphoreType.DMA,
    ],
)(_sc_body)


def kernel(features, coords):
    coordT = jnp.swapaxes(coords, 1, 2)
    sim, pen0, row0, startv = _tc_stage(features, coords, coordT)
    feat2 = features.reshape(B * N, D)
    reordered2, orders1, _ = _sc_kernel(
        sim.reshape(-1), pen0.reshape(-1), row0.reshape(-1),
        startv.reshape(-1), feat2)
    return reordered2.reshape(B, N, D), orders1.reshape(B, N)

# --- scband reference (transcript-rebuilt; emitter-appended) ---
"""Pipeline reference for scband-semantic-ordering-1460288881207 (READ-ONLY COPY).

The authoritative reference and input builder live on the scoring server;
editing this copy changes nothing except your own understanding.
"""

import jax, jax.numpy as jnp
import numpy as np

LAMBDA_SPATIAL = 0.5
SIGMA = 100.0


def setup_inputs(seed: int = 0) -> dict:
    key = jax.random.key(seed)
    k1, k2 = jax.random.split(key)
    features = jax.random.normal(k1, (4, 576, 384), dtype=jnp.float32)
    coords = jax.random.uniform(k2, (4, 576, 2), dtype=jnp.float32) * 384.0
    return {"features": features, "coords": coords}


def compute_similarity(feat, coord):
    # F.normalize(p=2, dim=-1) with eps clamp
    norm = jnp.maximum(jnp.linalg.norm(feat, axis=-1, keepdims=True), 1e-12)
    fn = feat / norm
    sem = fn @ fn.T
    diff = coord[None, :, :] - coord[:, None, :]
    dist = jnp.linalg.norm(diff, axis=-1)
    spat = jnp.exp(-(dist ** 2) / (SIGMA ** 2))
    return sem + LAMBDA_SPATIAL * spat


def greedy_nearest_neighbor(sim):
    N = sim.shape[0]
    connectivity = sim.sum(axis=1)
    start = jnp.argmax(connectivity).astype(jnp.int32)
    visited = jnp.zeros((N,), dtype=bool).at[start].set(True)
    order = jnp.zeros((N,), dtype=jnp.int32).at[0].set(start)

    def body(i, state):
        visited, order, cur = state
        row = jnp.take(sim, cur, axis=0)
        masked = jnp.where(visited, -jnp.inf, row)
        nxt = jnp.argmax(masked).astype(jnp.int32)
        visited = visited.at[nxt].set(True)
        order = order.at[i].set(nxt)
        return (visited, order, nxt)

    _, order, _ = jax.lax.fori_loop(1, N, body, (visited, order, start))
    return order


def reference(features, coords):
    def per_batch(feat, coord):
        sim = compute_similarity(feat, coord)
        order = greedy_nearest_neighbor(sim)
        reordered = jnp.take(feat, order, axis=0)
        return reordered, order

    reordered, orders = jax.vmap(per_batch)(features, coords)
    return reordered, orders

if __name__ == "__main__":
    import jax
    _d = setup_inputs()
    print(jax.jit(kernel)(*tuple(_d.values())))

</pallas_src>

<mosaic_0001>
#map = affine_map<(d0, d1) -> (0)>
#map1 = affine_map<(d0, d1) -> (0, 0)>
module attributes {stable_mosaic.version = 14 : i64} {
  func.func @_sc_body(%arg0: i32, %arg1: i32, %arg2: memref<1327104xf32, #tpu.memory_space<hbm>>, %arg3: memref<2304xf32, #tpu.memory_space<hbm>>, %arg4: memref<2304xf32, #tpu.memory_space<hbm>>, %arg5: memref<2304xf32, #tpu.memory_space<hbm>>, %arg6: memref<2304x384xf32, #tpu.memory_space<hbm>>, %arg7: memref<2304x384xf32, #tpu.memory_space<hbm>>, %arg8: memref<2304xi32, #tpu.memory_space<hbm>>, %arg9: memref<2304xi32, #tpu.memory_space<hbm>>, %arg10: memref<663552xf32, #tpu.memory_space<vmem_shared>>, %arg11: memref<576xf32, #tpu.memory_space<vmem>>, %arg12: memref<576xf32, #tpu.memory_space<vmem>>, %arg13: memref<576xi32, #tpu.memory_space<vmem>>, %arg14: memref<576xi32, #tpu.memory_space<vmem>>, %arg15: memref<16xf32, #tpu.memory_space<vmem>>, %arg16: memref<72xi32, #tpu.memory_space<vmem>>, %arg17: memref<72x384xf32, #tpu.memory_space<vmem>>, %arg18: memref<!tpu.dma_semaphore, #tpu.memory_space<semaphore_mem>>, %arg19: memref<!tpu.dma_semaphore, #tpu.memory_space<semaphore_mem>>, %arg20: memref<!tpu.dma_semaphore, #tpu.memory_space<semaphore_mem>>) attributes {dimension_semantics = [#tpu.dimension_semantics<core_parallel>, #tpu.dimension_semantics<subcore_parallel>], iteration_bounds = array<i64: 2, 16>, scalar_prefetch = 0 : i64, scratch_operands = 11 : i64, tpu.core_type = #tpu.core_type<sc_vector_subcore>, window_params = [{transform_indices = #map}, {transform_indices = #map}, {transform_indices = #map}, {transform_indices = #map}, {transform_indices = #map1}, {transform_indices = #map1}, {transform_indices = #map}, {transform_indices = #map}]} {
    %mul3A = arith.constant 2 : i32
    %mul3A_0 = arith.muli %mul3A, %arg0 : i32
    %add3A = arith.constant 0 : i32
    %add3A_1 = arith.addi %mul3A_0, %add3A : i32
    %mul3A_2 = arith.constant 331776 : i32
    %mul3A_3 = arith.muli %add3A_1, %mul3A_2 : i32
    %mul3A_4 = arith.constant 36 : i32
    %mul3A_5 = arith.muli %arg1, %mul3A_4 : i32
    %mul3A_6 = arith.constant 576 : i32
    %mul3A_7 = arith.muli %mul3A_5, %mul3A_6 : i32
    %add3A_8 = arith.addi %mul3A_3, %mul3A_7 : i32
    %mul3A_9 = arith.constant 36 : i32
    %mul3A_10 = arith.muli %arg1, %mul3A_9 : i32
    %mul3A_11 = arith.constant 576 : i32
    %mul3A_12 = arith.muli %mul3A_10, %mul3A_11 : i32
    %add3A_13 = arith.constant 0 : i32
    %add3A_14 = arith.addi %add3A_13, %mul3A_12 : i32
    "tpu.region"() ({
      %run_scoped3A = tpu.sem_alloc : memref<!tpu.dma_semaphore, #tpu.memory_space<semaphore_mem>>
      %dma_start3A_78 = tpu.memref_slice %arg10[%add3A_14] : memref<663552xf32, #tpu.memory_space<vmem_shared>> -> memref<20736xf32, #tpu.memory_space<vmem_shared>>
      %dma_start3A_79 = tpu.memref_slice %arg2[%add3A_8] : memref<1327104xf32, #tpu.memory_space<hbm>> -> memref<20736xf32, #tpu.memory_space<hbm>>
      tpu.enqueue_dma source(%dma_start3A_79 : memref<20736xf32, #tpu.memory_space<hbm>>) target(%dma_start3A_78 : memref<20736xf32, #tpu.memory_space<vmem_shared>>) target_semaphore(%run_scoped3A : memref<!tpu.dma_semaphore, #tpu.memory_space<semaphore_mem>>)
      %dma_wait3A_80 = tpu.memref_slice %arg10[%add3A_14] : memref<663552xf32, #tpu.memory_space<vmem_shared>> -> memref<20736xf32, #tpu.memory_space<vmem_shared>>
      %dma_wait3A_81 = tpu.memref_slice %arg2[%add3A_8] : memref<1327104xf32, #tpu.memory_space<hbm>> -> memref<20736xf32, #tpu.memory_space<hbm>>
      tpu.wait_dma2 semaphore(%run_scoped3A : memref<!tpu.dma_semaphore, #tpu.memory_space<semaphore_mem>>) src(%dma_wait3A_81 : memref<20736xf32, #tpu.memory_space<hbm>>) dst(%dma_wait3A_80 : memref<20736xf32, #tpu.memory_space<vmem_shared>>)
      tpu.yield
    }) : () -> ()
    %mul3A_15 = arith.constant 2 : i32
    %mul3A_16 = arith.muli %mul3A_15, %arg0 : i32
    %add3A_17 = arith.constant 1 : i32
    %add3A_18 = arith.addi %mul3A_16, %add3A_17 : i32
    %mul3A_19 = arith.constant 331776 : i32
    %mul3A_20 = arith.muli %add3A_18, %mul3A_19 : i32
    %mul3A_21 = arith.constant 36 : i32
    %mul3A_22 = arith.muli %arg1, %mul3A_21 : i32
    %mul3A_23 = arith.constant 576 : i32
    %mul3A_24 = arith.muli %mul3A_22, %mul3A_23 : i32
    %add3A_25 = arith.addi %mul3A_20, %mul3A_24 : i32
    %mul3A_26 = arith.constant 36 : i32
    %mul3A_27 = arith.muli %arg1, %mul3A_26 : i32
    %mul3A_28 = arith.constant 576 : i32
    %mul3A_29 = arith.muli %mul3A_27, %mul3A_28 : i32
    %add3A_30 = arith.constant 331776 : i32
    %add3A_31 = arith.addi %add3A_30, %mul3A_29 : i32
    "tpu.region"() ({
      %run_scoped3A = tpu.sem_alloc : memref<!tpu.dma_semaphore, #tpu.memory_space<semaphore_mem>>
      %dma_start3A_78 = tpu.memref_slice %arg10[%add3A_31] : memref<663552xf32, #tpu.memory_space<vmem_shared>> -> memref<20736xf32, #tpu.memory_space<vmem_shared>>
      %dma_start3A_79 = tpu.memref_slice %arg2[%add3A_25] : memref<1327104xf32, #tpu.memory_space<hbm>> -> memref<20736xf32, #tpu.memory_space<hbm>>
      tpu.enqueue_dma source(%dma_start3A_79 : memref<20736xf32, #tpu.memory_space<hbm>>) target(%dma_start3A_78 : memref<20736xf32, #tpu.memory_space<vmem_shared>>) target_semaphore(%run_scoped3A : memref<!tpu.dma_semaphore, #tpu.memory_space<semaphore_mem>>)
      %dma_wait3A_80 = tpu.memref_slice %arg10[%add3A_31] : memref<663552xf32, #tpu.memory_space<vmem_shared>> -> memref<20736xf32, #tpu.memory_space<vmem_shared>>
      %dma_wait3A_81 = tpu.memref_slice %arg2[%add3A_25] : memref<1327104xf32, #tpu.memory_space<hbm>> -> memref<20736xf32, #tpu.memory_space<hbm>>
      tpu.wait_dma2 semaphore(%run_scoped3A : memref<!tpu.dma_semaphore, #tpu.memory_space<semaphore_mem>>) src(%dma_wait3A_81 : memref<20736xf32, #tpu.memory_space<hbm>>) dst(%dma_wait3A_80 : memref<20736xf32, #tpu.memory_space<vmem_shared>>)
      tpu.yield
    }) : () -> ()
    %barrier3A = arith.constant 0 : index
    tpu.barrier barrier_id(%barrier3A)
    %lt3A = arith.constant 2 : i32
    %lt3A_32 = arith.cmpi slt, %arg1, %lt3A : i32
    %convert_element_type3A = arith.extui %lt3A_32 : i1 to i32
    %cond3A = arith.constant 0 : i32
    %cond3A_33 = arith.cmpi ne, %convert_element_type3A, %cond3A : i32
    scf.if %cond3A_33 {
      %mul3A_78 = arith.constant 2 : i32
      %mul3A_79 = arith.muli %mul3A_78, %arg0 : i32
      %add3A_80 = arith.addi %mul3A_79, %arg1 : i32
      %mul3A_81 = arith.constant 576 : i32
      %mul3A_82 = arith.muli %add3A_80, %mul3A_81 : i32
      %mul3A_83 = arith.constant 331776 : i32
      %mul3A_84 = arith.muli %arg1, %mul3A_83 : i32
      "tpu.region"() ({
        %run_scoped3A = tpu.sem_alloc : memref<!tpu.dma_semaphore, #tpu.memory_space<semaphore_mem>>
        %dma_start3A_244 = tpu.memref_slice %arg4[%mul3A_82] : memref<2304xf32, #tpu.memory_space<hbm>> -> memref<576xf32, #tpu.memory_space<hbm>>
        %dma_start3A_245 = tpu.memref_slice %arg4[%mul3A_82] : memref<2304xf32, #tpu.memory_space<hbm>> -> memref<576xf32, #tpu.memory_space<hbm>>
        tpu.enqueue_dma source(%dma_start3A_245 : memref<576xf32, #tpu.memory_space<hbm>>) target(%arg11 : memref<576xf32, #tpu.memory_space<vmem>>) target_semaphore(%run_scoped3A : memref<!tpu.dma_semaphore, #tpu.memory_space<semaphore_mem>>)
        %dma_wait3A_246 = tpu.memref_slice %arg4[%mul3A_82] : memref<2304xf32, #tpu.memory_space<hbm>> -> memref<576xf32, #tpu.memory_space<hbm>>
        %dma_wait3A_247 = tpu.memref_slice %arg4[%mul3A_82] : memref<2304xf32, #tpu.memory_space<hbm>> -> memref<576xf32, #tpu.memory_space<hbm>>
        tpu.wait_dma2 semaphore(%run_scoped3A : memref<!tpu.dma_semaphore, #tpu.memory_space<semaphore_mem>>) src(%dma_wait3A_247 : memref<576xf32, #tpu.memory_space<hbm>>) dst(%arg11 : memref<576xf32, #tpu.memory_space<vmem>>)
        tpu.yield
      }) : () -> ()
      "tpu.region"() ({
        %run_scoped3A = tpu.sem_alloc : memref<!tpu.dma_semaphore, #tpu.memory_space<semaphore_mem>>
        %dma_start3A_244 = tpu.memref_slice %arg3[%mul3A_82] : memref<2304xf32, #tpu.memory_space<hbm>> -> memref<576xf32, #tpu.memory_space<hbm>>
        %dma_start3A_245 = tpu.memref_slice %arg3[%mul3A_82] : memref<2304xf32, #tpu.memory_space<hbm>> -> memref<576xf32, #tpu.memory_space<hbm>>
        tpu.enqueue_dma source(%dma_start3A_245 : memref<576xf32, #tpu.memory_space<hbm>>) target(%arg12 : memref<576xf32, #tpu.memory_space<vmem>>) target_semaphore(%run_scoped3A : memref<!tpu.dma_semaphore, #tpu.memory_space<semaphore_mem>>)
        %dma_wait3A_246 = tpu.memref_slice %arg3[%mul3A_82] : memref<2304xf32, #tpu.memory_space<hbm>> -> memref<576xf32, #tpu.memory_space<hbm>>
        %dma_wait3A_247 = tpu.memref_slice %arg3[%mul3A_82] : memref<2304xf32, #tpu.memory_space<hbm>> -> memref<576xf32, #tpu.memory_space<hbm>>
        tpu.wait_dma2 semaphore(%run_scoped3A : memref<!tpu.dma_semaphore, #tpu.memory_space<semaphore_mem>>) src(%dma_wait3A_247 : memref<576xf32, #tpu.memory_space<hbm>>) dst(%arg12 : memref<576xf32, #tpu.memory_space<vmem>>)
        tpu.yield
      }) : () -> ()
      "tpu.region"() ({
        %run_scoped3A = tpu.sem_alloc : memref<!tpu.dma_semaphore, #tpu.memory_space<semaphore_mem>>
        %dma_start3A_244 = tpu.memref_slice %arg5[%mul3A_82] : memref<2304xf32, #tpu.memory_space<hbm>> -> memref<16xf32, #tpu.memory_space<hbm>>
        %dma_start3A_245 = tpu.memref_slice %arg5[%mul3A_82] : memref<2304xf32, #tpu.memory_space<hbm>> -> memref<16xf32, #tpu.memory_space<hbm>>
        tpu.enqueue_dma source(%dma_start3A_245 : memref<16xf32, #tpu.memory_space<hbm>>) target(%arg15 : memref<16xf32, #tpu.memory_space<vmem>>) target_semaphore(%run_scoped3A : memref<!tpu.dma_semaphore, #tpu.memory_space<semaphore_mem>>)
        %dma_wait3A_246 = tpu.memref_slice %arg5[%mul3A_82] : memref<2304xf32, #tpu.memory_space<hbm>> -> memref<16xf32, #tpu.memory_space<hbm>>
        %dma_wait3A_247 = tpu.memref_slice %arg5[%mul3A_82] : memref<2304xf32, #tpu.memory_space<hbm>> -> memref<16xf32, #tpu.memory_space<hbm>>
        tpu.wait_dma2 semaphore(%run_scoped3A : memref<!tpu.dma_semaphore, #tpu.memory_space<semaphore_mem>>) src(%dma_wait3A_247 : memref<16xf32, #tpu.memory_space<hbm>>) dst(%arg15 : memref<16xf32, #tpu.memory_space<vmem>>)
        tpu.yield
      }) : () -> ()
      %get3A = arith.constant 0 : index
      %get3A_85 = tpu.vector_load %arg15[%get3A] {strides = array<i32>} : memref<16xf32, #tpu.memory_space<vmem>>, vector<16xf32>,
      %get3A_86 = vector.shape_cast %get3A_85 : vector<16xf32> to vector<16xf32>
      %slice3A = vector.extract_strided_slice %get3A_86 {offsets = [0], sizes = [1], strides = [1]} : vector<16xf32> to vector<1xf32>
      %squeeze3A = vector.extract %slice3A[0] : f32 from vector<1xf32>
      %convert_element_type3A_87 = arith.fptosi %squeeze3A : f32 to i32
      %iota3A = tpu.iota {dimensions = array<i32: 0>} : vector<16xi32>
      %convert_element_type3A_88 = arith.sitofp %iota3A : vector<16xi32> to vector<16xf32>
      %eq3A_89 = arith.constant 0 : i32
      %eq3A_90 = vector.broadcast %eq3A_89 : i32 to vector<16xi32>
      %eq3A_91 = arith.cmpi eq, %iota3A, %eq3A_90 : vector<16xi32>
      %get3A_92 = arith.constant 0 : index
      %get3A_93 = tpu.vector_load %arg13[%get3A_92] {strides = array<i32>} : memref<576xi32, #tpu.memory_space<vmem>>, vector<16xi32>,
      %get3A_94 = vector.shape_cast %get3A_93 : vector<16xi32> to vector<16xi32>
      %broadcast_in_dim3A = vector.broadcast %convert_element_type3A_87 : i32 to vector<16xi32>
      %select_n3A_95 = arith.select %eq3A_91, %broadcast_in_dim3A, %get3A_94 : vector<16xi1>, vector<16xi32>
      %swap3A = arith.constant 0 : index
      %swap3A_96 = tpu.vector_load %arg13[%swap3A] {strides = array<i32>} : memref<576xi32, #tpu.memory_space<vmem>>, vector<16xi32>,
      %swap3A_97 = vector.shape_cast %swap3A_96 : vector<16xi32> to vector<16xi32>
      %swap3A_98 = vector.shape_cast %select_n3A_95 : vector<16xi32> to vector<16xi32>
      tpu.vector_store %arg13[%swap3A], %swap3A_98 {strides = array<i32>} : memref<576xi32, #tpu.memory_space<vmem>>, vector<16xi32>,
      %eq3A_99 = arith.constant 0 : i32
      %eq3A_100 = vector.broadcast %eq3A_99 : i32 to vector<16xi32>
      %eq3A_101 = arith.cmpi eq, %iota3A, %eq3A_100 : vector<16xi32>
      %add3A_102 = arith.addi %convert_element_type3A_87, %mul3A_82 : i32
      %get3A_103 = arith.constant 0 : index
      %get3A_104 = tpu.vector_load %arg14[%get3A_103] {strides = array<i32>} : memref<576xi32, #tpu.memory_space<vmem>>, vector<16xi32>,
      %get3A_105 = vector.shape_cast %get3A_104 : vector<16xi32> to vector<16xi32>
      %broadcast_in_dim3A_106 = vector.broadcast %add3A_102 : i32 to vector<16xi32>
      %select_n3A_107 = arith.select %eq3A_101, %broadcast_in_dim3A_106, %get3A_105 : vector<16xi1>, vector<16xi32>
      %swap3A_108 = arith.constant 0 : index
      %swap3A_109 = tpu.vector_load %arg14[%swap3A_108] {strides = array<i32>} : memref<576xi32, #tpu.memory_space<vmem>>, vector<16xi32>,
      %swap3A_110 = vector.shape_cast %swap3A_109 : vector<16xi32> to vector<16xi32>
      %swap3A_111 = vector.shape_cast %select_n3A_107 : vector<16xi32> to vector<16xi32>
      tpu.vector_store %arg14[%swap3A_108], %swap3A_111 {strides = array<i32>} : memref<576xi32, #tpu.memory_space<vmem>>, vector<16xi32>,
      %get3A_112 = arith.constant 0 : index
      %get3A_113 = tpu.vector_load %arg12[%get3A_112] {strides = array<i32>} : memref<576xf32, #tpu.memory_space<vmem>>, vector<16xf32>,
      %get3A_114 = vector.shape_cast %get3A_113 : vector<16xf32> to vector<16xf32>
      %get3A_115 = arith.constant 16 : index
      %get3A_116 = tpu.vector_load %arg12[%get3A_115] {strides = array<i32>} : memref<576xf32, #tpu.memory_space<vmem>>, vector<16xf32>,
      %get3A_117 = vector.shape_cast %get3A_116 : vector<16xf32> to vector<16xf32>
      %get3A_118 = arith.constant 32 : index
      %get3A_119 = tpu.vector_load %arg12[%get3A_118] {strides = array<i32>} : memref<576xf32, #tpu.memory_space<vmem>>, vector<16xf32>,
      %get3A_120 = vector.shape_cast %get3A_119 : vector<16xf32> to vector<16xf32>
      %get3A_121 = arith.constant 48 : index
      %get3A_122 = tpu.vector_load %arg12[%get3A_121] {strides = array<i32>} : memref<576xf32, #tpu.memory_space<vmem>>, vector<16xf32>,
      %get3A_123 = vector.shape_cast %get3A_122 : vector<16xf32> to vector<16xf32>
      %get3A_124 = arith.constant 64 : index
      %get3A_125 = tpu.vector_load %arg12[%get3A_124] {strides = array<i32>} : memref<576xf32, #tpu.memory_space<vmem>>, vector<16xf32>,
      %get3A_126 = vector.shape_cast %get3A_125 : vector<16xf32> to vector<16xf32>
      %get3A_127 = arith.constant 80 : index
      %get3A_128 = tpu.vector_load %arg12[%get3A_127] {strides = array<i32>} : memref<576xf32, #tpu.memory_space<vmem>>, vector<16xf32>,
      %get3A_129 = vector.shape_cast %get3A_128 : vector<16xf32> to vector<16xf32>
      %get3A_130 = arith.constant 96 : index
      %get3A_131 = tpu.vector_load %arg12[%get3A_130] {strides = array<i32>} : memref<576xf32, #tpu.memory_space<vmem>>, vector<16xf32>,
      %get3A_132 = vector.shape_cast %get3A_131 : vector<16xf32> to vector<16xf32>
      %get3A_133 = arith.constant 112 : index
      %get3A_134 = tpu.vector_load %arg12[%get3A_133] {strides = array<i32>} : memref<576xf32, #tpu.memory_space<vmem>>, vector<16xf32>,
      %get3A_135 = vector.shape_cast %get3A_134 : vector<16xf32> to vector<16xf32>
      %get3A_136 = arith.constant 128 : index
      %get3A_137 = tpu.vector_load %arg12[%get3A_136] {strides = array<i32>} : memref<576xf32, #tpu.memory_space<vmem>>, vector<16xf32>,
      %get3A_138 = vector.shape_cast %get3A_137 : vector<16xf32> to vector<16xf32>
      %get3A_139 = arith.constant 144 : index
      %get3A_140 = tpu.vector_load %arg12[%get3A_139] {strides = array<i32>} : memref<576xf32, #tpu.memory_space<vmem>>, vector<16xf32>,
      %get3A_141 = vector.shape_cast %get3A_140 : vector<16xf32> to vector<16xf32>
      %get3A_142 = arith.constant 160 : index
      %get3A_143 = tpu.vector_load %arg12[%get3A_142] {strides = array<i32>} : memref<576xf32, #tpu.memory_space<vmem>>, vector<16xf32>,
      %get3A_144 = vector.shape_cast %get3A_143 : vector<16xf32> to vector<16xf32>
      %get3A_145 = arith.constant 176 : index
      %get3A_146 = tpu.vector_load %arg12[%get3A_145] {strides = array<i32>} : memref<576xf32, #tpu.memory_space<vmem>>, vector<16xf32>,
      %get3A_147 = vector.shape_cast %get3A_146 : vector<16xf32> to vector<16xf32>
      %get3A_148 = arith.constant 192 : index
      %get3A_149 = tpu.vector_load %arg12[%get3A_148] {strides = array<i32>} : memref<576xf32, #tpu.memory_space<vmem>>, vector<16xf32>,
      %get3A_150 = vector.shape_cast %get3A_149 : vector<16xf32> to vector<16xf32>
      %get3A_151 = arith.constant 208 : index
      %get3A_152 = tpu.vector_load %arg12[%get3A_151] {strides = array<i32>} : memref<576xf32, #tpu.memory_space<vmem>>, vector<16xf32>,
      %get3A_153 = vector.shape_cast %get3A_152 : vector<16xf32> to vector<16xf32>
      %get3A_154 = arith.constant 224 : index
      %get3A_155 = tpu.vector_load %arg12[%get3A_154] {strides = array<i32>} : memref<576xf32, #tpu.memory_space<vmem>>, vector<16xf32>,
      %get3A_156 = vector.shape_cast %get3A_155 : vector<16xf32> to vector<16xf32>
      %get3A_157 = arith.constant 240 : index
      %get3A_158 = tpu.vector_load %arg12[%get3A_157] {strides = array<i32>} : memref<576xf32, #tpu.memory_space<vmem>>, vector<16xf32>,
      %get3A_159 = vector.shape_cast %get3A_158 : vector<16xf32> to vector<16xf32>
      %get3A_160 = arith.constant 256 : index
      %get3A_161 = tpu.vector_load %arg12[%get3A_160] {strides = array<i32>} : memref<576xf32, #tpu.memory_space<vmem>>, vector<16xf32>,
      %get3A_162 = vector.shape_cast %get3A_161 : vector<16xf32> to vector<16xf32>
      %get3A_163 = arith.constant 272 : index
      %get3A_164 = tpu.vector_load %arg12[%get3A_163] {strides = array<i32>} : memref<576xf32, #tpu.memory_space<vmem>>, vector<16xf32>,
      %get3A_165 = vector.shape_cast %get3A_164 : vector<16xf32> to vector<16xf32>
      %get3A_166 = arith.constant 288 : index
      %get3A_167 = tpu.vector_load %arg12[%get3A_166] {strides = array<i32>} : memref<576xf32, #tpu.memory_space<vmem>>, vector<16xf32>,
      %get3A_168 = vector.shape_cast %get3A_167 : vector<16xf32> to vector<16xf32>
      %get3A_169 = arith.constant 304 : index
      %get3A_170 = tpu.vector_load %arg12[%get3A_169] {strides = array<i32>} : memref<576xf32, #tpu.memory_space<vmem>>, vector<16xf32>,
      %get3A_171 = vector.shape_cast %get3A_170 : vector<16xf32> to vector<16xf32>
      %get3A_172 = arith.constant 320 : index
      %get3A_173 = tpu.vector_load %arg12[%get3A_172] {strides = array<i32>} : memref<576xf32, #tpu.memory_space<vmem>>, vector<16xf32>,
      %get3A_174 = vector.shape_cast %get3A_173 : vector<16xf32> to vector<16xf32>
      %get3A_175 = arith.constant 336 : index
      %get3A_176 = tpu.vector_load %arg12[%get3A_175] {strides = array<i32>} : memref<576xf32, #tpu.memory_space<vmem>>, vector<16xf32>,
      %get3A_177 = vector.shape_cast %get3A_176 : vector<16xf32> to vector<16xf32>
      %get3A_178 = arith.constant 352 : index
      %get3A_179 = tpu.vector_load %arg12[%get3A_178] {strides = array<i32>} : memref<576xf32, #tpu.memory_space<vmem>>, vector<16xf32>,
      %get3A_180 = vector.shape_cast %get3A_179 : vector<16xf32> to vector<16xf32>
      %get3A_181 = arith.constant 368 : index
      %get3A_182 = tpu.vector_load %arg12[%get3A_181] {strides = array<i32>} : memref<576xf32, #tpu.memory_space<vmem>>, vector<16xf32>,
      %get3A_183 = vector.shape_cast %get3A_182 : vector<16xf32> to vector<16xf32>
      %get3A_184 = arith.constant 384 : index
      %get3A_185 = tpu.vector_load %arg12[%get3A_184] {strides = array<i32>} : memref<576xf32, #tpu.memory_space<vmem>>, vector<16xf32>,
      %get3A_186 = vector.shape_cast %get3A_185 : vector<16xf32> to vector<16xf32>
      %get3A_187 = arith.constant 400 : index
      %get3A_188 = tpu.vector_load %arg12[%get3A_187] {strides = array<i32>} : memref<576xf32, #tpu.memory_space<vmem>>, vector<16xf32>,
      %get3A_189 = vector.shape_cast %get3A_188 : vector<16xf32> to vector<16xf32>
      %get3A_190 = arith.constant 416 : index
      %get3A_191 = tpu.vector_load %arg12[%get3A_190] {strides = array<i32>} : memref<576xf32, #tpu.memory_space<vmem>>, vector<16xf32>,
      %get3A_192 = vector.shape_cast %get3A_191 : vector<16xf32> to vector<16xf32>
      %get3A_193 = arith.constant 432 : index
      %get3A_194 = tpu.vector_load %arg12[%get3A_193] {strides = array<i32>} : memref<576xf32, #tpu.memory_space<vmem>>, vector<16xf32>,
      %get3A_195 = vector.shape_cast %get3A_194 : vector<16xf32> to vector<16xf32>
      %get3A_196 = arith.constant 448 : index
      %get3A_197 = tpu.vector_load %arg12[%get3A_196] {strides = array<i32>} : memref<576xf32, #tpu.memory_space<vmem>>, vector<16xf32>,
      %get3A_198 = vector.shape_cast %get3A_197 : vector<16xf32> to vector<16xf32>
      %get3A_199 = arith.constant 464 : index
      %get3A_200 = tpu.vector_load %arg12[%get3A_199] {strides = array<i32>} : memref<576xf32, #tpu.memory_space<vmem>>, vector<16xf32>,
      %get3A_201 = vector.shape_cast %get3A_200 : vector<16xf32> to vector<16xf32>
      %get3A_202 = arith.constant 480 : index
      %get3A_203 = tpu.vector_load %arg12[%get3A_202] {strides = array<i32>} : memref<576xf32, #tpu.memory_space<vmem>>, vector<16xf32>,
      %get3A_204 = vector.shape_cast %get3A_203 : vector<16xf32> to vector<16xf32>
      %get3A_205 = arith.constant 496 : index
      %get3A_206 = tpu.vector_load %arg12[%get3A_205] {strides = array<i32>} : memref<576xf32, #tpu.memory_space<vmem>>, vector<16xf32>,
      %get3A_207 = vector.shape_cast %get3A_206 : vector<16xf32> to vector<16xf32>
      %get3A_208 = arith.constant 512 : index
      %get3A_209 = tpu.vector_load %arg12[%get3A_208] {strides = array<i32>} : memref<576xf32, #tpu.memory_space<vmem>>, vector<16xf32>,
      %get3A_210 = vector.shape_cast %get3A_209 : vector<16xf32> to vector<16xf32>
      %get3A_211 = arith.constant 528 : index
      %get3A_212 = tpu.vector_load %arg12[%get3A_211] {strides = array<i32>} : memref<576xf32, #tpu.memory_space<vmem>>, vector<16xf32>,
      %get3A_213 = vector.shape_cast %get3A_212 : vector<16xf32> to vector<16xf32>
      %get3A_214 = arith.constant 544 : index
      %get3A_215 = tpu.vector_load %arg12[%get3A_214] {strides = array<i32>} : memref<576xf32, #tpu.memory_space<vmem>>, vector<16xf32>,
      %get3A_216 = vector.shape_cast %get3A_215 : vector<16xf32> to vector<16xf32>
      %get3A_217 = arith.constant 560 : index
      %get3A_218 = tpu.vector_load %arg12[%get3A_217] {strides = array<i32>} : memref<576xf32, #tpu.memory_space<vmem>>, vector<16xf32>,
      %get3A_219 = vector.shape_cast %get3A_218 : vector<16xf32> to vector<16xf32>
      %mul3A_220 = arith.constant 576 : i32
      %mul3A_221 = arith.muli %convert_element_type3A_87, %mul3A_220 : i32
      %add3A_222 = arith.addi %mul3A_84, %mul3A_221 : i32
      %add3A_223 = arith.constant 288 : i32
      %add3A_224 = arith.addi %add3A_222, %add3A_223 : i32
      %multiple_of3A = tpu.assume_multiple %add3A_224, 8 : i32
      %dma_start3A_225 = arith.constant 288 : i32
      %dma_start3A_226 = tpu.memref_slice %arg11[%dma_start3A_225] : memref<576xf32, #tpu.memory_space<vmem>> -> memref<288xf32, #tpu.memory_space<vmem>>
      %dma_start3A_227 = tpu.memref_slice %arg10[%multiple_of3A] : memref<663552xf32, #tpu.memory_space<vmem_shared>> -> memref<288xf32, #tpu.memory_space<vmem_shared>>
      %dma_start3A_228 = arith.constant 288 : i32
      %dma_start3A_229 = tpu.memref_slice %arg11[%dma_start3A_228] : memref<576xf32, #tpu.memory_space<vmem>> -> memref<288xf32, #tpu.memory_space<vmem>>
      %dma_start3A_230 = tpu.memref_slice %arg10[%multiple_of3A] : memref<663552xf32, #tpu.memory_space<vmem_shared>> -> memref<288xf32, #tpu.memory_space<vmem_shared>>
      tpu.enqueue_dma source(%dma_start3A_230 : memref<288xf32, #tpu.memory_space<vmem_shared>>) target(%dma_start3A_229 : memref<288xf32, #tpu.memory_space<vmem>>) target_semaphore(%arg20 : memref<!tpu.dma_semaphore, #tpu.memory_space<semaphore_mem>>)
      %scan3A = arith.constant 1 : i32
      %scan3A_231 = arith.constant 575 : i32
      %scan3A_232 = arith.addi %scan3A, %scan3A_231 : i32
      %scan3A_233 = arith.constant 1 : i32
      %scan3A_234:37 = scf.for %scan3A_244 = %scan3A to %scan3A_232 step %scan3A_233 iter_args(%scan3A_245 = %convert_element_type3A_87, %scan3A_246 = %get3A_114, %scan3A_247 = %get3A_117, %scan3A_248 = %get3A_120, %scan3A_249 = %get3A_123, %scan3A_250 = %get3A_126, %scan3A_251 = %get3A_129, %scan3A_252 = %get3A_132, %scan3A_253 = %get3A_135, %scan3A_254 = %get3A_138, %scan3A_255 = %get3A_141, %scan3A_256 = %get3A_144, %scan3A_257 = %get3A_147, %scan3A_258 = %get3A_150, %scan3A_259 = %get3A_153, %scan3A_260 = %get3A_156, %scan3A_261 = %get3A_159, %scan3A_262 = %get3A_162, %scan3A_263 = %get3A_165, %scan3A_264 = %get3A_168, %scan3A_265 = %get3A_171, %scan3A_266 = %get3A_174, %scan3A_267 = %get3A_177, %scan3A_268 = %get3A_180, %scan3A_269 = %get3A_183, %scan3A_270 = %get3A_186, %scan3A_271 = %get3A_189, %scan3A_272 = %get3A_192, %scan3A_273 = %get3A_195, %scan3A_274 = %get3A_198, %scan3A_275 = %get3A_201, %scan3A_276 = %get3A_204, %scan3A_277 = %get3A_207, %scan3A_278 = %get3A_210, %scan3A_279 = %get3A_213, %scan3A_280 = %get3A_216, %scan3A_281 = %get3A_219) -> (i32, vector<16xf32>, vector<16xf32>, vector<16xf32>, vector<16xf32>, vector<16xf32>, vector<16xf32>, vector<16xf32>, vector<16xf32>, vector<16xf32>, vector<16xf32>, vector<16xf32>, vector<16xf32>, vector<16xf32>, vector<16xf32>, vector<16xf32>, vector<16xf32>, vector<16xf32>, vector<16xf32>, vector<16xf32>, vector<16xf32>, vector<16xf32>, vector<16xf32>, vector<16xf32>, vector<16xf32>, vector<16xf32>, vector<16xf32>, vector<16xf32>, vector<16xf32>, vector<16xf32>, vector<16xf32>, vector<16xf32>, vector<16xf32>, vector<16xf32>, vector<16xf32>, vector<16xf32>, vector<16xf32>)  : i32 {
        %add3A_282 = arith.constant 0.000000e+00 : f32
        %add3A_283 = vector.broadcast %add3A_282 : f32 to vector<16xf32>
        %add3A_284 = arith.addf %convert_element_type3A_88, %add3A_283 : vector<16xf32>
        %add3A_285 = arith.constant 1.600000e+01 : f32
        %add3A_286 = vector.broadcast %add3A_285 : f32 to vector<16xf32>
        %add3A_287 = arith.addf %convert_element_type3A_88, %add3A_286 : vector<16xf32>
        %add3A_288 = arith.constant 3.200000e+01 : f32
        %add3A_289 = vector.broadcast %add3A_288 : f32 to vector<16xf32>
        %add3A_290 = arith.addf %convert_element_type3A_88, %add3A_289 : vector<16xf32>
        %add3A_291 = arith.constant 4.800000e+01 : f32
        %add3A_292 = vector.broadcast %add3A_291 : f32 to vector<16xf32>
        %add3A_293 = arith.addf %convert_element_type3A_88, %add3A_292 : vector<16xf32>
        %add3A_294 = arith.constant 6.400000e+01 : f32
        %add3A_295 = vector.broadcast %add3A_294 : f32 to vector<16xf32>
        %add3A_296 = arith.addf %convert_element_type3A_88, %add3A_295 : vector<16xf32>
        %add3A_297 = arith.constant 8.000000e+01 : f32
        %add3A_298 = vector.broadcast %add3A_297 : f32 to vector<16xf32>
        %add3A_299 = arith.addf %convert_element_type3A_88, %add3A_298 : vector<16xf32>
        %add3A_300 = arith.constant 9.600000e+01 : f32
        %add3A_301 = vector.broadcast %add3A_300 : f32 to vector<16xf32>
        %add3A_302 = arith.addf %convert_element_type3A_88, %add3A_301 : vector<16xf32>
        %add3A_303 = arith.constant 1.120000e+02 : f32
        %add3A_304 = vector.broadcast %add3A_303 : f32 to vector<16xf32>
        %add3A_305 = arith.addf %convert_element_type3A_88, %add3A_304 : vector<16xf32>
        %add3A_306 = arith.constant 1.280000e+02 : f32
        %add3A_307 = vector.broadcast %add3A_306 : f32 to vector<16xf32>
        %add3A_308 = arith.addf %convert_element_type3A_88, %add3A_307 : vector<16xf32>
        %add3A_309 = arith.constant 1.440000e+02 : f32
        %add3A_310 = vector.broadcast %add3A_309 : f32 to vector<16xf32>
        %add3A_311 = arith.addf %convert_element_type3A_88, %add3A_310 : vector<16xf32>
        %add3A_312 = arith.constant 1.600000e+02 : f32
        %add3A_313 = vector.broadcast %add3A_312 : f32 to vector<16xf32>
        %add3A_314 = arith.addf %convert_element_type3A_88, %add3A_313 : vector<16xf32>
        %add3A_315 = arith.constant 1.760000e+02 : f32
        %add3A_316 = vector.broadcast %add3A_315 : f32 to vector<16xf32>
        %add3A_317 = arith.addf %convert_element_type3A_88, %add3A_316 : vector<16xf32>
        %add3A_318 = arith.constant 1.920000e+02 : f32
        %add3A_319 = vector.broadcast %add3A_318 : f32 to vector<16xf32>
        %add3A_320 = arith.addf %convert_element_type3A_88, %add3A_319 : vector<16xf32>
        %add3A_321 = arith.constant 2.080000e+02 : f32
        %add3A_322 = vector.broadcast %add3A_321 : f32 to vector<16xf32>
        %add3A_323 = arith.addf %convert_element_type3A_88, %add3A_322 : vector<16xf32>
        %add3A_324 = arith.constant 2.240000e+02 : f32
        %add3A_325 = vector.broadcast %add3A_324 : f32 to vector<16xf32>
        %add3A_326 = arith.addf %convert_element_type3A_88, %add3A_325 : vector<16xf32>
        %add3A_327 = arith.constant 2.400000e+02 : f32
        %add3A_328 = vector.broadcast %add3A_327 : f32 to vector<16xf32>
        %add3A_329 = arith.addf %convert_element_type3A_88, %add3A_328 : vector<16xf32>
        %add3A_330 = arith.constant 2.560000e+02 : f32
        %add3A_331 = vector.broadcast %add3A_330 : f32 to vector<16xf32>
        %add3A_332 = arith.addf %convert_element_type3A_88, %add3A_331 : vector<16xf32>
        %add3A_333 = arith.constant 2.720000e+02 : f32
        %add3A_334 = vector.broadcast %add3A_333 : f32 to vector<16xf32>
        %add3A_335 = arith.addf %convert_element_type3A_88, %add3A_334 : vector<16xf32>
        %add3A_336 = arith.constant 2.880000e+02 : f32
        %add3A_337 = vector.broadcast %add3A_336 : f32 to vector<16xf32>
        %add3A_338 = arith.addf %convert_element_type3A_88, %add3A_337 : vector<16xf32>
        %add3A_339 = arith.constant 3.040000e+02 : f32
        %add3A_340 = vector.broadcast %add3A_339 : f32 to vector<16xf32>
        %add3A_341 = arith.addf %convert_element_type3A_88, %add3A_340 : vector<16xf32>
        %add3A_342 = arith.constant 3.200000e+02 : f32
        %add3A_343 = vector.broadcast %add3A_342 : f32 to vector<16xf32>
        %add3A_344 = arith.addf %convert_element_type3A_88, %add3A_343 : vector<16xf32>
        %add3A_345 = arith.constant 3.360000e+02 : f32
        %add3A_346 = vector.broadcast %add3A_345 : f32 to vector<16xf32>
        %add3A_347 = arith.addf %convert_element_type3A_88, %add3A_346 : vector<16xf32>
        %add3A_348 = arith.constant 3.520000e+02 : f32
        %add3A_349 = vector.broadcast %add3A_348 : f32 to vector<16xf32>
        %add3A_350 = arith.addf %convert_element_type3A_88, %add3A_349 : vector<16xf32>
        %add3A_351 = arith.constant 3.680000e+02 : f32
        %add3A_352 = vector.broadcast %add3A_351 : f32 to vector<16xf32>
        %add3A_353 = arith.addf %convert_element_type3A_88, %add3A_352 : vector<16xf32>
        %add3A_354 = arith.constant 3.840000e+02 : f32
        %add3A_355 = vector.broadcast %add3A_354 : f32 to vector<16xf32>
        %add3A_356 = arith.addf %convert_element_type3A_88, %add3A_355 : vector<16xf32>
        %add3A_357 = arith.constant 4.000000e+02 : f32
        %add3A_358 = vector.broadcast %add3A_357 : f32 to vector<16xf32>
        %add3A_359 = arith.addf %convert_element_type3A_88, %add3A_358 : vector<16xf32>
        %add3A_360 = arith.constant 4.160000e+02 : f32
        %add3A_361 = vector.broadcast %add3A_360 : f32 to vector<16xf32>
        %add3A_362 = arith.addf %convert_element_type3A_88, %add3A_361 : vector<16xf32>
        %add3A_363 = arith.constant 4.320000e+02 : f32
        %add3A_364 = vector.broadcast %add3A_363 : f32 to vector<16xf32>
        %add3A_365 = arith.addf %convert_element_type3A_88, %add3A_364 : vector<16xf32>
        %add3A_366 = arith.constant 4.480000e+02 : f32
        %add3A_367 = vector.broadcast %add3A_366 : f32 to vector<16xf32>
        %add3A_368 = arith.addf %convert_element_type3A_88, %add3A_367 : vector<16xf32>
        %add3A_369 = arith.constant 4.640000e+02 : f32
        %add3A_370 = vector.broadcast %add3A_369 : f32 to vector<16xf32>
        %add3A_371 = arith.addf %convert_element_type3A_88, %add3A_370 : vector<16xf32>
        %add3A_372 = arith.constant 4.800000e+02 : f32
        %add3A_373 = vector.broadcast %add3A_372 : f32 to vector<16xf32>
        %add3A_374 = arith.addf %convert_element_type3A_88, %add3A_373 : vector<16xf32>
        %add3A_375 = arith.constant 4.960000e+02 : f32
        %add3A_376 = vector.broadcast %add3A_375 : f32 to vector<16xf32>
        %add3A_377 = arith.addf %convert_element_type3A_88, %add3A_376 : vector<16xf32>
        %add3A_378 = arith.constant 5.120000e+02 : f32
        %add3A_379 = vector.broadcast %add3A_378 : f32 to vector<16xf32>
        %add3A_380 = arith.addf %convert_element_type3A_88, %add3A_379 : vector<16xf32>
        %add3A_381 = arith.constant 5.280000e+02 : f32
        %add3A_382 = vector.broadcast %add3A_381 : f32 to vector<16xf32>
        %add3A_383 = arith.addf %convert_element_type3A_88, %add3A_382 : vector<16xf32>
        %add3A_384 = arith.constant 5.440000e+02 : f32
        %add3A_385 = vector.broadcast %add3A_384 : f32 to vector<16xf32>
        %add3A_386 = arith.addf %convert_element_type3A_88, %add3A_385 : vector<16xf32>
        %add3A_387 = arith.constant 5.600000e+02 : f32
        %add3A_388 = vector.broadcast %add3A_387 : f32 to vector<16xf32>
        %add3A_389 = arith.addf %convert_element_type3A_88, %add3A_388 : vector<16xf32>
        %get3A_390 = arith.constant 0 : index
        %get3A_391 = tpu.vector_load %arg11[%get3A_390] {strides = array<i32>} : memref<576xf32, #tpu.memory_space<vmem>>, vector<16xf32>,
        %get3A_392 = vector.shape_cast %get3A_391 : vector<16xf32> to vector<16xf32>
        %add3A_393 = arith.addf %get3A_392, %scan3A_246 : vector<16xf32>
        %get3A_394 = arith.constant 16 : index
        %get3A_395 = tpu.vector_load %arg11[%get3A_394] {strides = array<i32>} : memref<576xf32, #tpu.memory_space<vmem>>, vector<16xf32>,
        %get3A_396 = vector.shape_cast %get3A_395 : vector<16xf32> to vector<16xf32>
        %add3A_397 = arith.addf %get3A_396, %scan3A_247 : vector<16xf32>
        %get3A_398 = arith.constant 32 : index
        %get3A_399 = tpu.vector_load %arg11[%get3A_398] {strides = array<i32>} : memref<576xf32, #tpu.memory_space<vmem>>, vector<16xf32>,
        %get3A_400 = vector.shape_cast %get3A_399 : vector<16xf32> to vector<16xf32>
        %add3A_401 = arith.addf %get3A_400, %scan3A_248 : vector<16xf32>
        %get3A_402 = arith.constant 48 : index
        %get3A_403 = tpu.vector_load %arg11[%get3A_402] {strides = array<i32>} : memref<576xf32, #tpu.memory_space<vmem>>, vector<16xf32>,
        %get3A_404 = vector.shape_cast %get3A_403 : vector<16xf32> to vector<16xf32>
        %add3A_405 = arith.addf %get3A_404, %scan3A_249 : vector<16xf32>
        %get3A_406 = arith.constant 64 : index
        %get3A_407 = tpu.vector_load %arg11[%get3A_406] {strides = array<i32>} : memref<576xf32, #tpu.memory_space<vmem>>, vector<16xf32>,
        %get3A_408 = vector.shape_cast %get3A_407 : vector<16xf32> to vector<16xf32>
        %add3A_409 = arith.addf %get3A_408, %scan3A_250 : vector<16xf32>
        %get3A_410 = arith.constant 80 : index
        %get3A_411 = tpu.vector_load %arg11[%get3A_410] {strides = array<i32>} : memref<576xf32, #tpu.memory_space<vmem>>, vector<16xf32>,
        %get3A_412 = vector.shape_cast %get3A_411 : vector<16xf32> to vector<16xf32>
        %add3A_413 = arith.addf %get3A_412, %scan3A_251 : vector<16xf32>
        %get3A_414 = arith.constant 96 : index
        %get3A_415 = tpu.vector_load %arg11[%get3A_414] {strides = array<i32>} : memref<576xf32, #tpu.memory_space<vmem>>, vector<16xf32>,
        %get3A_416 = vector.shape_cast %get3A_415 : vector<16xf32> to vector<16xf32>
        %add3A_417 = arith.addf %get3A_416, %scan3A_252 : vector<16xf32>
        %get3A_418 = arith.constant 112 : index
        %get3A_419 = tpu.vector_load %arg11[%get3A_418] {strides = array<i32>} : memref<576xf32, #tpu.memory_space<vmem>>, vector<16xf32>,
        %get3A_420 = vector.shape_cast %get3A_419 : vector<16xf32> to vector<16xf32>
        %add3A_421 = arith.addf %get3A_420, %scan3A_253 : vector<16xf32>
        %get3A_422 = arith.constant 128 : index
        %get3A_423 = tpu.vector_load %arg11[%get3A_422] {strides = array<i32>} : memref<576xf32, #tpu.memory_space<vmem>>, vector<16xf32>,
        %get3A_424 = vector.shape_cast %get3A_423 : vector<16xf32> to vector<16xf32>
        %add3A_425 = arith.addf %get3A_424, %scan3A_254 : vector<16xf32>
        %get3A_426 = arith.constant 144 : index
        %get3A_427 = tpu.vector_load %arg11[%get3A_426] {strides = array<i32>} : memref<576xf32, #tpu.memory_space<vmem>>, vector<16xf32>,
        %get3A_428 = vector.shape_cast %get3A_427 : vector<16xf32> to vector<16xf32>
        %add3A_429 = arith.addf %get3A_428, %scan3A_255 : vector<16xf32>
        %get3A_430 = arith.constant 160 : index
        %get3A_431 = tpu.vector_load %arg11[%get3A_430] {strides = array<i32>} : memref<576xf32, #tpu.memory_space<vmem>>, vector<16xf32>,
        %get3A_432 = vector.shape_cast %get3A_431 : vector<16xf32> to vector<16xf32>
        %add3A_433 = arith.addf %get3A_432, %scan3A_256 : vector<16xf32>
        %get3A_434 = arith.constant 176 : index
        %get3A_435 = tpu.vector_load %arg11[%get3A_434] {strides = array<i32>} : memref<576xf32, #tpu.memory_space<vmem>>, vector<16xf32>,
        %get3A_436 = vector.shape_cast %get3A_435 : vector<16xf32> to vector<16xf32>
        %add3A_437 = arith.addf %get3A_436, %scan3A_257 : vector<16xf32>
        %get3A_438 = arith.constant 192 : index
        %get3A_439 = tpu.vector_load %arg11[%get3A_438] {strides = array<i32>} : memref<576xf32, #tpu.memory_space<vmem>>, vector<16xf32>,
        %get3A_440 = vector.shape_cast %get3A_439 : vector<16xf32> to vector<16xf32>
        %add3A_441 = arith.addf %get3A_440, %scan3A_258 : vector<16xf32>
        %get3A_442 = arith.constant 208 : index
        %get3A_443 = tpu.vector_load %arg11[%get3A_442] {strides = array<i32>} : memref<576xf32, #tpu.memory_space<vmem>>, vector<16xf32>,
        %get3A_444 = vector.shape_cast %get3A_443 : vector<16xf32> to vector<16xf32>
        %add3A_445 = arith.addf %get3A_444, %scan3A_259 : vector<16xf32>
        %get3A_446 = arith.constant 224 : index
        %get3A_447 = tpu.vector_load %arg11[%get3A_446] {strides = array<i32>} : memref<576xf32, #tpu.memory_space<vmem>>, vector<16xf32>,
        %get3A_448 = vector.shape_cast %get3A_447 : vector<16xf32> to vector<16xf32>
        %add3A_449 = arith.addf %get3A_448, %scan3A_260 : vector<16xf32>
        %get3A_450 = arith.constant 240 : index
        %get3A_451 = tpu.vector_load %arg11[%get3A_450] {strides = array<i32>} : memref<576xf32, #tpu.memory_space<vmem>>, vector<16xf32>,
        %get3A_452 = vector.shape_cast %get3A_451 : vector<16xf32> to vector<16xf32>
        %add3A_453 = arith.addf %get3A_452, %scan3A_261 : vector<16xf32>
        %get3A_454 = arith.constant 256 : index
        %get3A_455 = tpu.vector_load %arg11[%get3A_454] {strides = array<i32>} : memref<576xf32, #tpu.memory_space<vmem>>, vector<16xf32>,
        %get3A_456 = vector.shape_cast %get3A_455 : vector<16xf32> to vector<16xf32>
        %add3A_457 = arith.addf %get3A_456, %scan3A_262 : vector<16xf32>
        %get3A_458 = arith.constant 272 : index
        %get3A_459 = tpu.vector_load %arg11[%get3A_458] {strides = array<i32>} : memref<576xf32, #tpu.memory_space<vmem>>, vector<16xf32>,
        %get3A_460 = vector.shape_cast %get3A_459 : vector<16xf32> to vector<16xf32>
        %add3A_461 = arith.addf %get3A_460, %scan3A_263 : vector<16xf32>
        %gt3A = arith.cmpf ogt, %add3A_397, %add3A_393 : vector<16xf32>
        %select_n3A_462 = arith.select %gt3A, %add3A_397, %add3A_393 : vector<16xi1>, vector<16xf32>
        %select_n3A_463 = arith.select %gt3A, %add3A_287, %add3A_284 : vector<16xi1>, vector<16xf32>
        %gt3A_464 = arith.cmpf ogt, %add3A_405, %add3A_401 : vector<16xf32>
        %select_n3A_465 = arith.select %gt3A_464, %add3A_405, %add3A_401 : vector<16xi1>, vector<16xf32>
        %select_n3A_466 = arith.select %gt3A_464, %add3A_293, %add3A_290 : vector<16xi1>, vector<16xf32>
        %gt3A_467 = arith.cmpf ogt, %add3A_413, %add3A_409 : vector<16xf32>
        %select_n3A_468 = arith.select %gt3A_467, %add3A_413, %add3A_409 : vector<16xi1>, vector<16xf32>
        %select_n3A_469 = arith.select %gt3A_467, %add3A_299, %add3A_296 : vector<16xi1>, vector<16xf32>
        %gt3A_470 = arith.cmpf ogt, %add3A_421, %add3A_417 : vector<16xf32>
        %select_n3A_471 = arith.select %gt3A_470, %add3A_421, %add3A_417 : vector<16xi1>, vector<16xf32>
        %select_n3A_472 = arith.select %gt3A_470, %add3A_305, %add3A_302 : vector<16xi1>, vector<16xf32>
        %gt3A_473 = arith.cmpf ogt, %add3A_429, %add3A_425 : vector<16xf32>
        %select_n3A_474 = arith.select %gt3A_473, %add3A_429, %add3A_425 : vector<16xi1>, vector<16xf32>
        %select_n3A_475 = arith.select %gt3A_473, %add3A_311, %add3A_308 : vector<16xi1>, vector<16xf32>
        %gt3A_476 = arith.cmpf ogt, %add3A_437, %add3A_433 : vector<16xf32>
        %select_n3A_477 = arith.select %gt3A_476, %add3A_437, %add3A_433 : vector<16xi1>, vector<16xf32>
        %select_n3A_478 = arith.select %gt3A_476, %add3A_317, %add3A_314 : vector<16xi1>, vector<16xf32>
        %gt3A_479 = arith.cmpf ogt, %add3A_445, %add3A_441 : vector<16xf32>
        %select_n3A_480 = arith.select %gt3A_479, %add3A_445, %add3A_441 : vector<16xi1>, vector<16xf32>
        %select_n3A_481 = arith.select %gt3A_479, %add3A_323, %add3A_320 : vector<16xi1>, vector<16xf32>
        %gt3A_482 = arith.cmpf ogt, %add3A_453, %add3A_449 : vector<16xf32>
        %select_n3A_483 = arith.select %gt3A_482, %add3A_453, %add3A_449 : vector<16xi1>, vector<16xf32>
        %select_n3A_484 = arith.select %gt3A_482, %add3A_329, %add3A_326 : vector<16xi1>, vector<16xf32>
        %gt3A_485 = arith.cmpf ogt, %add3A_461, %add3A_457 : vector<16xf32>
        %select_n3A_486 = arith.select %gt3A_485, %add3A_461, %add3A_457 : vector<16xi1>, vector<16xf32>
        %select_n3A_487 = arith.select %gt3A_485, %add3A_335, %add3A_332 : vector<16xi1>, vector<16xf32>
        %gt3A_488 = arith.cmpf ogt, %select_n3A_465, %select_n3A_462 : vector<16xf32>
        %select_n3A_489 = arith.select %gt3A_488, %select_n3A_465, %select_n3A_462 : vector<16xi1>, vector<16xf32>
        %select_n3A_490 = arith.select %gt3A_488, %select_n3A_466, %select_n3A_463 : vector<16xi1>, vector<16xf32>
        %gt3A_491 = arith.cmpf ogt, %select_n3A_471, %select_n3A_468 : vector<16xf32>
        %select_n3A_492 = arith.select %gt3A_491, %select_n3A_471, %select_n3A_468 : vector<16xi1>, vector<16xf32>
        %select_n3A_493 = arith.select %gt3A_491, %select_n3A_472, %select_n3A_469 : vector<16xi1>, vector<16xf32>
        %gt3A_494 = arith.cmpf ogt, %select_n3A_477, %select_n3A_474 : vector<16xf32>
        %select_n3A_495 = arith.select %gt3A_494, %select_n3A_477, %select_n3A_474 : vector<16xi1>, vector<16xf32>
        %select_n3A_496 = arith.select %gt3A_494, %select_n3A_478, %select_n3A_475 : vector<16xi1>, vector<16xf32>
        %gt3A_497 = arith.cmpf ogt, %select_n3A_483, %select_n3A_480 : vector<16xf32>
        %select_n3A_498 = arith.select %gt3A_497, %select_n3A_483, %select_n3A_480 : vector<16xi1>, vector<16xf32>
        %select_n3A_499 = arith.select %gt3A_497, %select_n3A_484, %select_n3A_481 : vector<16xi1>, vector<16xf32>
        %gt3A_500 = arith.cmpf ogt, %select_n3A_492, %select_n3A_489 : vector<16xf32>
        %select_n3A_501 = arith.select %gt3A_500, %select_n3A_492, %select_n3A_489 : vector<16xi1>, vector<16xf32>
        %select_n3A_502 = arith.select %gt3A_500, %select_n3A_493, %select_n3A_490 : vector<16xi1>, vector<16xf32>
        %gt3A_503 = arith.cmpf ogt, %select_n3A_498, %select_n3A_495 : vector<16xf32>
        %select_n3A_504 = arith.select %gt3A_503, %select_n3A_498, %select_n3A_495 : vector<16xi1>, vector<16xf32>
        %select_n3A_505 = arith.select %gt3A_503, %select_n3A_499, %select_n3A_496 : vector<16xi1>, vector<16xf32>
        %gt3A_506 = arith.cmpf ogt, %select_n3A_504, %select_n3A_501 : vector<16xf32>
        %select_n3A_507 = arith.select %gt3A_506, %select_n3A_504, %select_n3A_501 : vector<16xi1>, vector<16xf32>
        %select_n3A_508 = arith.select %gt3A_506, %select_n3A_505, %select_n3A_502 : vector<16xi1>, vector<16xf32>
        %gt3A_509 = arith.cmpf ogt, %select_n3A_486, %select_n3A_507 : vector<16xf32>
        %select_n3A_510 = arith.select %gt3A_509, %select_n3A_486, %select_n3A_507 : vector<16xi1>, vector<16xf32>
        %select_n3A_511 = arith.select %gt3A_509, %select_n3A_487, %select_n3A_508 : vector<16xi1>, vector<16xf32>
        %dma_wait3A_512 = arith.constant 288 : i32
        %dma_wait3A_513 = tpu.memref_slice %arg11[%dma_wait3A_512] : memref<576xf32, #tpu.memory_space<vmem>> -> memref<288xf32, #tpu.memory_space<vmem>>
        %dma_wait3A_514 = arith.constant 0 : i32
        %dma_wait3A_515 = tpu.memref_slice %arg4[%dma_wait3A_514] : memref<2304xf32, #tpu.memory_space<hbm>> -> memref<288xf32, #tpu.memory_space<hbm>>
        %dma_wait3A_516 = arith.constant 288 : i32
        %dma_wait3A_517 = tpu.memref_slice %arg11[%dma_wait3A_516] : memref<576xf32, #tpu.memory_space<vmem>> -> memref<288xf32, #tpu.memory_space<vmem>>
        %dma_wait3A_518 = arith.constant 0 : i32
        %dma_wait3A_519 = tpu.memref_slice %arg4[%dma_wait3A_518] : memref<2304xf32, #tpu.memory_space<hbm>> -> memref<288xf32, #tpu.memory_space<hbm>>
        tpu.wait_dma2 semaphore(%arg20 : memref<!tpu.dma_semaphore, #tpu.memory_space<semaphore_mem>>) src(%dma_wait3A_519 : memref<288xf32, #tpu.memory_space<hbm>>) dst(%dma_wait3A_517 : memref<288xf32, #tpu.memory_space<vmem>>)
        %get3A_520 = arith.constant 288 : index
        %get3A_521 = tpu.vector_load %arg11[%get3A_520] {strides = array<i32>} : memref<576xf32, #tpu.memory_space<vmem>>, vector<16xf32>,
        %get3A_522 = vector.shape_cast %get3A_521 : vector<16xf32> to vector<16xf32>
        %add3A_523 = arith.addf %get3A_522, %scan3A_264 : vector<16xf32>
        %get3A_524 = arith.constant 304 : index
        %get3A_525 = tpu.vector_load %arg11[%get3A_524] {strides = array<i32>} : memref<576xf32, #tpu.memory_space<vmem>>, vector<16xf32>,
        %get3A_526 = vector.shape_cast %get3A_525 : vector<16xf32> to vector<16xf32>
        %add3A_527 = arith.addf %get3A_526, %scan3A_265 : vector<16xf32>
        %get3A_528 = arith.constant 320 : index
        %get3A_529 = tpu.vector_load %arg11[%get3A_528] {strides = array<i32>} : memref<576xf32, #tpu.memory_space<vmem>>, vector<16xf32>,
        %get3A_530 = vector.shape_cast %get3A_529 : vector<16xf32> to vector<16xf32>
        %add3A_531 = arith.addf %get3A_530, %scan3A_266 : vector<16xf32>
        %get3A_532 = arith.constant 336 : index
        %get3A_533 = tpu.vector_load %arg11[%get3A_532] {strides = array<i32>} : memref<576xf32, #tpu.memory_space<vmem>>, vector<16xf32>,
        %get3A_534 = vector.shape_cast %get3A_533 : vector<16xf32> to vector<16xf32>
        %add3A_535 = arith.addf %get3A_534, %scan3A_267 : vector<16xf32>
        %get3A_536 = arith.constant 352 : index
        %get3A_537 = tpu.vector_load %arg11[%get3A_536] {strides = array<i32>} : memref<576xf32, #tpu.memory_space<vmem>>, vector<16xf32>,
        %get3A_538 = vector.shape_cast %get3A_537 : vector<16xf32> to vector<16xf32>
        %add3A_539 = arith.addf %get3A_538, %scan3A_268 : vector<16xf32>
        %get3A_540 = arith.constant 368 : index
        %get3A_541 = tpu.vector_load %arg11[%get3A_540] {strides = array<i32>} : memref<576xf32, #tpu.memory_space<vmem>>, vector<16xf32>,
        %get3A_542 = vector.shape_cast %get3A_541 : vector<16xf32> to vector<16xf32>
        %add3A_543 = arith.addf %get3A_542, %scan3A_269 : vector<16xf32>
        %get3A_544 = arith.constant 384 : index
        %get3A_545 = tpu.vector_load %arg11[%get3A_544] {strides = array<i32>} : memref<576xf32, #tpu.memory_space<vmem>>, vector<16xf32>,
        %get3A_546 = vector.shape_cast %get3A_545 : vector<16xf32> to vector<16xf32>
        %add3A_547 = arith.addf %get3A_546, %scan3A_270 : vector<16xf32>
        %get3A_548 = arith.constant 400 : index
        %get3A_549 = tpu.vector_load %arg11[%get3A_548] {strides = array<i32>} : memref<576xf32, #tpu.memory_space<vmem>>, vector<16xf32>,
        %get3A_550 = vector.shape_cast %get3A_549 : vector<16xf32> to vector<16xf32>
        %add3A_551 = arith.addf %get3A_550, %scan3A_271 : vector<16xf32>
        %get3A_552 = arith.constant 416 : index
        %get3A_553 = tpu.vector_load %arg11[%get3A_552] {strides = array<i32>} : memref<576xf32, #tpu.memory_space<vmem>>, vector<16xf32>,
        %get3A_554 = vector.shape_cast %get3A_553 : vector<16xf32> to vector<16xf32>
        %add3A_555 = arith.addf %get3A_554, %scan3A_272 : vector<16xf32>
        %get3A_556 = arith.constant 432 : index
        %get3A_557 = tpu.vector_load %arg11[%get3A_556] {strides = array<i32>} : memref<576xf32, #tpu.memory_space<vmem>>, vector<16xf32>,
        %get3A_558 = vector.shape_cast %get3A_557 : vector<16xf32> to vector<16xf32>
        %add3A_559 = arith.addf %get3A_558, %scan3A_273 : vector<16xf32>
        %get3A_560 = arith.constant 448 : index
        %get3A_561 = tpu.vector_load %arg11[%get3A_560] {strides = array<i32>} : memref<576xf32, #tpu.memory_space<vmem>>, vector<16xf32>,
        %get3A_562 = vector.shape_cast %get3A_561 : vector<16xf32> to vector<16xf32>
        %add3A_563 = arith.addf %get3A_562, %scan3A_274 : vector<16xf32>
        %get3A_564 = arith.constant 464 : index
        %get3A_565 = tpu.vector_load %arg11[%get3A_564] {strides = array<i32>} : memref<576xf32, #tpu.memory_space<vmem>>, vector<16xf32>,
        %get3A_566 = vector.shape_cast %get3A_565 : vector<16xf32> to vector<16xf32>
        %add3A_567 = arith.addf %get3A_566, %scan3A_275 : vector<16xf32>
        %get3A_568 = arith.constant 480 : index
        %get3A_569 = tpu.vector_load %arg11[%get3A_568] {strides = array<i32>} : memref<576xf32, #tpu.memory_space<vmem>>, vector<16xf32>,
        %get3A_570 = vector.shape_cast %get3A_569 : vector<16xf32> to vector<16xf32>
        %add3A_571 = arith.addf %get3A_570, %scan3A_276 : vector<16xf32>
        %get3A_572 = arith.constant 496 : index
        %get3A_573 = tpu.vector_load %arg11[%get3A_572] {strides = array<i32>} : memref<576xf32, #tpu.memory_space<vmem>>, vector<16xf32>,
        %get3A_574 = vector.shape_cast %get3A_573 : vector<16xf32> to vector<16xf32>
        %add3A_575 = arith.addf %get3A_574, %scan3A_277 : vector<16xf32>
        %get3A_576 = arith.constant 512 : index
        %get3A_577 = tpu.vector_load %arg11[%get3A_576] {strides = array<i32>} : memref<576xf32, #tpu.memory_space<vmem>>, vector<16xf32>,
        %get3A_578 = vector.shape_cast %get3A_577 : vector<16xf32> to vector<16xf32>
        %add3A_579 = arith.addf %get3A_578, %scan3A_278 : vector<16xf32>
        %get3A_580 = arith.constant 528 : index
        %get3A_581 = tpu.vector_load %arg11[%get3A_580] {strides = array<i32>} : memref<576xf32, #tpu.memory_space<vmem>>, vector<16xf32>,
        %get3A_582 = vector.shape_cast %get3A_581 : vector<16xf32> to vector<16xf32>
        %add3A_583 = arith.addf %get3A_582, %scan3A_279 : vector<16xf32>
        %get3A_584 = arith.constant 544 : index
        %get3A_585 = tpu.vector_load %arg11[%get3A_584] {strides = array<i32>} : memref<576xf32, #tpu.memory_space<vmem>>, vector<16xf32>,
        %get3A_586 = vector.shape_cast %get3A_585 : vector<16xf32> to vector<16xf32>
        %add3A_587 = arith.addf %get3A_586, %scan3A_280 : vector<16xf32>
        %get3A_588 = arith.constant 560 : index
        %get3A_589 = tpu.vector_load %arg11[%get3A_588] {strides = array<i32>} : memref<576xf32, #tpu.memory_space<vmem>>, vector<16xf32>,
        %get3A_590 = vector.shape_cast %get3A_589 : vector<16xf32> to vector<16xf32>
        %add3A_591 = arith.addf %get3A_590, %scan3A_281 : vector<16xf32>
        %gt3A_592 = arith.cmpf ogt, %add3A_527, %add3A_523 : vector<16xf32>
        %select_n3A_593 = arith.select %gt3A_592, %add3A_527, %add3A_523 : vector<16xi1>, vector<16xf32>
        %select_n3A_594 = arith.select %gt3A_592, %add3A_341, %add3A_338 : vector<16xi1>, vector<16xf32>
        %gt3A_595 = arith.cmpf ogt, %add3A_535, %add3A_531 : vector<16xf32>
        %select_n3A_596 = arith.select %gt3A_595, %add3A_535, %add3A_531 : vector<16xi1>, vector<16xf32>
        %select_n3A_597 = arith.select %gt3A_595, %add3A_347, %add3A_344 : vector<16xi1>, vector<16xf32>
        %gt3A_598 = arith.cmpf ogt, %add3A_543, %add3A_539 : vector<16xf32>
        %select_n3A_599 = arith.select %gt3A_598, %add3A_543, %add3A_539 : vector<16xi1>, vector<16xf32>
        %select_n3A_600 = arith.select %gt3A_598, %add3A_353, %add3A_350 : vector<16xi1>, vector<16xf32>
        %gt3A_601 = arith.cmpf ogt, %add3A_551, %add3A_547 : vector<16xf32>
        %select_n3A_602 = arith.select %gt3A_601, %add3A_551, %add3A_547 : vector<16xi1>, vector<16xf32>
        %select_n3A_603 = arith.select %gt3A_601, %add3A_359, %add3A_356 : vector<16xi1>, vector<16xf32>
        %gt3A_604 = arith.cmpf ogt, %add3A_559, %add3A_555 : vector<16xf32>
        %select_n3A_605 = arith.select %gt3A_604, %add3A_559, %add3A_555 : vector<16xi1>, vector<16xf32>
        %select_n3A_606 = arith.select %gt3A_604, %add3A_365, %add3A_362 : vector<16xi1>, vector<16xf32>
        %gt3A_607 = arith.cmpf ogt, %add3A_567, %add3A_563 : vector<16xf32>
        %select_n3A_608 = arith.select %gt3A_607, %add3A_567, %add3A_563 : vector<16xi1>, vector<16xf32>
        %select_n3A_609 = arith.select %gt3A_607, %add3A_371, %add3A_368 : vector<16xi1>, vector<16xf32>
        %gt3A_610 = arith.cmpf ogt, %add3A_575, %add3A_571 : vector<16xf32>
        %select_n3A_611 = arith.select %gt3A_610, %add3A_575, %add3A_571 : vector<16xi1>, vector<16xf32>
        %select_n3A_612 = arith.select %gt3A_610, %add3A_377, %add3A_374 : vector<16xi1>, vector<16xf32>
        %gt3A_613 = arith.cmpf ogt, %add3A_583, %add3A_579 : vector<16xf32>
        %select_n3A_614 = arith.select %gt3A_613, %add3A_583, %add3A_579 : vector<16xi1>, vector<16xf32>
        %select_n3A_615 = arith.select %gt3A_613, %add3A_383, %add3A_380 : vector<16xi1>, vector<16xf32>
        %gt3A_616 = arith.cmpf ogt, %add3A_591, %add3A_587 : vector<16xf32>
        %select_n3A_617 = arith.select %gt3A_616, %add3A_591, %add3A_587 : vector<16xi1>, vector<16xf32>
        %select_n3A_618 = arith.select %gt3A_616, %add3A_389, %add3A_386 : vector<16xi1>, vector<16xf32>
        %gt3A_619 = arith.cmpf ogt, %select_n3A_596, %select_n3A_593 : vector<16xf32>
        %select_n3A_620 = arith.select %gt3A_619, %select_n3A_596, %select_n3A_593 : vector<16xi1>, vector<16xf32>
        %select_n3A_621 = arith.select %gt3A_619, %select_n3A_597, %select_n3A_594 : vector<16xi1>, vector<16xf32>
        %gt3A_622 = arith.cmpf ogt, %select_n3A_602, %select_n3A_599 : vector<16xf32>
        %select_n3A_623 = arith.select %gt3A_622, %select_n3A_602, %select_n3A_599 : vector<16xi1>, vector<16xf32>
        %select_n3A_624 = arith.select %gt3A_622, %select_n3A_603, %select_n3A_600 : vector<16xi1>, vector<16xf32>
        %gt3A_625 = arith.cmpf ogt, %select_n3A_608, %select_n3A_605 : vector<16xf32>
        %select_n3A_626 = arith.select %gt3A_625, %select_n3A_608, %select_n3A_605 : vector<16xi1>, vector<16xf32>
        %select_n3A_627 = arith.select %gt3A_625, %select_n3A_609, %select_n3A_606 : vector<16xi1>, vector<16xf32>
        %gt3A_628 = arith.cmpf ogt, %select_n3A_614, %select_n3A_611 : vector<16xf32>
        %select_n3A_629 = arith.select %gt3A_628, %select_n3A_614, %select_n3A_611 : vector<16xi1>, vector<16xf32>
        %select_n3A_630 = arith.select %gt3A_628, %select_n3A_615, %select_n3A_612 : vector<16xi1>, vector<16xf32>
        %gt3A_631 = arith.cmpf ogt, %select_n3A_623, %select_n3A_620 : vector<16xf32>
        %select_n3A_632 = arith.select %gt3A_631, %select_n3A_623, %select_n3A_620 : vector<16xi1>, vector<16xf32>
        %select_n3A_633 = arith.select %gt3A_631, %select_n3A_624, %select_n3A_621 : vector<16xi1>, vector<16xf32>
        %gt3A_634 = arith.cmpf ogt, %select_n3A_629, %select_n3A_626 : vector<16xf32>
        %select_n3A_635 = arith.select %gt3A_634, %select_n3A_629, %select_n3A_626 : vector<16xi1>, vector<16xf32>
        %select_n3A_636 = arith.select %gt3A_634, %select_n3A_630, %select_n3A_627 : vector<16xi1>, vector<16xf32>
        %gt3A_637 = arith.cmpf ogt, %select_n3A_635, %select_n3A_632 : vector<16xf32>
        %select_n3A_638 = arith.select %gt3A_637, %select_n3A_635, %select_n3A_632 : vector<16xi1>, vector<16xf32>
        %select_n3A_639 = arith.select %gt3A_637, %select_n3A_636, %select_n3A_633 : vector<16xi1>, vector<16xf32>
        %gt3A_640 = arith.cmpf ogt, %select_n3A_617, %select_n3A_638 : vector<16xf32>
        %select_n3A_641 = arith.select %gt3A_640, %select_n3A_617, %select_n3A_638 : vector<16xi1>, vector<16xf32>
        %select_n3A_642 = arith.select %gt3A_640, %select_n3A_618, %select_n3A_639 : vector<16xi1>, vector<16xf32>
        %gt3A_643 = arith.cmpf ogt, %select_n3A_641, %select_n3A_510 : vector<16xf32>
        %select_n3A_644 = arith.select %gt3A_643, %select_n3A_641, %select_n3A_510 : vector<16xi1>, vector<16xf32>
        %select_n3A_645 = arith.select %gt3A_643, %select_n3A_642, %select_n3A_511 : vector<16xi1>, vector<16xf32>
        %xor3A = arith.constant 8 : i32
        %xor3A_646 = vector.broadcast %xor3A : i32 to vector<16xi32>
        %xor3A_647 = arith.xori %iota3A, %xor3A_646 : vector<16xi32>
        %lt3A_648 = arith.constant 0 : i32
        %lt3A_649 = vector.broadcast %lt3A_648 : i32 to vector<16xi32>
        %lt3A_650 = arith.cmpi slt, %xor3A_647, %lt3A_649 : vector<16xi32>
        %add3A_651 = arith.constant 16 : i32
        %add3A_652 = vector.broadcast %add3A_651 : i32 to vector<16xi32>
        %add3A_653 = arith.addi %xor3A_647, %add3A_652 : vector<16xi32>
        %select_n3A_654 = arith.select %lt3A_650, %add3A_653, %xor3A_647 : vector<16xi1>, vector<16xi32>
        %broadcast_in_dim3A_655 = vector.shape_cast %select_n3A_654 : vector<16xi32> to vector<16x1xi32>
        %gather3A = vector.shape_cast %broadcast_in_dim3A_655 : vector<16x1xi32> to vector<16xi32>
        %gather3A_656 = tpu.dynamic_gather %select_n3A_644[%gather3A] in [0] : vector<16xf32>, vector<16xi32> -> vector<16xf32>
        %lt3A_657 = arith.constant 0 : i32
        %lt3A_658 = vector.broadcast %lt3A_657 : i32 to vector<16xi32>
        %lt3A_659 = arith.cmpi slt, %xor3A_647, %lt3A_658 : vector<16xi32>
        %add3A_660 = arith.constant 16 : i32
        %add3A_661 = vector.broadcast %add3A_660 : i32 to vector<16xi32>
        %add3A_662 = arith.addi %xor3A_647, %add3A_661 : vector<16xi32>
        %select_n3A_663 = arith.select %lt3A_659, %add3A_662, %xor3A_647 : vector<16xi1>, vector<16xi32>
        %broadcast_in_dim3A_664 = vector.shape_cast %select_n3A_663 : vector<16xi32> to vector<16x1xi32>
        %gather3A_665 = vector.shape_cast %broadcast_in_dim3A_664 : vector<16x1xi32> to vector<16xi32>
        %gather3A_666 = tpu.dynamic_gather %select_n3A_645[%gather3A_665] in [0] : vector<16xf32>, vector<16xi32> -> vector<16xf32>
        %gt3A_667 = arith.cmpf ogt, %gather3A_656, %select_n3A_644 : vector<16xf32>
        %eq3A_668 = arith.cmpf oeq, %gather3A_656, %select_n3A_644 : vector<16xf32>
        %lt3A_669 = arith.cmpf olt, %gather3A_666, %select_n3A_645 : vector<16xf32>
        %and3A_670 = arith.andi %eq3A_668, %lt3A_669 : vector<16xi1>
        %or3A = arith.ori %gt3A_667, %and3A_670 : vector<16xi1>
        %select_n3A_671 = arith.select %or3A, %gather3A_656, %select_n3A_644 : vector<16xi1>, vector<16xf32>
        %select_n3A_672 = arith.select %or3A, %gather3A_666, %select_n3A_645 : vector<16xi1>, vector<16xf32>
        %xor3A_673 = arith.constant 4 : i32
        %xor3A_674 = vector.broadcast %xor3A_673 : i32 to vector<16xi32>
        %xor3A_675 = arith.xori %iota3A, %xor3A_674 : vector<16xi32>
        %lt3A_676 = arith.constant 0 : i32
        %lt3A_677 = vector.broadcast %lt3A_676 : i32 to vector<16xi32>
        %lt3A_678 = arith.cmpi slt, %xor3A_675, %lt3A_677 : vector<16xi32>
        %add3A_679 = arith.constant 16 : i32
        %add3A_680 = vector.broadcast %add3A_679 : i32 to vector<16xi32>
        %add3A_681 = arith.addi %xor3A_675, %add3A_680 : vector<16xi32>
        %select_n3A_682 = arith.select %lt3A_678, %add3A_681, %xor3A_675 : vector<16xi1>, vector<16xi32>
        %broadcast_in_dim3A_683 = vector.shape_cast %select_n3A_682 : vector<16xi32> to vector<16x1xi32>
        %gather3A_684 = vector.shape_cast %broadcast_in_dim3A_683 : vector<16x1xi32> to vector<16xi32>
        %gather3A_685 = tpu.dynamic_gather %select_n3A_671[%gather3A_684] in [0] : vector<16xf32>, vector<16xi32> -> vector<16xf32>
        %lt3A_686 = arith.constant 0 : i32
        %lt3A_687 = vector.broadcast %lt3A_686 : i32 to vector<16xi32>
        %lt3A_688 = arith.cmpi slt, %xor3A_675, %lt3A_687 : vector<16xi32>
        %add3A_689 = arith.constant 16 : i32
        %add3A_690 = vector.broadcast %add3A_689 : i32 to vector<16xi32>
        %add3A_691 = arith.addi %xor3A_675, %add3A_690 : vector<16xi32>
        %select_n3A_692 = arith.select %lt3A_688, %add3A_691, %xor3A_675 : vector<16xi1>, vector<16xi32>
        %broadcast_in_dim3A_693 = vector.shape_cast %select_n3A_692 : vector<16xi32> to vector<16x1xi32>
        %gather3A_694 = vector.shape_cast %broadcast_in_dim3A_693 : vector<16x1xi32> to vector<16xi32>
        %gather3A_695 = tpu.dynamic_gather %select_n3A_672[%gather3A_694] in [0] : vector<16xf32>, vector<16xi32> -> vector<16xf32>
        %gt3A_696 = arith.cmpf ogt, %gather3A_685, %select_n3A_671 : vector<16xf32>
        %eq3A_697 = arith.cmpf oeq, %gather3A_685, %select_n3A_671 : vector<16xf32>
        %lt3A_698 = arith.cmpf olt, %gather3A_695, %select_n3A_672 : vector<16xf32>
        %and3A_699 = arith.andi %eq3A_697, %lt3A_698 : vector<16xi1>
        %or3A_700 = arith.ori %gt3A_696, %and3A_699 : vector<16xi1>
        %select_n3A_701 = arith.select %or3A_700, %gather3A_685, %select_n3A_671 : vector<16xi1>, vector<16xf32>
        %select_n3A_702 = arith.select %or3A_700, %gather3A_695, %select_n3A_672 : vector<16xi1>, vector<16xf32>
        %xor3A_703 = arith.constant 2 : i32
        %xor3A_704 = vector.broadcast %xor3A_703 : i32 to vector<16xi32>
        %xor3A_705 = arith.xori %iota3A, %xor3A_704 : vector<16xi32>
        %lt3A_706 = arith.constant 0 : i32
        %lt3A_707 = vector.broadcast %lt3A_706 : i32 to vector<16xi32>
        %lt3A_708 = arith.cmpi slt, %xor3A_705, %lt3A_707 : vector<16xi32>
        %add3A_709 = arith.constant 16 : i32
        %add3A_710 = vector.broadcast %add3A_709 : i32 to vector<16xi32>
        %add3A_711 = arith.addi %xor3A_705, %add3A_710 : vector<16xi32>
        %select_n3A_712 = arith.select %lt3A_708, %add3A_711, %xor3A_705 : vector<16xi1>, vector<16xi32>
        %broadcast_in_dim3A_713 = vector.shape_cast %select_n3A_712 : vector<16xi32> to vector<16x1xi32>
        %gather3A_714 = vector.shape_cast %broadcast_in_dim3A_713 : vector<16x1xi32> to vector<16xi32>
        %gather3A_715 = tpu.dynamic_gather %select_n3A_701[%gather3A_714] in [0] : vector<16xf32>, vector<16xi32> -> vector<16xf32>
        %lt3A_716 = arith.constant 0 : i32
        %lt3A_717 = vector.broadcast %lt3A_716 : i32 to vector<16xi32>
        %lt3A_718 = arith.cmpi slt, %xor3A_705, %lt3A_717 : vector<16xi32>
        %add3A_719 = arith.constant 16 : i32
        %add3A_720 = vector.broadcast %add3A_719 : i32 to vector<16xi32>
        %add3A_721 = arith.addi %xor3A_705, %add3A_720 : vector<16xi32>
        %select_n3A_722 = arith.select %lt3A_718, %add3A_721, %xor3A_705 : vector<16xi1>, vector<16xi32>
        %broadcast_in_dim3A_723 = vector.shape_cast %select_n3A_722 : vector<16xi32> to vector<16x1xi32>
        %gather3A_724 = vector.shape_cast %broadcast_in_dim3A_723 : vector<16x1xi32> to vector<16xi32>
        %gather3A_725 = tpu.dynamic_gather %select_n3A_702[%gather3A_724] in [0] : vector<16xf32>, vector<16xi32> -> vector<16xf32>
        %gt3A_726 = arith.cmpf ogt, %gather3A_715, %select_n3A_701 : vector<16xf32>
        %eq3A_727 = arith.cmpf oeq, %gather3A_715, %select_n3A_701 : vector<16xf32>
        %lt3A_728 = arith.cmpf olt, %gather3A_725, %select_n3A_702 : vector<16xf32>
        %and3A_729 = arith.andi %eq3A_727, %lt3A_728 : vector<16xi1>
        %or3A_730 = arith.ori %gt3A_726, %and3A_729 : vector<16xi1>
        %select_n3A_731 = arith.select %or3A_730, %gather3A_715, %select_n3A_701 : vector<16xi1>, vector<16xf32>
        %select_n3A_732 = arith.select %or3A_730, %gather3A_725, %select_n3A_702 : vector<16xi1>, vector<16xf32>
        %xor3A_733 = arith.constant 1 : i32
        %xor3A_734 = vector.broadcast %xor3A_733 : i32 to vector<16xi32>
        %xor3A_735 = arith.xori %iota3A, %xor3A_734 : vector<16xi32>
        %lt3A_736 = arith.constant 0 : i32
        %lt3A_737 = vector.broadcast %lt3A_736 : i32 to vector<16xi32>
        %lt3A_738 = arith.cmpi slt, %xor3A_735, %lt3A_737 : vector<16xi32>
        %add3A_739 = arith.constant 16 : i32
        %add3A_740 = vector.broadcast %add3A_739 : i32 to vector<16xi32>
        %add3A_741 = arith.addi %xor3A_735, %add3A_740 : vector<16xi32>
        %select_n3A_742 = arith.select %lt3A_738, %add3A_741, %xor3A_735 : vector<16xi1>, vector<16xi32>
        %broadcast_in_dim3A_743 = vector.shape_cast %select_n3A_742 : vector<16xi32> to vector<16x1xi32>
        %gather3A_744 = vector.shape_cast %broadcast_in_dim3A_743 : vector<16x1xi32> to vector<16xi32>
        %gather3A_745 = tpu.dynamic_gather %select_n3A_731[%gather3A_744] in [0] : vector<16xf32>, vector<16xi32> -> vector<16xf32>
        %lt3A_746 = arith.constant 0 : i32
        %lt3A_747 = vector.broadcast %lt3A_746 : i32 to vector<16xi32>
        %lt3A_748 = arith.cmpi slt, %xor3A_735, %lt3A_747 : vector<16xi32>
        %add3A_749 = arith.constant 16 : i32
        %add3A_750 = vector.broadcast %add3A_749 : i32 to vector<16xi32>
        %add3A_751 = arith.addi %xor3A_735, %add3A_750 : vector<16xi32>
        %select_n3A_752 = arith.select %lt3A_748, %add3A_751, %xor3A_735 : vector<16xi1>, vector<16xi32>
        %broadcast_in_dim3A_753 = vector.shape_cast %select_n3A_752 : vector<16xi32> to vector<16x1xi32>
        %gather3A_754 = vector.shape_cast %broadcast_in_dim3A_753 : vector<16x1xi32> to vector<16xi32>
        %gather3A_755 = tpu.dynamic_gather %select_n3A_732[%gather3A_754] in [0] : vector<16xf32>, vector<16xi32> -> vector<16xf32>
        %gt3A_756 = arith.cmpf ogt, %gather3A_745, %select_n3A_731 : vector<16xf32>
        %eq3A_757 = arith.cmpf oeq, %gather3A_745, %select_n3A_731 : vector<16xf32>
        %lt3A_758 = arith.cmpf olt, %gather3A_755, %select_n3A_732 : vector<16xf32>
        %and3A_759 = arith.andi %eq3A_757, %lt3A_758 : vector<16xi1>
        %or3A_760 = arith.ori %gt3A_756, %and3A_759 : vector<16xi1>
        %select_n3A_761 = arith.select %or3A_760, %gather3A_745, %select_n3A_731 : vector<16xi1>, vector<16xf32>
        %select_n3A_762 = arith.select %or3A_760, %gather3A_755, %select_n3A_732 : vector<16xi1>, vector<16xf32>
        %slice3A_763 = vector.extract_strided_slice %select_n3A_762 {offsets = [0], sizes = [1], strides = [1]} : vector<16xf32> to vector<1xf32>
        %squeeze3A_764 = vector.extract %slice3A_763[0] : f32 from vector<1xf32>
        %convert_element_type3A_765 = arith.fptosi %squeeze3A_764 : f32 to i32
        %mul3A_766 = arith.constant 576 : i32
        %mul3A_767 = arith.muli %convert_element_type3A_765, %mul3A_766 : i32
        %add3A_768 = arith.addi %mul3A_84, %mul3A_767 : i32
        %multiple_of3A_769 = tpu.assume_multiple %add3A_768, 8 : i32
        %dma_start3A_770 = arith.constant 0 : i32
        %dma_start3A_771 = tpu.memref_slice %arg11[%dma_start3A_770] : memref<576xf32, #tpu.memory_space<vmem>> -> memref<288xf32, #tpu.memory_space<vmem>>
        %dma_start3A_772 = tpu.memref_slice %arg10[%multiple_of3A_769] : memref<663552xf32, #tpu.memory_space<vmem_shared>> -> memref<288xf32, #tpu.memory_space<vmem_shared>>
        %dma_start3A_773 = arith.constant 0 : i32
        %dma_start3A_774 = tpu.memref_slice %arg11[%dma_start3A_773] : memref<576xf32, #tpu.memory_space<vmem>> -> memref<288xf32, #tpu.memory_space<vmem>>
        %dma_start3A_775 = tpu.memref_slice %arg10[%multiple_of3A_769] : memref<663552xf32, #tpu.memory_space<vmem_shared>> -> memref<288xf32, #tpu.memory_space<vmem_shared>>
        tpu.enqueue_dma source(%dma_start3A_775 : memref<288xf32, #tpu.memory_space<vmem_shared>>) target(%dma_start3A_774 : memref<288xf32, #tpu.memory_space<vmem>>) target_semaphore(%arg19 : memref<!tpu.dma_semaphore, #tpu.memory_space<semaphore_mem>>)
        %add3A_776 = arith.constant 288 : i32
        %add3A_777 = arith.addi %multiple_of3A_769, %add3A_776 : i32
        %dma_start3A_778 = arith.constant 288 : i32
        %dma_start3A_779 = tpu.memref_slice %arg11[%dma_start3A_778] : memref<576xf32, #tpu.memory_space<vmem>> -> memref<288xf32, #tpu.memory_space<vmem>>
        %dma_start3A_780 = tpu.memref_slice %arg10[%add3A_777] : memref<663552xf32, #tpu.memory_space<vmem_shared>> -> memref<288xf32, #tpu.memory_space<vmem_shared>>
        %dma_start3A_781 = arith.constant 288 : i32
        %dma_start3A_782 = tpu.memref_slice %arg11[%dma_start3A_781] : memref<576xf32, #tpu.memory_space<vmem>> -> memref<288xf32, #tpu.memory_space<vmem>>
        %dma_start3A_783 = tpu.memref_slice %arg10[%add3A_777] : memref<663552xf32, #tpu.memory_space<vmem_shared>> -> memref<288xf32, #tpu.memory_space<vmem_shared>>
        tpu.enqueue_dma source(%dma_start3A_783 : memref<288xf32, #tpu.memory_space<vmem_shared>>) target(%dma_start3A_782 : memref<288xf32, #tpu.memory_space<vmem>>) target_semaphore(%arg20 : memref<!tpu.dma_semaphore, #tpu.memory_space<semaphore_mem>>)
        %shift_right_arithmetic3A = arith.constant 4 : i32
        %shift_right_arithmetic3A_784 = arith.shrsi %scan3A_244, %shift_right_arithmetic3A : i32
        %mul3A_785 = arith.constant 16 : i32
        %mul3A_786 = arith.muli %shift_right_arithmetic3A_784, %mul3A_785 : i32
        %multiple_of3A_787 = tpu.assume_multiple %mul3A_786, 16 : i32
        %get3A_788 = arith.index_cast %multiple_of3A_787 : i32 to index
        %get3A_789 = tpu.vector_load %arg13[%get3A_788] {strides = array<i32>} : memref<576xi32, #tpu.memory_space<vmem>>, vector<16xi32>,
        %get3A_790 = vector.shape_cast %get3A_789 : vector<16xi32> to vector<16xi32>
        %and3A_791 = arith.constant 15 : i32
        %and3A_792 = arith.andi %scan3A_244, %and3A_791 : i32
        %eq3A_793 = vector.broadcast %and3A_792 : i32 to vector<16xi32>
        %eq3A_794 = arith.cmpi eq, %iota3A, %eq3A_793 : vector<16xi32>
        %broadcast_in_dim3A_795 = vector.broadcast %convert_element_type3A_765 : i32 to vector<16xi32>
        %select_n3A_796 = arith.select %eq3A_794, %broadcast_in_dim3A_795, %get3A_790 : vector<16xi1>, vector<16xi32>
        %swap3A_797 = arith.index_cast %multiple_of3A_787 : i32 to index
        %swap3A_798 = tpu.vector_load %arg13[%swap3A_797] {strides = array<i32>} : memref<576xi32, #tpu.memory_space<vmem>>, vector<16xi32>,
        %swap3A_799 = vector.shape_cast %swap3A_798 : vector<16xi32> to vector<16xi32>
        %swap3A_800 = vector.shape_cast %select_n3A_796 : vector<16xi32> to vector<16xi32>
        tpu.vector_store %arg13[%swap3A_797], %swap3A_800 {strides = array<i32>} : memref<576xi32, #tpu.memory_space<vmem>>, vector<16xi32>,
        %add3A_801 = arith.addi %convert_element_type3A_765, %mul3A_82 : i32
        %shift_right_arithmetic3A_802 = arith.constant 4 : i32
        %shift_right_arithmetic3A_803 = arith.shrsi %scan3A_244, %shift_right_arithmetic3A_802 : i32
        %mul3A_804 = arith.constant 16 : i32
        %mul3A_805 = arith.muli %shift_right_arithmetic3A_803, %mul3A_804 : i32
        %multiple_of3A_806 = tpu.assume_multiple %mul3A_805, 16 : i32
        %get3A_807 = arith.index_cast %multiple_of3A_806 : i32 to index
        %get3A_808 = tpu.vector_load %arg14[%get3A_807] {strides = array<i32>} : memref<576xi32, #tpu.memory_space<vmem>>, vector<16xi32>,
        %get3A_809 = vector.shape_cast %get3A_808 : vector<16xi32> to vector<16xi32>
        %and3A_810 = arith.constant 15 : i32
        %and3A_811 = arith.andi %scan3A_244, %and3A_810 : i32
        %eq3A_812 = vector.broadcast %and3A_811 : i32 to vector<16xi32>
        %eq3A_813 = arith.cmpi eq, %iota3A, %eq3A_812 : vector<16xi32>
        %broadcast_in_dim3A_814 = vector.broadcast %add3A_801 : i32 to vector<16xi32>
        %select_n3A_815 = arith.select %eq3A_813, %broadcast_in_dim3A_814, %get3A_809 : vector<16xi1>, vector<16xi32>
        %swap3A_816 = arith.index_cast %multiple_of3A_806 : i32 to index
        %swap3A_817 = tpu.vector_load %arg14[%swap3A_816] {strides = array<i32>} : memref<576xi32, #tpu.memory_space<vmem>>, vector<16xi32>,
        %swap3A_818 = vector.shape_cast %swap3A_817 : vector<16xi32> to vector<16xi32>
        %swap3A_819 = vector.shape_cast %select_n3A_815 : vector<16xi32> to vector<16xi32>
        tpu.vector_store %arg14[%swap3A_816], %swap3A_819 {strides = array<i32>} : memref<576xi32, #tpu.memory_space<vmem>>, vector<16xi32>,
        %eq3A_820 = vector.broadcast %squeeze3A_764 : f32 to vector<16xf32>
        %eq3A_821 = arith.cmpf oeq, %add3A_284, %eq3A_820 : vector<16xf32>
        %jit3A_822 = arith.constant -3.000000e+38 : f32
        %broadcast_in_dim3A_823 = vector.broadcast %jit3A_822 : f32 to vector<16xf32>
        %select_n3A_824 = arith.select %eq3A_821, %broadcast_in_dim3A_823, %scan3A_246 : vector<16xi1>, vector<16xf32>
        %eq3A_825 = vector.broadcast %squeeze3A_764 : f32 to vector<16xf32>
        %eq3A_826 = arith.cmpf oeq, %add3A_287, %eq3A_825 : vector<16xf32>
        %jit3A_827 = arith.constant -3.000000e+38 : f32
        %broadcast_in_dim3A_828 = vector.broadcast %jit3A_827 : f32 to vector<16xf32>
        %select_n3A_829 = arith.select %eq3A_826, %broadcast_in_dim3A_828, %scan3A_247 : vector<16xi1>, vector<16xf32>
        %eq3A_830 = vector.broadcast %squeeze3A_764 : f32 to vector<16xf32>
        %eq3A_831 = arith.cmpf oeq, %add3A_290, %eq3A_830 : vector<16xf32>
        %jit3A_832 = arith.constant -3.000000e+38 : f32
        %broadcast_in_dim3A_833 = vector.broadcast %jit3A_832 : f32 to vector<16xf32>
        %select_n3A_834 = arith.select %eq3A_831, %broadcast_in_dim3A_833, %scan3A_248 : vector<16xi1>, vector<16xf32>
        %eq3A_835 = vector.broadcast %squeeze3A_764 : f32 to vector<16xf32>
        %eq3A_836 = arith.cmpf oeq, %add3A_293, %eq3A_835 : vector<16xf32>
        %jit3A_837 = arith.constant -3.000000e+38 : f32
        %broadcast_in_dim3A_838 = vector.broadcast %jit3A_837 : f32 to vector<16xf32>
        %select_n3A_839 = arith.select %eq3A_836, %broadcast_in_dim3A_838, %scan3A_249 : vector<16xi1>, vector<16xf32>
        %eq3A_840 = vector.broadcast %squeeze3A_764 : f32 to vector<16xf32>
        %eq3A_841 = arith.cmpf oeq, %add3A_296, %eq3A_840 : vector<16xf32>
        %jit3A_842 = arith.constant -3.000000e+38 : f32
        %broadcast_in_dim3A_843 = vector.broadcast %jit3A_842 : f32 to vector<16xf32>
        %select_n3A_844 = arith.select %eq3A_841, %broadcast_in_dim3A_843, %scan3A_250 : vector<16xi1>, vector<16xf32>
        %eq3A_845 = vector.broadcast %squeeze3A_764 : f32 to vector<16xf32>
        %eq3A_846 = arith.cmpf oeq, %add3A_299, %eq3A_845 : vector<16xf32>
        %jit3A_847 = arith.constant -3.000000e+38 : f32
        %broadcast_in_dim3A_848 = vector.broadcast %jit3A_847 : f32 to vector<16xf32>
        %select_n3A_849 = arith.select %eq3A_846, %broadcast_in_dim3A_848, %scan3A_251 : vector<16xi1>, vector<16xf32>
        %eq3A_850 = vector.broadcast %squeeze3A_764 : f32 to vector<16xf32>
        %eq3A_851 = arith.cmpf oeq, %add3A_302, %eq3A_850 : vector<16xf32>
        %jit3A_852 = arith.constant -3.000000e+38 : f32
        %broadcast_in_dim3A_853 = vector.broadcast %jit3A_852 : f32 to vector<16xf32>
        %select_n3A_854 = arith.select %eq3A_851, %broadcast_in_dim3A_853, %scan3A_252 : vector<16xi1>, vector<16xf32>
        %eq3A_855 = vector.broadcast %squeeze3A_764 : f32 to vector<16xf32>
        %eq3A_856 = arith.cmpf oeq, %add3A_305, %eq3A_855 : vector<16xf32>
        %jit3A_857 = arith.constant -3.000000e+38 : f32
        %broadcast_in_dim3A_858 = vector.broadcast %jit3A_857 : f32 to vector<16xf32>
        %select_n3A_859 = arith.select %eq3A_856, %broadcast_in_dim3A_858, %scan3A_253 : vector<16xi1>, vector<16xf32>
        %eq3A_860 = vector.broadcast %squeeze3A_764 : f32 to vector<16xf32>
        %eq3A_861 = arith.cmpf oeq, %add3A_308, %eq3A_860 : vector<16xf32>
        %jit3A_862 = arith.constant -3.000000e+38 : f32
        %broadcast_in_dim3A_863 = vector.broadcast %jit3A_862 : f32 to vector<16xf32>
        %select_n3A_864 = arith.select %eq3A_861, %broadcast_in_dim3A_863, %scan3A_254 : vector<16xi1>, vector<16xf32>
        %eq3A_865 = vector.broadcast %squeeze3A_764 : f32 to vector<16xf32>
        %eq3A_866 = arith.cmpf oeq, %add3A_311, %eq3A_865 : vector<16xf32>
        %jit3A_867 = arith.constant -3.000000e+38 : f32
        %broadcast_in_dim3A_868 = vector.broadcast %jit3A_867 : f32 to vector<16xf32>
        %select_n3A_869 = arith.select %eq3A_866, %broadcast_in_dim3A_868, %scan3A_255 : vector<16xi1>, vector<16xf32>
        %eq3A_870 = vector.broadcast %squeeze3A_764 : f32 to vector<16xf32>
        %eq3A_871 = arith.cmpf oeq, %add3A_314, %eq3A_870 : vector<16xf32>
        %jit3A_872 = arith.constant -3.000000e+38 : f32
        %broadcast_in_dim3A_873 = vector.broadcast %jit3A_872 : f32 to vector<16xf32>
        %select_n3A_874 = arith.select %eq3A_871, %broadcast_in_dim3A_873, %scan3A_256 : vector<16xi1>, vector<16xf32>
        %eq3A_875 = vector.broadcast %squeeze3A_764 : f32 to vector<16xf32>
        %eq3A_876 = arith.cmpf oeq, %add3A_317, %eq3A_875 : vector<16xf32>
        %jit3A_877 = arith.constant -3.000000e+38 : f32
        %broadcast_in_dim3A_878 = vector.broadcast %jit3A_877 : f32 to vector<16xf32>
        %select_n3A_879 = arith.select %eq3A_876, %broadcast_in_dim3A_878, %scan3A_257 : vector<16xi1>, vector<16xf32>
        %eq3A_880 = vector.broadcast %squeeze3A_764 : f32 to vector<16xf32>
        %eq3A_881 = arith.cmpf oeq, %add3A_320, %eq3A_880 : vector<16xf32>
        %jit3A_882 = arith.constant -3.000000e+38 : f32
        %broadcast_in_dim3A_883 = vector.broadcast %jit3A_882 : f32 to vector<16xf32>
        %select_n3A_884 = arith.select %eq3A_881, %broadcast_in_dim3A_883, %scan3A_258 : vector<16xi1>, vector<16xf32>
        %eq3A_885 = vector.broadcast %squeeze3A_764 : f32 to vector<16xf32>
        %eq3A_886 = arith.cmpf oeq, %add3A_323, %eq3A_885 : vector<16xf32>
        %jit3A_887 = arith.constant -3.000000e+38 : f32
        %broadcast_in_dim3A_888 = vector.broadcast %jit3A_887 : f32 to vector<16xf32>
        %select_n3A_889 = arith.select %eq3A_886, %broadcast_in_dim3A_888, %scan3A_259 : vector<16xi1>, vector<16xf32>
        %eq3A_890 = vector.broadcast %squeeze3A_764 : f32 to vector<16xf32>
        %eq3A_891 = arith.cmpf oeq, %add3A_326, %eq3A_890 : vector<16xf32>
        %jit3A_892 = arith.constant -3.000000e+38 : f32
        %broadcast_in_dim3A_893 = vector.broadcast %jit3A_892 : f32 to vector<16xf32>
        %select_n3A_894 = arith.select %eq3A_891, %broadcast_in_dim3A_893, %scan3A_260 : vector<16xi1>, vector<16xf32>
        %eq3A_895 = vector.broadcast %squeeze3A_764 : f32 to vector<16xf32>
        %eq3A_896 = arith.cmpf oeq, %add3A_329, %eq3A_895 : vector<16xf32>
        %jit3A_897 = arith.constant -3.000000e+38 : f32
        %broadcast_in_dim3A_898 = vector.broadcast %jit3A_897 : f32 to vector<16xf32>
        %select_n3A_899 = arith.select %eq3A_896, %broadcast_in_dim3A_898, %scan3A_261 : vector<16xi1>, vector<16xf32>
        %eq3A_900 = vector.broadcast %squeeze3A_764 : f32 to vector<16xf32>
        %eq3A_901 = arith.cmpf oeq, %add3A_332, %eq3A_900 : vector<16xf32>
        %jit3A_902 = arith.constant -3.000000e+38 : f32
        %broadcast_in_dim3A_903 = vector.broadcast %jit3A_902 : f32 to vector<16xf32>
        %select_n3A_904 = arith.select %eq3A_901, %broadcast_in_dim3A_903, %scan3A_262 : vector<16xi1>, vector<16xf32>
        %eq3A_905 = vector.broadcast %squeeze3A_764 : f32 to vector<16xf32>
        %eq3A_906 = arith.cmpf oeq, %add3A_335, %eq3A_905 : vector<16xf32>
        %jit3A_907 = arith.constant -3.000000e+38 : f32
        %broadcast_in_dim3A_908 = vector.broadcast %jit3A_907 : f32 to vector<16xf32>
        %select_n3A_909 = arith.select %eq3A_906, %broadcast_in_dim3A_908, %scan3A_263 : vector<16xi1>, vector<16xf32>
        %eq3A_910 = vector.broadcast %squeeze3A_764 : f32 to vector<16xf32>
        %eq3A_911 = arith.cmpf oeq, %add3A_338, %eq3A_910 : vector<16xf32>
        %jit3A_912 = arith.constant -3.000000e+38 : f32
        %broadcast_in_dim3A_913 = vector.broadcast %jit3A_912 : f32 to vector<16xf32>
        %select_n3A_914 = arith.select %eq3A_911, %broadcast_in_dim3A_913, %scan3A_264 : vector<16xi1>, vector<16xf32>
        %eq3A_915 = vector.broadcast %squeeze3A_764 : f32 to vector<16xf32>
        %eq3A_916 = arith.cmpf oeq, %add3A_341, %eq3A_915 : vector<16xf32>
        %jit3A_917 = arith.constant -3.000000e+38 : f32
        %broadcast_in_dim3A_918 = vector.broadcast %jit3A_917 : f32 to vector<16xf32>
        %select_n3A_919 = arith.select %eq3A_916, %broadcast_in_dim3A_918, %scan3A_265 : vector<16xi1>, vector<16xf32>
        %eq3A_920 = vector.broadcast %squeeze3A_764 : f32 to vector<16xf32>
        %eq3A_921 = arith.cmpf oeq, %add3A_344, %eq3A_920 : vector<16xf32>
        %jit3A_922 = arith.constant -3.000000e+38 : f32
        %broadcast_in_dim3A_923 = vector.broadcast %jit3A_922 : f32 to vector<16xf32>
        %select_n3A_924 = arith.select %eq3A_921, %broadcast_in_dim3A_923, %scan3A_266 : vector<16xi1>, vector<16xf32>
        %eq3A_925 = vector.broadcast %squeeze3A_764 : f32 to vector<16xf32>
        %eq3A_926 = arith.cmpf oeq, %add3A_347, %eq3A_925 : vector<16xf32>
        %jit3A_927 = arith.constant -3.000000e+38 : f32
        %broadcast_in_dim3A_928 = vector.broadcast %jit3A_927 : f32 to vector<16xf32>
        %select_n3A_929 = arith.select %eq3A_926, %broadcast_in_dim3A_928, %scan3A_267 : vector<16xi1>, vector<16xf32>
        %eq3A_930 = vector.broadcast %squeeze3A_764 : f32 to vector<16xf32>
        %eq3A_931 = arith.cmpf oeq, %add3A_350, %eq3A_930 : vector<16xf32>
        %jit3A_932 = arith.constant -3.000000e+38 : f32
        %broadcast_in_dim3A_933 = vector.broadcast %jit3A_932 : f32 to vector<16xf32>
        %select_n3A_934 = arith.select %eq3A_931, %broadcast_in_dim3A_933, %scan3A_268 : vector<16xi1>, vector<16xf32>
        %eq3A_935 = vector.broadcast %squeeze3A_764 : f32 to vector<16xf32>
        %eq3A_936 = arith.cmpf oeq, %add3A_353, %eq3A_935 : vector<16xf32>
        %jit3A_937 = arith.constant -3.000000e+38 : f32
        %broadcast_in_dim3A_938 = vector.broadcast %jit3A_937 : f32 to vector<16xf32>
        %select_n3A_939 = arith.select %eq3A_936, %broadcast_in_dim3A_938, %scan3A_269 : vector<16xi1>, vector<16xf32>
        %eq3A_940 = vector.broadcast %squeeze3A_764 : f32 to vector<16xf32>
        %eq3A_941 = arith.cmpf oeq, %add3A_356, %eq3A_940 : vector<16xf32>
        %jit3A_942 = arith.constant -3.000000e+38 : f32
        %broadcast_in_dim3A_943 = vector.broadcast %jit3A_942 : f32 to vector<16xf32>
        %select_n3A_944 = arith.select %eq3A_941, %broadcast_in_dim3A_943, %scan3A_270 : vector<16xi1>, vector<16xf32>
        %eq3A_945 = vector.broadcast %squeeze3A_764 : f32 to vector<16xf32>
        %eq3A_946 = arith.cmpf oeq, %add3A_359, %eq3A_945 : vector<16xf32>
        %jit3A_947 = arith.constant -3.000000e+38 : f32
        %broadcast_in_dim3A_948 = vector.broadcast %jit3A_947 : f32 to vector<16xf32>
        %select_n3A_949 = arith.select %eq3A_946, %broadcast_in_dim3A_948, %scan3A_271 : vector<16xi1>, vector<16xf32>
        %eq3A_950 = vector.broadcast %squeeze3A_764 : f32 to vector<16xf32>
        %eq3A_951 = arith.cmpf oeq, %add3A_362, %eq3A_950 : vector<16xf32>
        %jit3A_952 = arith.constant -3.000000e+38 : f32
        %broadcast_in_dim3A_953 = vector.broadcast %jit3A_952 : f32 to vector<16xf32>
        %select_n3A_954 = arith.select %eq3A_951, %broadcast_in_dim3A_953, %scan3A_272 : vector<16xi1>, vector<16xf32>
        %eq3A_955 = vector.broadcast %squeeze3A_764 : f32 to vector<16xf32>
        %eq3A_956 = arith.cmpf oeq, %add3A_365, %eq3A_955 : vector<16xf32>
        %jit3A_957 = arith.constant -3.000000e+38 : f32
        %broadcast_in_dim3A_958 = vector.broadcast %jit3A_957 : f32 to vector<16xf32>
        %select_n3A_959 = arith.select %eq3A_956, %broadcast_in_dim3A_958, %scan3A_273 : vector<16xi1>, vector<16xf32>
        %eq3A_960 = vector.broadcast %squeeze3A_764 : f32 to vector<16xf32>
        %eq3A_961 = arith.cmpf oeq, %add3A_368, %eq3A_960 : vector<16xf32>
        %jit3A_962 = arith.constant -3.000000e+38 : f32
        %broadcast_in_dim3A_963 = vector.broadcast %jit3A_962 : f32 to vector<16xf32>
        %select_n3A_964 = arith.select %eq3A_961, %broadcast_in_dim3A_963, %scan3A_274 : vector<16xi1>, vector<16xf32>
        %eq3A_965 = vector.broadcast %squeeze3A_764 : f32 to vector<16xf32>
        %eq3A_966 = arith.cmpf oeq, %add3A_371, %eq3A_965 : vector<16xf32>
        %jit3A_967 = arith.constant -3.000000e+38 : f32
        %broadcast_in_dim3A_968 = vector.broadcast %jit3A_967 : f32 to vector<16xf32>
        %select_n3A_969 = arith.select %eq3A_966, %broadcast_in_dim3A_968, %scan3A_275 : vector<16xi1>, vector<16xf32>
        %eq3A_970 = vector.broadcast %squeeze3A_764 : f32 to vector<16xf32>
        %eq3A_971 = arith.cmpf oeq, %add3A_374, %eq3A_970 : vector<16xf32>
        %jit3A_972 = arith.constant -3.000000e+38 : f32
        %broadcast_in_dim3A_973 = vector.broadcast %jit3A_972 : f32 to vector<16xf32>
        %select_n3A_974 = arith.select %eq3A_971, %broadcast_in_dim3A_973, %scan3A_276 : vector<16xi1>, vector<16xf32>
        %eq3A_975 = vector.broadcast %squeeze3A_764 : f32 to vector<16xf32>
        %eq3A_976 = arith.cmpf oeq, %add3A_377, %eq3A_975 : vector<16xf32>
        %jit3A_977 = arith.constant -3.000000e+38 : f32
        %broadcast_in_dim3A_978 = vector.broadcast %jit3A_977 : f32 to vector<16xf32>
        %select_n3A_979 = arith.select %eq3A_976, %broadcast_in_dim3A_978, %scan3A_277 : vector<16xi1>, vector<16xf32>
        %eq3A_980 = vector.broadcast %squeeze3A_764 : f32 to vector<16xf32>
        %eq3A_981 = arith.cmpf oeq, %add3A_380, %eq3A_980 : vector<16xf32>
        %jit3A_982 = arith.constant -3.000000e+38 : f32
        %broadcast_in_dim3A_983 = vector.broadcast %jit3A_982 : f32 to vector<16xf32>
        %select_n3A_984 = arith.select %eq3A_981, %broadcast_in_dim3A_983, %scan3A_278 : vector<16xi1>, vector<16xf32>
        %eq3A_985 = vector.broadcast %squeeze3A_764 : f32 to vector<16xf32>
        %eq3A_986 = arith.cmpf oeq, %add3A_383, %eq3A_985 : vector<16xf32>
        %jit3A_987 = arith.constant -3.000000e+38 : f32
        %broadcast_in_dim3A_988 = vector.broadcast %jit3A_987 : f32 to vector<16xf32>
        %select_n3A_989 = arith.select %eq3A_986, %broadcast_in_dim3A_988, %scan3A_279 : vector<16xi1>, vector<16xf32>
        %eq3A_990 = vector.broadcast %squeeze3A_764 : f32 to vector<16xf32>
        %eq3A_991 = arith.cmpf oeq, %add3A_386, %eq3A_990 : vector<16xf32>
        %jit3A_992 = arith.constant -3.000000e+38 : f32
        %broadcast_in_dim3A_993 = vector.broadcast %jit3A_992 : f32 to vector<16xf32>
        %select_n3A_994 = arith.select %eq3A_991, %broadcast_in_dim3A_993, %scan3A_280 : vector<16xi1>, vector<16xf32>
        %eq3A_995 = vector.broadcast %squeeze3A_764 : f32 to vector<16xf32>
        %eq3A_996 = arith.cmpf oeq, %add3A_389, %eq3A_995 : vector<16xf32>
        %jit3A_997 = arith.constant -3.000000e+38 : f32
        %broadcast_in_dim3A_998 = vector.broadcast %jit3A_997 : f32 to vector<16xf32>
        %select_n3A_999 = arith.select %eq3A_996, %broadcast_in_dim3A_998, %scan3A_281 : vector<16xi1>, vector<16xf32>
        %dma_wait3A_1000 = arith.constant 0 : i32
        %dma_wait3A_1001 = tpu.memref_slice %arg11[%dma_wait3A_1000] : memref<576xf32, #tpu.memory_space<vmem>> -> memref<288xf32, #tpu.memory_space<vmem>>
        %dma_wait3A_1002 = tpu.memref_slice %arg10[%multiple_of3A_769] : memref<663552xf32, #tpu.memory_space<vmem_shared>> -> memref<288xf32, #tpu.memory_space<vmem_shared>>
        %dma_wait3A_1003 = arith.constant 0 : i32
        %dma_wait3A_1004 = tpu.memref_slice %arg11[%dma_wait3A_1003] : memref<576xf32, #tpu.memory_space<vmem>> -> memref<288xf32, #tpu.memory_space<vmem>>
        %dma_wait3A_1005 = tpu.memref_slice %arg10[%multiple_of3A_769] : memref<663552xf32, #tpu.memory_space<vmem_shared>> -> memref<288xf32, #tpu.memory_space<vmem_shared>>
        tpu.wait_dma2 semaphore(%arg19 : memref<!tpu.dma_semaphore, #tpu.memory_space<semaphore_mem>>) src(%dma_wait3A_1005 : memref<288xf32, #tpu.memory_space<vmem_shared>>) dst(%dma_wait3A_1004 : memref<288xf32, #tpu.memory_space<vmem>>)
        scf.yield %convert_element_type3A_765, %select_n3A_824, %select_n3A_829, %select_n3A_834, %select_n3A_839, %select_n3A_844, %select_n3A_849, %select_n3A_854, %select_n3A_859, %select_n3A_864, %select_n3A_869, %select_n3A_874, %select_n3A_879, %select_n3A_884, %select_n3A_889, %select_n3A_894, %select_n3A_899, %select_n3A_904, %select_n3A_909, %select_n3A_914, %select_n3A_919, %select_n3A_924, %select_n3A_929, %select_n3A_934, %select_n3A_939, %select_n3A_944, %select_n3A_949, %select_n3A_954, %select_n3A_959, %select_n3A_964, %select_n3A_969, %select_n3A_974, %select_n3A_979, %select_n3A_984, %select_n3A_989, %select_n3A_994, %select_n3A_999 : i32, vector<16xf32>, vector<16xf32>, vector<16xf32>, vector<16xf32>, vector<16xf32>, vector<16xf32>, vector<16xf32>, vector<16xf32>, vector<16xf32>, vector<16xf32>, vector<16xf32>, vector<16xf32>, vector<16xf32>, vector<16xf32>, vector<16xf32>, vector<16xf32>, vector<16xf32>, vector<16xf32>, vector<16xf32>, vector<16xf32>, vector<16xf32>, vector<16xf32>, vector<16xf32>, vector<16xf32>, vector<16xf32>, vector<16xf32>, vector<16xf32>, vector<16xf32>, vector<16xf32>, vector<16xf32>, vector<16xf32>, vector<16xf32>, vector<16xf32>, vector<16xf32>, vector<16xf32>, vector<16xf32>
      }
      %scan3A_235 = arith.constant 575 : i32
      %dma_wait3A_236 = arith.constant 288 : i32
      %dma_wait3A_237 = tpu.memref_slice %arg11[%dma_wait3A_236] : memref<576xf32, #tpu.memory_space<vmem>> -> memref<288xf32, #tpu.memory_space<vmem>>
      %dma_wait3A_238 = arith.constant 0 : i32
      %dma_wait3A_239 = tpu.memref_slice %arg4[%dma_wait3A_238] : memref<2304xf32, #tpu.memory_space<hbm>> -> memref<288xf32, #tpu.memory_space<hbm>>
      %dma_wait3A_240 = arith.constant 288 : i32
      %dma_wait3A_241 = tpu.memref_slice %arg11[%dma_wait3A_240] : memref<576xf32, #tpu.memory_space<vmem>> -> memref<288xf32, #tpu.memory_space<vmem>>
      %dma_wait3A_242 = arith.constant 0 : i32
      %dma_wait3A_243 = tpu.memref_slice %arg4[%dma_wait3A_242] : memref<2304xf32, #tpu.memory_space<hbm>> -> memref<288xf32, #tpu.memory_space<hbm>>
      tpu.wait_dma2 semaphore(%arg20 : memref<!tpu.dma_semaphore, #tpu.memory_space<semaphore_mem>>) src(%dma_wait3A_243 : memref<288xf32, #tpu.memory_space<hbm>>) dst(%dma_wait3A_241 : memref<288xf32, #tpu.memory_space<vmem>>)
      "tpu.region"() ({
        %run_scoped3A = tpu.sem_alloc : memref<!tpu.dma_semaphore, #tpu.memory_space<semaphore_mem>>
        %dma_start3A_244 = tpu.memref_slice %arg8[%mul3A_82] : memref<2304xi32, #tpu.memory_space<hbm>> -> memref<576xi32, #tpu.memory_space<hbm>>
        %dma_start3A_245 = tpu.memref_slice %arg8[%mul3A_82] : memref<2304xi32, #tpu.memory_space<hbm>> -> memref<576xi32, #tpu.memory_space<hbm>>
        tpu.enqueue_dma source(%arg13 : memref<576xi32, #tpu.memory_space<vmem>>) target(%dma_start3A_245 : memref<576xi32, #tpu.memory_space<hbm>>) target_semaphore(%run_scoped3A : memref<!tpu.dma_semaphore, #tpu.memory_space<semaphore_mem>>)
        %dma_wait3A_246 = tpu.memref_slice %arg8[%mul3A_82] : memref<2304xi32, #tpu.memory_space<hbm>> -> memref<576xi32, #tpu.memory_space<hbm>>
        %dma_wait3A_247 = tpu.memref_slice %arg8[%mul3A_82] : memref<2304xi32, #tpu.memory_space<hbm>> -> memref<576xi32, #tpu.memory_space<hbm>>
        tpu.wait_dma2 semaphore(%run_scoped3A : memref<!tpu.dma_semaphore, #tpu.memory_space<semaphore_mem>>) src(%arg13 : memref<576xi32, #tpu.memory_space<vmem>>) dst(%dma_wait3A_247 : memref<576xi32, #tpu.memory_space<hbm>>)
        tpu.yield
      }) : () -> ()
      "tpu.region"() ({
        %run_scoped3A = tpu.sem_alloc : memref<!tpu.dma_semaphore, #tpu.memory_space<semaphore_mem>>
        %dma_start3A_244 = tpu.memref_slice %arg9[%mul3A_82] : memref<2304xi32, #tpu.memory_space<hbm>> -> memref<576xi32, #tpu.memory_space<hbm>>
        %dma_start3A_245 = tpu.memref_slice %arg9[%mul3A_82] : memref<2304xi32, #tpu.memory_space<hbm>> -> memref<576xi32, #tpu.memory_space<hbm>>
        tpu.enqueue_dma source(%arg14 : memref<576xi32, #tpu.memory_space<vmem>>) target(%dma_start3A_245 : memref<576xi32, #tpu.memory_space<hbm>>) target_semaphore(%run_scoped3A : memref<!tpu.dma_semaphore, #tpu.memory_space<semaphore_mem>>)
        %dma_wait3A_246 = tpu.memref_slice %arg9[%mul3A_82] : memref<2304xi32, #tpu.memory_space<hbm>> -> memref<576xi32, #tpu.memory_space<hbm>>
        %dma_wait3A_247 = tpu.memref_slice %arg9[%mul3A_82] : memref<2304xi32, #tpu.memory_space<hbm>> -> memref<576xi32, #tpu.memory_space<hbm>>
        tpu.wait_dma2 semaphore(%run_scoped3A : memref<!tpu.dma_semaphore, #tpu.memory_space<semaphore_mem>>) src(%arg14 : memref<576xi32, #tpu.memory_space<vmem>>) dst(%dma_wait3A_247 : memref<576xi32, #tpu.memory_space<hbm>>)
        tpu.yield
      }) : () -> ()
    } else {
    }
    %barrier3A_34 = arith.constant 0 : index
    tpu.barrier barrier_id(%barrier3A_34)
    %mul3A_35 = arith.constant 2 : i32
    %mul3A_36 = arith.muli %mul3A_35, %arg0 : i32
    %jit3A = arith.constant 8 : i32
    %div3A = arith.divsi %arg1, %jit3A : i32
    %sign3A = arith.constant 0 : i32
    %sign3A_37 = arith.cmpi sgt, %arg1, %sign3A : i32
    %sign3A_38 = arith.extui %sign3A_37 : i1 to i32
    %sign3A_39 = arith.constant 0 : i32
    %sign3A_40 = arith.cmpi slt, %arg1, %sign3A_39 : i32
    %sign3A_41 = arith.extui %sign3A_40 : i1 to i32
    %sign3A_42 = arith.subi %sign3A_38, %sign3A_41 : i32
    %sign3A_43 = arith.constant 0 : i32
    %sign3A_44 = arith.cmpi sgt, %jit3A, %sign3A_43 : i32
    %sign3A_45 = arith.extui %sign3A_44 : i1 to i32
    %sign3A_46 = arith.constant 0 : i32
    %sign3A_47 = arith.cmpi slt, %jit3A, %sign3A_46 : i32
    %sign3A_48 = arith.extui %sign3A_47 : i1 to i32
    %sign3A_49 = arith.subi %sign3A_45, %sign3A_48 : i32
    %ne3A = arith.cmpi ne, %sign3A_42, %sign3A_49 : i32
    %rem3A = arith.remsi %arg1, %jit3A : i32
    %ne3A_50 = arith.constant 0 : i32
    %ne3A_51 = arith.cmpi ne, %rem3A, %ne3A_50 : i32
    %and3A = arith.andi %ne3A, %ne3A_51 : i1
    %sub3A = arith.constant 1 : i32
    %sub3A_52 = arith.subi %div3A, %sub3A : i32
    %select_n3A = arith.select %and3A, %sub3A_52, %div3A : i32
    %add3A_53 = arith.addi %mul3A_36, %select_n3A : i32
    %mul3A_54 = arith.constant 576 : i32
    %mul3A_55 = arith.muli %add3A_53, %mul3A_54 : i32
    %jit3A_56 = arith.constant 8 : i32
    %eq3A = arith.constant 0 : i32
    %eq3A_57 = arith.cmpi eq, %jit3A_56, %eq3A : i32
    %jit3A_58 = arith.constant 1 : i32
    %select_n3A_59 = arith.select %eq3A_57, %jit3A_58, %jit3A_56 : i32
    %rem3A_60 = arith.remsi %arg1, %select_n3A_59 : i32
    %ne3A_61 = arith.constant 0 : i32
    %ne3A_62 = arith.cmpi ne, %rem3A_60, %ne3A_61 : i32
    %lt3A_63 = arith.constant 0 : i32
    %lt3A_64 = arith.cmpi slt, %rem3A_60, %lt3A_63 : i32
    %lt3A_65 = arith.constant 0 : i32
    %lt3A_66 = arith.cmpi slt, %select_n3A_59, %lt3A_65 : i32
    %ne3A_67 = arith.xori %lt3A_64, %lt3A_66 : i1
    %and3A_68 = arith.andi %ne3A_67, %ne3A_62 : i1
    %add3A_69 = arith.addi %rem3A_60, %select_n3A_59 : i32
    %select_n3A_70 = arith.select %and3A_68, %add3A_69, %rem3A_60 : i32
    %mul3A_71 = arith.constant 72 : i32
    %mul3A_72 = arith.muli %select_n3A_70, %mul3A_71 : i32
    %add3A_73 = arith.addi %mul3A_55, %mul3A_72 : i32
    "tpu.region"() ({
      %run_scoped3A = tpu.sem_alloc : memref<!tpu.dma_semaphore, #tpu.memory_space<semaphore_mem>>
      %dma_start3A_78 = tpu.memref_slice %arg9[%add3A_73] : memref<2304xi32, #tpu.memory_space<hbm>> -> memref<72xi32, #tpu.memory_space<hbm>>
      %dma_start3A_79 = tpu.memref_slice %arg9[%add3A_73] : memref<2304xi32, #tpu.memory_space<hbm>> -> memref<72xi32, #tpu.memory_space<hbm>>
      tpu.enqueue_dma source(%dma_start3A_79 : memref<72xi32, #tpu.memory_space<hbm>>) target(%arg16 : memref<72xi32, #tpu.memory_space<vmem>>) target_semaphore(%run_scoped3A : memref<!tpu.dma_semaphore, #tpu.memory_space<semaphore_mem>>)
      %dma_wait3A_80 = tpu.memref_slice %arg9[%add3A_73] : memref<2304xi32, #tpu.memory_space<hbm>> -> memref<72xi32, #tpu.memory_space<hbm>>
      %dma_wait3A_81 = tpu.memref_slice %arg9[%add3A_73] : memref<2304xi32, #tpu.memory_space<hbm>> -> memref<72xi32, #tpu.memory_space<hbm>>
      tpu.wait_dma2 semaphore(%run_scoped3A : memref<!tpu.dma_semaphore, #tpu.memory_space<semaphore_mem>>) src(%dma_wait3A_81 : memref<72xi32, #tpu.memory_space<hbm>>) dst(%arg16 : memref<72xi32, #tpu.memory_space<vmem>>)
      tpu.yield
    }) : () -> ()
    %dma_start3A = arith.constant 0 : i32
    %dma_start3A_74 = arith.constant 0 : i32
    %dma_start3A_75 = tpu.memref_slice %arg6[%dma_start3A, %dma_start3A_74] : memref<2304x384xf32, #tpu.memory_space<hbm>> -> memref<2304x384xf32, #tpu.memory_space<hbm>>
    tpu.enqueue_indirect_dma source(%dma_start3A_75 : memref<2304x384xf32, #tpu.memory_space<hbm>>) target(%arg17 : memref<72x384xf32, #tpu.memory_space<vmem>>) offsets(%arg16 : memref<72xi32, #tpu.memory_space<vmem>>) semaphore(%arg18 : memref<!tpu.dma_semaphore, #tpu.memory_space<semaphore_mem>>)
    %dma_wait3A = arith.constant 0 : i32
    %dma_wait3A_76 = arith.constant 0 : i32
    %dma_wait3A_77 = tpu.memref_slice %arg6[%dma_wait3A, %dma_wait3A_76] : memref<2304x384xf32, #tpu.memory_space<hbm>> -> memref<2304x384xf32, #tpu.memory_space<hbm>>
    tpu.wait_indirect_dma semaphore(%arg18 : memref<!tpu.dma_semaphore, #tpu.memory_space<semaphore_mem>>) src(%dma_wait3A_77 : memref<2304x384xf32, #tpu.memory_space<hbm>>) dst(%arg17 : memref<72x384xf32, #tpu.memory_space<vmem>>)
    "tpu.region"() ({
      %run_scoped3A = tpu.sem_alloc : memref<!tpu.dma_semaphore, #tpu.memory_space<semaphore_mem>>
      %dma_start3A_78 = arith.constant 0 : i32
      %dma_start3A_79 = tpu.memref_slice %arg7[%add3A_73, %dma_start3A_78] : memref<2304x384xf32, #tpu.memory_space<hbm>> -> memref<72x384xf32, #tpu.memory_space<hbm>>
      %dma_start3A_80 = arith.constant 0 : i32
      %dma_start3A_81 = tpu.memref_slice %arg7[%add3A_73, %dma_start3A_80] : memref<2304x384xf32, #tpu.memory_space<hbm>> -> memref<72x384xf32, #tpu.memory_space<hbm>>
      tpu.enqueue_dma source(%arg17 : memref<72x384xf32, #tpu.memory_space<vmem>>) target(%dma_start3A_81 : memref<72x384xf32, #tpu.memory_space<hbm>>) target_semaphore(%run_scoped3A : memref<!tpu.dma_semaphore, #tpu.memory_space<semaphore_mem>>)
      %dma_wait3A_82 = arith.constant 0 : i32
      %dma_wait3A_83 = tpu.memref_slice %arg7[%add3A_73, %dma_wait3A_82] : memref<2304x384xf32, #tpu.memory_space<hbm>> -> memref<72x384xf32, #tpu.memory_space<hbm>>
      %dma_wait3A_84 = arith.constant 0 : i32
      %dma_wait3A_85 = tpu.memref_slice %arg7[%add3A_73, %dma_wait3A_84] : memref<2304x384xf32, #tpu.memory_space<hbm>> -> memref<72x384xf32, #tpu.memory_space<hbm>>
      tpu.wait_dma2 semaphore(%run_scoped3A : memref<!tpu.dma_semaphore, #tpu.memory_space<semaphore_mem>>) src(%arg17 : memref<72x384xf32, #tpu.memory_space<vmem>>) dst(%dma_wait3A_85 : memref<72x384xf32, #tpu.memory_space<hbm>>)
      tpu.yield
    }) : () -> ()
    return
  }
}

module attributes {stable_mosaic.version = 14 : i64} {
  func.func @_tc_body(%arg0: memref<4x576x384xf32, #tpu.memory_space<vmem>>, %arg1: memref<4x576x2xf32, #tpu.memory_space<vmem>>, %arg2: memref<4x2x576xf32, #tpu.memory_space<vmem>>, %arg3: memref<4x576x576xf32, #tpu.memory_space<vmem>>, %arg4: memref<4x576xf32, #tpu.memory_space<vmem>>, %arg5: memref<4x576xf32, #tpu.memory_space<vmem>>, %arg6: memref<4x576xf32, #tpu.memory_space<vmem>>) attributes {dimension_semantics = [], scalar_prefetch = 0 : i64, scratch_operands = 0 : i64, tpu.core_type = #tpu.core_type<tc>} {
    %iota3A = tpu.iota {dimensions = array<i32: 1>} : vector<1x576xi32>
    %get3A = arith.constant 0 : index
    %get3A_0 = arith.constant 0 : index
    %get3A_1 = arith.constant 0 : index
    %get3A_2 = vector.load %arg0[%get3A, %get3A_0, %get3A_1] : memref<4x576x384xf32, #tpu.memory_space<vmem>>, vector<1x576x384xf32>
    %get3A_3 = vector.shape_cast %get3A_2 : vector<1x576x384xf32> to vector<576x384xf32>
    %mul3A = arith.mulf %get3A_3, %get3A_3 : vector<576x384xf32>
    %reduce_sum3A = arith.constant dense<0.000000e+00> : vector<576xf32>
    %reduce_sum3A_4 = vector.multi_reduction <add>, %mul3A, %reduce_sum3A [1] : vector<576x384xf32> to vector<576xf32>
    %broadcast_in_dim3A = vector.shape_cast %reduce_sum3A_4 : vector<576xf32> to vector<576x1xf32>
    %sqrt3A = math.sqrt %broadcast_in_dim3A : vector<576x1xf32>
    %max3A = arith.constant 9.99999996E-13 : f32
    %max3A_5 = vector.broadcast %max3A : f32 to vector<576x1xf32>
    %max3A_6 = arith.maximumf %sqrt3A, %max3A_5 : vector<576x1xf32>
    %div3A = vector.broadcast %max3A_6 : vector<576x1xf32> to vector<576x384xf32>
    %div3A_7 = arith.divf %get3A_3, %div3A : vector<576x384xf32>
    %dot_general3A = arith.constant dense<0.000000e+00> : vector<576x576xf32>
    %dot_general3A_8 = tpu.matmul %div3A_7, %div3A_7, %dot_general3A {dimension_numbers = #tpu.dot_dimension_numbers<[1], [1], [0], [0], [0, 0, 1, 0], [], []>, transpose_lhs_hint = false} : vector<576x384xf32>, vector<576x384xf32>, vector<576x576xf32> -> vector<576x576xf32>
    %get3A_9 = arith.constant 0 : index
    %get3A_10 = arith.constant 0 : index
    %get3A_11 = arith.constant 0 : index
    %get3A_12 = vector.load %arg1[%get3A_9, %get3A_10, %get3A_11] : memref<4x576x2xf32, #tpu.memory_space<vmem>>, vector<1x576x2xf32>
    %get3A_13 = vector.shape_cast %get3A_12 : vector<1x576x2xf32> to vector<576x2xf32>
    %slice3A = vector.extract_strided_slice %get3A_13 {offsets = [0, 0], sizes = [576, 1], strides = [1, 1]} : vector<576x2xf32> to vector<576x1xf32>
    %get3A_14 = arith.constant 0 : index
    %get3A_15 = arith.constant 0 : index
    %get3A_16 = arith.constant 0 : index
    %get3A_17 = vector.load %arg1[%get3A_14, %get3A_15, %get3A_16] : memref<4x576x2xf32, #tpu.memory_space<vmem>>, vector<1x576x2xf32>
    %get3A_18 = vector.shape_cast %get3A_17 : vector<1x576x2xf32> to vector<576x2xf32>
    %slice3A_19 = vector.extract_strided_slice %get3A_18 {offsets = [0, 1], sizes = [576, 1], strides = [1, 1]} : vector<576x2xf32> to vector<576x1xf32>
    %get3A_20 = arith.constant 0 : index
    %get3A_21 = arith.constant 0 : index
    %get3A_22 = arith.constant 0 : index
    %get3A_23 = vector.load %arg2[%get3A_20, %get3A_21, %get3A_22] : memref<4x2x576xf32, #tpu.memory_space<vmem>>, vector<1x2x576xf32>
    %get3A_24 = vector.shape_cast %get3A_23 : vector<1x2x576xf32> to vector<2x576xf32>
    %slice3A_25 = vector.extract_strided_slice %get3A_24 {offsets = [0, 0], sizes = [1, 576], strides = [1, 1]} : vector<2x576xf32> to vector<1x576xf32>
    %get3A_26 = arith.constant 0 : index
    %get3A_27 = arith.constant 0 : index
    %get3A_28 = arith.constant 0 : index
    %get3A_29 = vector.load %arg2[%get3A_26, %get3A_27, %get3A_28] : memref<4x2x576xf32, #tpu.memory_space<vmem>>, vector<1x2x576xf32>
    %get3A_30 = vector.shape_cast %get3A_29 : vector<1x2x576xf32> to vector<2x576xf32>
    %slice3A_31 = vector.extract_strided_slice %get3A_30 {offsets = [1, 0], sizes = [1, 576], strides = [1, 1]} : vector<2x576xf32> to vector<1x576xf32>
    %sub3A = vector.broadcast %slice3A : vector<576x1xf32> to vector<576x576xf32>
    %sub3A_32 = vector.broadcast %slice3A_25 : vector<1x576xf32> to vector<576x576xf32>
    %sub3A_33 = arith.subf %sub3A, %sub3A_32 : vector<576x576xf32>
    %sub3A_34 = vector.broadcast %slice3A_19 : vector<576x1xf32> to vector<576x576xf32>
    %sub3A_35 = vector.broadcast %slice3A_31 : vector<1x576xf32> to vector<576x576xf32>
    %sub3A_36 = arith.subf %sub3A_34, %sub3A_35 : vector<576x576xf32>
    %mul3A_37 = arith.mulf %sub3A_33, %sub3A_33 : vector<576x576xf32>
    %mul3A_38 = arith.mulf %sub3A_36, %sub3A_36 : vector<576x576xf32>
    %add3A = arith.addf %mul3A_37, %mul3A_38 : vector<576x576xf32>
    %sqrt3A_39 = math.sqrt %add3A : vector<576x576xf32>
    %mul3A_40 = arith.mulf %sqrt3A_39, %sqrt3A_39 : vector<576x576xf32>
    %neg3A = arith.constant 0.000000e+00 : f32
    %neg3A_41 = vector.broadcast %neg3A : f32 to vector<576x576xf32>
    %neg3A_42 = arith.subf %neg3A_41, %mul3A_40 : vector<576x576xf32>
    %div3A_43 = arith.constant 1.000000e+04 : f32
    %div3A_44 = vector.broadcast %div3A_43 : f32 to vector<576x576xf32>
    %div3A_45 = arith.divf %neg3A_42, %div3A_44 : vector<576x576xf32>
    %exp3A = math.exp %div3A_45 : vector<576x576xf32>
    %mul3A_46 = arith.constant 5.000000e-01 : f32
    %mul3A_47 = vector.broadcast %mul3A_46 : f32 to vector<576x576xf32>
    %mul3A_48 = arith.mulf %mul3A_47, %exp3A : vector<576x576xf32>
    %add3A_49 = arith.addf %dot_general3A_8, %mul3A_48 : vector<576x576xf32>
    %swap3A = arith.constant 0 : index
    %swap3A_50 = arith.constant 0 : index
    %swap3A_51 = arith.constant 0 : index
    %swap3A_52 = vector.load %arg3[%swap3A, %swap3A_50, %swap3A_51] : memref<4x576x576xf32, #tpu.memory_space<vmem>>, vector<1x576x576xf32>
    %swap3A_53 = vector.shape_cast %swap3A_52 : vector<1x576x576xf32> to vector<576x576xf32>
    %swap3A_54 = vector.shape_cast %add3A_49 : vector<576x576xf32> to vector<1x576x576xf32>
    tpu.vector_store %arg3[%swap3A, %swap3A_50, %swap3A_51], %swap3A_54 {strides = array<i32>} : memref<4x576x576xf32, #tpu.memory_space<vmem>>, vector<1x576x576xf32>,
    %get3A_55 = arith.constant 0 : index
    %get3A_56 = arith.constant 0 : index
    %get3A_57 = arith.constant 0 : index
    %get3A_58 = vector.load %arg3[%get3A_55, %get3A_56, %get3A_57] : memref<4x576x576xf32, #tpu.memory_space<vmem>>, vector<1x576x576xf32>
    %get3A_59 = vector.shape_cast %get3A_58 : vector<1x576x576xf32> to vector<576x576xf32>
    %reduce_sum3A_60 = arith.constant dense<0.000000e+00> : vector<576xf32>
    %reduce_sum3A_61 = vector.multi_reduction <add>, %get3A_59, %reduce_sum3A_60 [1] : vector<576x576xf32> to vector<576xf32>
    %broadcast_in_dim3A_62 = vector.shape_cast %reduce_sum3A_61 : vector<576xf32> to vector<576x1xf32>
    %reduce_max3A = vector.shape_cast %broadcast_in_dim3A_62 : vector<576x1xf32> to vector<1x576x1xf32>
    %reduce_max3A_63 = arith.constant dense<0xFF800000> : vector<1xf32>
    %reduce_max3A_64 = vector.multi_reduction <maximumf>, %reduce_max3A, %reduce_max3A_63 [1, 2] : vector<1x576x1xf32> to vector<1xf32>
    %reduce_max3A_65 = vector.shape_cast %reduce_max3A_64 : vector<1xf32> to vector<1x1x1xf32>
    %reduce_max3A_66 = vector.extract %reduce_max3A_65[0, 0, 0] : f32 from vector<1x1x1xf32>
    %iota3A_67 = tpu.iota {dimensions = array<i32: 0>} : vector<576x1xi32>
    %eq3A = vector.broadcast %reduce_max3A_66 : f32 to vector<576x1xf32>
    %eq3A_68 = arith.cmpf oeq, %broadcast_in_dim3A_62, %eq3A : vector<576x1xf32>
    %jit3A = arith.constant 576 : i32
    %broadcast_in_dim3A_69 = vector.broadcast %jit3A : i32 to vector<576x1xi32>
    %select_n3A = arith.select %eq3A_68, %iota3A_67, %broadcast_in_dim3A_69 : vector<576x1xi1>, vector<576x1xi32>
    %reduce_min3A = vector.shape_cast %select_n3A : vector<576x1xi32> to vector<1x576x1xi32>
    %reduce_min3A_70 = arith.constant dense<2147483647> : vector<1xi32>
    %reduce_min3A_71 = vector.multi_reduction <minsi>, %reduce_min3A, %reduce_min3A_70 [1, 2] : vector<1x576x1xi32> to vector<1xi32>
    %reduce_min3A_72 = vector.shape_cast %reduce_min3A_71 : vector<1xi32> to vector<1x1x1xi32>
    %reduce_min3A_73 = vector.extract %reduce_min3A_72[0, 0, 0] : i32 from vector<1x1x1xi32>
    %eq3A_74 = vector.broadcast %reduce_min3A_73 : i32 to vector<1x576xi32>
    %eq3A_75 = arith.cmpi eq, %iota3A, %eq3A_74 : vector<1x576xi32>
    %jit3A_76 = arith.constant -3.000000e+38 : f32
    %jit3A_77 = arith.constant 0.000000e+00 : f32
    %broadcast_in_dim3A_78 = vector.broadcast %jit3A_76 : f32 to vector<1x576xf32>
    %broadcast_in_dim3A_79 = vector.broadcast %jit3A_77 : f32 to vector<1x576xf32>
    %select_n3A_80 = arith.select %eq3A_75, %broadcast_in_dim3A_78, %broadcast_in_dim3A_79 : vector<1x576xi1>, vector<1x576xf32>
    %swap3A_81 = arith.constant 0 : index
    %swap3A_82 = arith.constant 0 : index
    %swap3A_83 = vector.load %arg4[%swap3A_81, %swap3A_82] : memref<4x576xf32, #tpu.memory_space<vmem>>, vector<1x576xf32>
    tpu.vector_store %arg4[%swap3A_81, %swap3A_82], %select_n3A_80 {strides = array<i32>} : memref<4x576xf32, #tpu.memory_space<vmem>>, vector<1x576xf32>,
    %get3A_84 = arith.constant 0 : index
    %get3A_85 = arith.index_cast %reduce_min3A_73 : i32 to index
    %get3A_86 = arith.constant 0 : index
    %get3A_87 = vector.load %arg3[%get3A_84, %get3A_85, %get3A_86] : memref<4x576x576xf32, #tpu.memory_space<vmem>>, vector<1x1x576xf32>
    %get3A_88 = vector.shape_cast %get3A_87 : vector<1x1x576xf32> to vector<1x576xf32>
    %swap3A_89 = arith.constant 0 : index
    %swap3A_90 = arith.constant 0 : index
    %swap3A_91 = vector.load %arg5[%swap3A_89, %swap3A_90] : memref<4x576xf32, #tpu.memory_space<vmem>>, vector<1x576xf32>
    tpu.vector_store %arg5[%swap3A_89, %swap3A_90], %get3A_88 {strides = array<i32>} : memref<4x576xf32, #tpu.memory_space<vmem>>, vector<1x576xf32>,
    %broadcast_in_dim3A_92 = vector.broadcast %reduce_min3A_73 : i32 to vector<1x576xi32>
    %convert_element_type3A = arith.sitofp %broadcast_in_dim3A_92 : vector<1x576xi32> to vector<1x576xf32>
    %swap3A_93 = arith.constant 0 : index
    %swap3A_94 = arith.constant 0 : index
    %swap3A_95 = vector.load %arg6[%swap3A_93, %swap3A_94] : memref<4x576xf32, #tpu.memory_space<vmem>>, vector<1x576xf32>
    tpu.vector_store %arg6[%swap3A_93, %swap3A_94], %convert_element_type3A {strides = array<i32>} : memref<4x576xf32, #tpu.memory_space<vmem>>, vector<1x576xf32>,
    %get3A_96 = arith.constant 1 : index
    %get3A_97 = arith.constant 0 : index
    %get3A_98 = arith.constant 0 : index
    %get3A_99 = vector.load %arg0[%get3A_96, %get3A_97, %get3A_98] : memref<4x576x384xf32, #tpu.memory_space<vmem>>, vector<1x576x384xf32>
    %get3A_100 = vector.shape_cast %get3A_99 : vector<1x576x384xf32> to vector<576x384xf32>
    %mul3A_101 = arith.mulf %get3A_100, %get3A_100 : vector<576x384xf32>
    %reduce_sum3A_102 = arith.constant dense<0.000000e+00> : vector<576xf32>
    %reduce_sum3A_103 = vector.multi_reduction <add>, %mul3A_101, %reduce_sum3A_102 [1] : vector<576x384xf32> to vector<576xf32>
    %broadcast_in_dim3A_104 = vector.shape_cast %reduce_sum3A_103 : vector<576xf32> to vector<576x1xf32>
    %sqrt3A_105 = math.sqrt %broadcast_in_dim3A_104 : vector<576x1xf32>
    %max3A_106 = arith.constant 9.99999996E-13 : f32
    %max3A_107 = vector.broadcast %max3A_106 : f32 to vector<576x1xf32>
    %max3A_108 = arith.maximumf %sqrt3A_105, %max3A_107 : vector<576x1xf32>
    %div3A_109 = vector.broadcast %max3A_108 : vector<576x1xf32> to vector<576x384xf32>
    %div3A_110 = arith.divf %get3A_100, %div3A_109 : vector<576x384xf32>
    %dot_general3A_111 = arith.constant dense<0.000000e+00> : vector<576x576xf32>
    %dot_general3A_112 = tpu.matmul %div3A_110, %div3A_110, %dot_general3A_111 {dimension_numbers = #tpu.dot_dimension_numbers<[1], [1], [0], [0], [0, 0, 1, 0], [], []>, transpose_lhs_hint = false} : vector<576x384xf32>, vector<576x384xf32>, vector<576x576xf32> -> vector<576x576xf32>
    %get3A_113 = arith.constant 1 : index
    %get3A_114 = arith.constant 0 : index
    %get3A_115 = arith.constant 0 : index
    %get3A_116 = vector.load %arg1[%get3A_113, %get3A_114, %get3A_115] : memref<4x576x2xf32, #tpu.memory_space<vmem>>, vector<1x576x2xf32>
    %get3A_117 = vector.shape_cast %get3A_116 : vector<1x576x2xf32> to vector<576x2xf32>
    %slice3A_118 = vector.extract_strided_slice %get3A_117 {offsets = [0, 0], sizes = [576, 1], strides = [1, 1]} : vector<576x2xf32> to vector<576x1xf32>
    %get3A_119 = arith.constant 1 : index
    %get3A_120 = arith.constant 0 : index
    %get3A_121 = arith.constant 0 : index
    %get3A_122 = vector.load %arg1[%get3A_119, %get3A_120, %get3A_121] : memref<4x576x2xf32, #tpu.memory_space<vmem>>, vector<1x576x2xf32>
    %get3A_123 = vector.shape_cast %get3A_122 : vector<1x576x2xf32> to vector<576x2xf32>
    %slice3A_124 = vector.extract_strided_slice %get3A_123 {offsets = [0, 1], sizes = [576, 1], strides = [1, 1]} : vector<576x2xf32> to vector<576x1xf32>
    %get3A_125 = arith.constant 1 : index
    %get3A_126 = arith.constant 0 : index
    %get3A_127 = arith.constant 0 : index
    %get3A_128 = vector.load %arg2[%get3A_125, %get3A_126, %get3A_127] : memref<4x2x576xf32, #tpu.memory_space<vmem>>, vector<1x2x576xf32>
    %get3A_129 = vector.shape_cast %get3A_128 : vector<1x2x576xf32> to vector<2x576xf32>
    %slice3A_130 = vector.extract_strided_slice %get3A_129 {offsets = [0, 0], sizes = [1, 576], strides = [1, 1]} : vector<2x576xf32> to vector<1x576xf32>
    %get3A_131 = arith.constant 1 : index
    %get3A_132 = arith.constant 0 : index
    %get3A_133 = arith.constant 0 : index
    %get3A_134 = vector.load %arg2[%get3A_131, %get3A_132, %get3A_133] : memref<4x2x576xf32, #tpu.memory_space<vmem>>, vector<1x2x576xf32>
    %get3A_135 = vector.shape_cast %get3A_134 : vector<1x2x576xf32> to vector<2x576xf32>
    %slice3A_136 = vector.extract_strided_slice %get3A_135 {offsets = [1, 0], sizes = [1, 576], strides = [1, 1]} : vector<2x576xf32> to vector<1x576xf32>
    %sub3A_137 = vector.broadcast %slice3A_118 : vector<576x1xf32> to vector<576x576xf32>
    %sub3A_138 = vector.broadcast %slice3A_130 : vector<1x576xf32> to vector<576x576xf32>
    %sub3A_139 = arith.subf %sub3A_137, %sub3A_138 : vector<576x576xf32>
    %sub3A_140 = vector.broadcast %slice3A_124 : vector<576x1xf32> to vector<576x576xf32>
    %sub3A_141 = vector.broadcast %slice3A_136 : vector<1x576xf32> to vector<576x576xf32>
    %sub3A_142 = arith.subf %sub3A_140, %sub3A_141 : vector<576x576xf32>
    %mul3A_143 = arith.mulf %sub3A_139, %sub3A_139 : vector<576x576xf32>
    %mul3A_144 = arith.mulf %sub3A_142, %sub3A_142 : vector<576x576xf32>
    %add3A_145 = arith.addf %mul3A_143, %mul3A_144 : vector<576x576xf32>
    %sqrt3A_146 = math.sqrt %add3A_145 : vector<576x576xf32>
    %mul3A_147 = arith.mulf %sqrt3A_146, %sqrt3A_146 : vector<576x576xf32>
    %neg3A_148 = arith.constant 0.000000e+00 : f32
    %neg3A_149 = vector.broadcast %neg3A_148 : f32 to vector<576x576xf32>
    %neg3A_150 = arith.subf %neg3A_149, %mul3A_147 : vector<576x576xf32>
    %div3A_151 = arith.constant 1.000000e+04 : f32
    %div3A_152 = vector.broadcast %div3A_151 : f32 to vector<576x576xf32>
    %div3A_153 = arith.divf %neg3A_150, %div3A_152 : vector<576x576xf32>
    %exp3A_154 = math.exp %div3A_153 : vector<576x576xf32>
    %mul3A_155 = arith.constant 5.000000e-01 : f32
    %mul3A_156 = vector.broadcast %mul3A_155 : f32 to vector<576x576xf32>
    %mul3A_157 = arith.mulf %mul3A_156, %exp3A_154 : vector<576x576xf32>
    %add3A_158 = arith.addf %dot_general3A_112, %mul3A_157 : vector<576x576xf32>
    %swap3A_159 = arith.constant 1 : index
    %swap3A_160 = arith.constant 0 : index
    %swap3A_161 = arith.constant 0 : index
    %swap3A_162 = vector.load %arg3[%swap3A_159, %swap3A_160, %swap3A_161] : memref<4x576x576xf32, #tpu.memory_space<vmem>>, vector<1x576x576xf32>
    %swap3A_163 = vector.shape_cast %swap3A_162 : vector<1x576x576xf32> to vector<576x576xf32>
    %swap3A_164 = vector.shape_cast %add3A_158 : vector<576x576xf32> to vector<1x576x576xf32>
    tpu.vector_store %arg3[%swap3A_159, %swap3A_160, %swap3A_161], %swap3A_164 {strides = array<i32>} : memref<4x576x576xf32, #tpu.memory_space<vmem>>, vector<1x576x576xf32>,
    %get3A_165 = arith.constant 1 : index
    %get3A_166 = arith.constant 0 : index
    %get3A_167 = arith.constant 0 : index
    %get3A_168 = vector.load %arg3[%get3A_165, %get3A_166, %get3A_167] : memref<4x576x576xf32, #tpu.memory_space<vmem>>, vector<1x576x576xf32>
    %get3A_169 = vector.shape_cast %get3A_168 : vector<1x576x576xf32> to vector<576x576xf32>
    %reduce_sum3A_170 = arith.constant dense<0.000000e+00> : vector<576xf32>
    %reduce_sum3A_171 = vector.multi_reduction <add>, %get3A_169, %reduce_sum3A_170 [1] : vector<576x576xf32> to vector<576xf32>
    %broadcast_in_dim3A_172 = vector.shape_cast %reduce_sum3A_171 : vector<576xf32> to vector<576x1xf32>
    %reduce_max3A_173 = vector.shape_cast %broadcast_in_dim3A_172 : vector<576x1xf32> to vector<1x576x1xf32>
    %reduce_max3A_174 = arith.constant dense<0xFF800000> : vector<1xf32>
    %reduce_max3A_175 = vector.multi_reduction <maximumf>, %reduce_max3A_173, %reduce_max3A_174 [1, 2] : vector<1x576x1xf32> to vector<1xf32>
    %reduce_max3A_176 = vector.shape_cast %reduce_max3A_175 : vector<1xf32> to vector<1x1x1xf32>
    %reduce_max3A_177 = vector.extract %reduce_max3A_176[0, 0, 0] : f32 from vector<1x1x1xf32>
    %iota3A_178 = tpu.iota {dimensions = array<i32: 0>} : vector<576x1xi32>
    %eq3A_179 = vector.broadcast %reduce_max3A_177 : f32 to vector<576x1xf32>
    %eq3A_180 = arith.cmpf oeq, %broadcast_in_dim3A_172, %eq3A_179 : vector<576x1xf32>
    %jit3A_181 = arith.constant 576 : i32
    %broadcast_in_dim3A_182 = vector.broadcast %jit3A_181 : i32 to vector<576x1xi32>
    %select_n3A_183 = arith.select %eq3A_180, %iota3A_178, %broadcast_in_dim3A_182 : vector<576x1xi1>, vector<576x1xi32>
    %reduce_min3A_184 = vector.shape_cast %select_n3A_183 : vector<576x1xi32> to vector<1x576x1xi32>
    %reduce_min3A_185 = arith.constant dense<2147483647> : vector<1xi32>
    %reduce_min3A_186 = vector.multi_reduction <minsi>, %reduce_min3A_184, %reduce_min3A_185 [1, 2] : vector<1x576x1xi32> to vector<1xi32>
    %reduce_min3A_187 = vector.shape_cast %reduce_min3A_186 : vector<1xi32> to vector<1x1x1xi32>
    %reduce_min3A_188 = vector.extract %reduce_min3A_187[0, 0, 0] : i32 from vector<1x1x1xi32>
    %eq3A_189 = vector.broadcast %reduce_min3A_188 : i32 to vector<1x576xi32>
    %eq3A_190 = arith.cmpi eq, %iota3A, %eq3A_189 : vector<1x576xi32>
    %jit3A_191 = arith.constant -3.000000e+38 : f32
    %jit3A_192 = arith.constant 0.000000e+00 : f32
    %broadcast_in_dim3A_193 = vector.broadcast %jit3A_191 : f32 to vector<1x576xf32>
    %broadcast_in_dim3A_194 = vector.broadcast %jit3A_192 : f32 to vector<1x576xf32>
    %select_n3A_195 = arith.select %eq3A_190, %broadcast_in_dim3A_193, %broadcast_in_dim3A_194 : vector<1x576xi1>, vector<1x576xf32>
    %swap3A_196 = arith.constant 1 : index
    %swap3A_197 = arith.constant 0 : index
    %swap3A_198 = vector.load %arg4[%swap3A_196, %swap3A_197] : memref<4x576xf32, #tpu.memory_space<vmem>>, vector<1x576xf32>
    tpu.vector_store %arg4[%swap3A_196, %swap3A_197], %select_n3A_195 {strides = array<i32>} : memref<4x576xf32, #tpu.memory_space<vmem>>, vector<1x576xf32>,
    %get3A_199 = arith.constant 1 : index
    %get3A_200 = arith.index_cast %reduce_min3A_188 : i32 to index
    %get3A_201 = arith.constant 0 : index
    %get3A_202 = vector.load %arg3[%get3A_199, %get3A_200, %get3A_201] : memref<4x576x576xf32, #tpu.memory_space<vmem>>, vector<1x1x576xf32>
    %get3A_203 = vector.shape_cast %get3A_202 : vector<1x1x576xf32> to vector<1x576xf32>
    %swap3A_204 = arith.constant 1 : index
    %swap3A_205 = arith.constant 0 : index
    %swap3A_206 = vector.load %arg5[%swap3A_204, %swap3A_205] : memref<4x576xf32, #tpu.memory_space<vmem>>, vector<1x576xf32>
    tpu.vector_store %arg5[%swap3A_204, %swap3A_205], %get3A_203 {strides = array<i32>} : memref<4x576xf32, #tpu.memory_space<vmem>>, vector<1x576xf32>,
    %broadcast_in_dim3A_207 = vector.broadcast %reduce_min3A_188 : i32 to vector<1x576xi32>
    %convert_element_type3A_208 = arith.sitofp %broadcast_in_dim3A_207 : vector<1x576xi32> to vector<1x576xf32>
    %swap3A_209 = arith.constant 1 : index
    %swap3A_210 = arith.constant 0 : index
    %swap3A_211 = vector.load %arg6[%swap3A_209, %swap3A_210] : memref<4x576xf32, #tpu.memory_space<vmem>>, vector<1x576xf32>
    tpu.vector_store %arg6[%swap3A_209, %swap3A_210], %convert_element_type3A_208 {strides = array<i32>} : memref<4x576xf32, #tpu.memory_space<vmem>>, vector<1x576xf32>,
    %get3A_212 = arith.constant 2 : index
    %get3A_213 = arith.constant 0 : index
    %get3A_214 = arith.constant 0 : index
    %get3A_215 = vector.load %arg0[%get3A_212, %get3A_213, %get3A_214] : memref<4x576x384xf32, #tpu.memory_space<vmem>>, vector<1x576x384xf32>
    %get3A_216 = vector.shape_cast %get3A_215 : vector<1x576x384xf32> to vector<576x384xf32>
    %mul3A_217 = arith.mulf %get3A_216, %get3A_216 : vector<576x384xf32>
    %reduce_sum3A_218 = arith.constant dense<0.000000e+00> : vector<576xf32>
    %reduce_sum3A_219 = vector.multi_reduction <add>, %mul3A_217, %reduce_sum3A_218 [1] : vector<576x384xf32> to vector<576xf32>
    %broadcast_in_dim3A_220 = vector.shape_cast %reduce_sum3A_219 : vector<576xf32> to vector<576x1xf32>
    %sqrt3A_221 = math.sqrt %broadcast_in_dim3A_220 : vector<576x1xf32>
    %max3A_222 = arith.constant 9.99999996E-13 : f32
    %max3A_223 = vector.broadcast %max3A_222 : f32 to vector<576x1xf32>
    %max3A_224 = arith.maximumf %sqrt3A_221, %max3A_223 : vector<576x1xf32>
    %div3A_225 = vector.broadcast %max3A_224 : vector<576x1xf32> to vector<576x384xf32>
    %div3A_226 = arith.divf %get3A_216, %div3A_225 : vector<576x384xf32>
    %dot_general3A_227 = arith.constant dense<0.000000e+00> : vector<576x576xf32>
    %dot_general3A_228 = tpu.matmul %div3A_226, %div3A_226, %dot_general3A_227 {dimension_numbers = #tpu.dot_dimension_numbers<[1], [1], [0], [0], [0, 0, 1, 0], [], []>, transpose_lhs_hint = false} : vector<576x384xf32>, vector<576x384xf32>, vector<576x576xf32> -> vector<576x576xf32>
    %get3A_229 = arith.constant 2 : index
    %get3A_230 = arith.constant 0 : index
    %get3A_231 = arith.constant 0 : index
    %get3A_232 = vector.load %arg1[%get3A_229, %get3A_230, %get3A_231] : memref<4x576x2xf32, #tpu.memory_space<vmem>>, vector<1x576x2xf32>
    %get3A_233 = vector.shape_cast %get3A_232 : vector<1x576x2xf32> to vector<576x2xf32>
    %slice3A_234 = vector.extract_strided_slice %get3A_233 {offsets = [0, 0], sizes = [576, 1], strides = [1, 1]} : vector<576x2xf32> to vector<576x1xf32>
    %get3A_235 = arith.constant 2 : index
    %get3A_236 = arith.constant 0 : index
    %get3A_237 = arith.constant 0 : index
    %get3A_238 = vector.load %arg1[%get3A_235, %get3A_236, %get3A_237] : memref<4x576x2xf32, #tpu.memory_space<vmem>>, vector<1x576x2xf32>
    %get3A_239 = vector.shape_cast %get3A_238 : vector<1x576x2xf32> to vector<576x2xf32>
    %slice3A_240 = vector.extract_strided_slice %get3A_239 {offsets = [0, 1], sizes = [576, 1], strides = [1, 1]} : vector<576x2xf32> to vector<576x1xf32>
    %get3A_241 = arith.constant 2 : index
    %get3A_242 = arith.constant 0 : index
    %get3A_243 = arith.constant 0 : index
    %get3A_244 = vector.load %arg2[%get3A_241, %get3A_242, %get3A_243] : memref<4x2x576xf32, #tpu.memory_space<vmem>>, vector<1x2x576xf32>
    %get3A_245 = vector.shape_cast %get3A_244 : vector<1x2x576xf32> to vector<2x576xf32>
    %slice3A_246 = vector.extract_strided_slice %get3A_245 {offsets = [0, 0], sizes = [1, 576], strides = [1, 1]} : vector<2x576xf32> to vector<1x576xf32>
    %get3A_247 = arith.constant 2 : index
    %get3A_248 = arith.constant 0 : index
    %get3A_249 = arith.constant 0 : index
    %get3A_250 = vector.load %arg2[%get3A_247, %get3A_248, %get3A_249] : memref<4x2x576xf32, #tpu.memory_space<vmem>>, vector<1x2x576xf32>
    %get3A_251 = vector.shape_cast %get3A_250 : vector<1x2x576xf32> to vector<2x576xf32>
    %slice3A_252 = vector.extract_strided_slice %get3A_251 {offsets = [1, 0], sizes = [1, 576], strides = [1, 1]} : vector<2x576xf32> to vector<1x576xf32>
    %sub3A_253 = vector.broadcast %slice3A_234 : vector<576x1xf32> to vector<576x576xf32>
    %sub3A_254 = vector.broadcast %slice3A_246 : vector<1x576xf32> to vector<576x576xf32>
    %sub3A_255 = arith.subf %sub3A_253, %sub3A_254 : vector<576x576xf32>
    %sub3A_256 = vector.broadcast %slice3A_240 : vector<576x1xf32> to vector<576x576xf32>
    %sub3A_257 = vector.broadcast %slice3A_252 : vector<1x576xf32> to vector<576x576xf32>
    %sub3A_258 = arith.subf %sub3A_256, %sub3A_257 : vector<576x576xf32>
    %mul3A_259 = arith.mulf %sub3A_255, %sub3A_255 : vector<576x576xf32>
    %mul3A_260 = arith.mulf %sub3A_258, %sub3A_258 : vector<576x576xf32>
    %add3A_261 = arith.addf %mul3A_259, %mul3A_260 : vector<576x576xf32>
    %sqrt3A_262 = math.sqrt %add3A_261 : vector<576x576xf32>
    %mul3A_263 = arith.mulf %sqrt3A_262, %sqrt3A_262 : vector<576x576xf32>
    %neg3A_264 = arith.constant 0.000000e+00 : f32
    %neg3A_265 = vector.broadcast %neg3A_264 : f32 to vector<576x576xf32>
    %neg3A_266 = arith.subf %neg3A_265, %mul3A_263 : vector<576x576xf32>
    %div3A_267 = arith.constant 1.000000e+04 : f32
    %div3A_268 = vector.broadcast %div3A_267 : f32 to vector<576x576xf32>
    %div3A_269 = arith.divf %neg3A_266, %div3A_268 : vector<576x576xf32>
    %exp3A_270 = math.exp %div3A_269 : vector<576x576xf32>
    %mul3A_271 = arith.constant 5.000000e-01 : f32
    %mul3A_272 = vector.broadcast %mul3A_271 : f32 to vector<576x576xf32>
    %mul3A_273 = arith.mulf %mul3A_272, %exp3A_270 : vector<576x576xf32>
    %add3A_274 = arith.addf %dot_general3A_228, %mul3A_273 : vector<576x576xf32>
    %swap3A_275 = arith.constant 2 : index
    %swap3A_276 = arith.constant 0 : index
    %swap3A_277 = arith.constant 0 : index
    %swap3A_278 = vector.load %arg3[%swap3A_275, %swap3A_276, %swap3A_277] : memref<4x576x576xf32, #tpu.memory_space<vmem>>, vector<1x576x576xf32>
    %swap3A_279 = vector.shape_cast %swap3A_278 : vector<1x576x576xf32> to vector<576x576xf32>
    %swap3A_280 = vector.shape_cast %add3A_274 : vector<576x576xf32> to vector<1x576x576xf32>
    tpu.vector_store %arg3[%swap3A_275, %swap3A_276, %swap3A_277], %swap3A_280 {strides = array<i32>} : memref<4x576x576xf32, #tpu.memory_space<vmem>>, vector<1x576x576xf32>,
    %get3A_281 = arith.constant 2 : index
    %get3A_282 = arith.constant 0 : index
    %get3A_283 = arith.constant 0 : index
    %get3A_284 = vector.load %arg3[%get3A_281, %get3A_282, %get3A_283] : memref<4x576x576xf32, #tpu.memory_space<vmem>>, vector<1x576x576xf32>
    %get3A_285 = vector.shape_cast %get3A_284 : vector<1x576x576xf32> to vector<576x576xf32>
    %reduce_sum3A_286 = arith.constant dense<0.000000e+00> : vector<576xf32>
    %reduce_sum3A_287 = vector.multi_reduction <add>, %get3A_285, %reduce_sum3A_286 [1] : vector<576x576xf32> to vector<576xf32>
    %broadcast_in_dim3A_288 = vector.shape_cast %reduce_sum3A_287 : vector<576xf32> to vector<576x1xf32>
    %reduce_max3A_289 = vector.shape_cast %broadcast_in_dim3A_288 : vector<576x1xf32> to vector<1x576x1xf32>
    %reduce_max3A_290 = arith.constant dense<0xFF800000> : vector<1xf32>
    %reduce_max3A_291 = vector.multi_reduction <maximumf>, %reduce_max3A_289, %reduce_max3A_290 [1, 2] : vector<1x576x1xf32> to vector<1xf32>
    %reduce_max3A_292 = vector.shape_cast %reduce_max3A_291 : vector<1xf32> to vector<1x1x1xf32>
    %reduce_max3A_293 = vector.extract %reduce_max3A_292[0, 0, 0] : f32 from vector<1x1x1xf32>
    %iota3A_294 = tpu.iota {dimensions = array<i32: 0>} : vector<576x1xi32>
    %eq3A_295 = vector.broadcast %reduce_max3A_293 : f32 to vector<576x1xf32>
    %eq3A_296 = arith.cmpf oeq, %broadcast_in_dim3A_288, %eq3A_295 : vector<576x1xf32>
    %jit3A_297 = arith.constant 576 : i32
    %broadcast_in_dim3A_298 = vector.broadcast %jit3A_297 : i32 to vector<576x1xi32>
    %select_n3A_299 = arith.select %eq3A_296, %iota3A_294, %broadcast_in_dim3A_298 : vector<576x1xi1>, vector<576x1xi32>
    %reduce_min3A_300 = vector.shape_cast %select_n3A_299 : vector<576x1xi32> to vector<1x576x1xi32>
    %reduce_min3A_301 = arith.constant dense<2147483647> : vector<1xi32>
    %reduce_min3A_302 = vector.multi_reduction <minsi>, %reduce_min3A_300, %reduce_min3A_301 [1, 2] : vector<1x576x1xi32> to vector<1xi32>
    %reduce_min3A_303 = vector.shape_cast %reduce_min3A_302 : vector<1xi32> to vector<1x1x1xi32>
    %reduce_min3A_304 = vector.extract %reduce_min3A_303[0, 0, 0] : i32 from vector<1x1x1xi32>
    %eq3A_305 = vector.broadcast %reduce_min3A_304 : i32 to vector<1x576xi32>
    %eq3A_306 = arith.cmpi eq, %iota3A, %eq3A_305 : vector<1x576xi32>
    %jit3A_307 = arith.constant -3.000000e+38 : f32
    %jit3A_308 = arith.constant 0.000000e+00 : f32
    %broadcast_in_dim3A_309 = vector.broadcast %jit3A_307 : f32 to vector<1x576xf32>
    %broadcast_in_dim3A_310 = vector.broadcast %jit3A_308 : f32 to vector<1x576xf32>
    %select_n3A_311 = arith.select %eq3A_306, %broadcast_in_dim3A_309, %broadcast_in_dim3A_310 : vector<1x576xi1>, vector<1x576xf32>
    %swap3A_312 = arith.constant 2 : index
    %swap3A_313 = arith.constant 0 : index
    %swap3A_314 = vector.load %arg4[%swap3A_312, %swap3A_313] : memref<4x576xf32, #tpu.memory_space<vmem>>, vector<1x576xf32>
    tpu.vector_store %arg4[%swap3A_312, %swap3A_313], %select_n3A_311 {strides = array<i32>} : memref<4x576xf32, #tpu.memory_space<vmem>>, vector<1x576xf32>,
    %get3A_315 = arith.constant 2 : index
    %get3A_316 = arith.index_cast %reduce_min3A_304 : i32 to index
    %get3A_317 = arith.constant 0 : index
    %get3A_318 = vector.load %arg3[%get3A_315, %get3A_316, %get3A_317] : memref<4x576x576xf32, #tpu.memory_space<vmem>>, vector<1x1x576xf32>
    %get3A_319 = vector.shape_cast %get3A_318 : vector<1x1x576xf32> to vector<1x576xf32>
    %swap3A_320 = arith.constant 2 : index
    %swap3A_321 = arith.constant 0 : index
    %swap3A_322 = vector.load %arg5[%swap3A_320, %swap3A_321] : memref<4x576xf32, #tpu.memory_space<vmem>>, vector<1x576xf32>
    tpu.vector_store %arg5[%swap3A_320, %swap3A_321], %get3A_319 {strides = array<i32>} : memref<4x576xf32, #tpu.memory_space<vmem>>, vector<1x576xf32>,
    %broadcast_in_dim3A_323 = vector.broadcast %reduce_min3A_304 : i32 to vector<1x576xi32>
    %convert_element_type3A_324 = arith.sitofp %broadcast_in_dim3A_323 : vector<1x576xi32> to vector<1x576xf32>
    %swap3A_325 = arith.constant 2 : index
    %swap3A_326 = arith.constant 0 : index
    %swap3A_327 = vector.load %arg6[%swap3A_325, %swap3A_326] : memref<4x576xf32, #tpu.memory_space<vmem>>, vector<1x576xf32>
    tpu.vector_store %arg6[%swap3A_325, %swap3A_326], %convert_element_type3A_324 {strides = array<i32>} : memref<4x576xf32, #tpu.memory_space<vmem>>, vector<1x576xf32>,
    %get3A_328 = arith.constant 3 : index
    %get3A_329 = arith.constant 0 : index
    %get3A_330 = arith.constant 0 : index
    %get3A_331 = vector.load %arg0[%get3A_328, %get3A_329, %get3A_330] : memref<4x576x384xf32, #tpu.memory_space<vmem>>, vector<1x576x384xf32>
    %get3A_332 = vector.shape_cast %get3A_331 : vector<1x576x384xf32> to vector<576x384xf32>
    %mul3A_333 = arith.mulf %get3A_332, %get3A_332 : vector<576x384xf32>
    %reduce_sum3A_334 = arith.constant dense<0.000000e+00> : vector<576xf32>
    %reduce_sum3A_335 = vector.multi_reduction <add>, %mul3A_333, %reduce_sum3A_334 [1] : vector<576x384xf32> to vector<576xf32>
    %broadcast_in_dim3A_336 = vector.shape_cast %reduce_sum3A_335 : vector<576xf32> to vector<576x1xf32>
    %sqrt3A_337 = math.sqrt %broadcast_in_dim3A_336 : vector<576x1xf32>
    %max3A_338 = arith.constant 9.99999996E-13 : f32
    %max3A_339 = vector.broadcast %max3A_338 : f32 to vector<576x1xf32>
    %max3A_340 = arith.maximumf %sqrt3A_337, %max3A_339 : vector<576x1xf32>
    %div3A_341 = vector.broadcast %max3A_340 : vector<576x1xf32> to vector<576x384xf32>
    %div3A_342 = arith.divf %get3A_332, %div3A_341 : vector<576x384xf32>
    %dot_general3A_343 = arith.constant dense<0.000000e+00> : vector<576x576xf32>
    %dot_general3A_344 = tpu.matmul %div3A_342, %div3A_342, %dot_general3A_343 {dimension_numbers = #tpu.dot_dimension_numbers<[1], [1], [0], [0], [0, 0, 1, 0], [], []>, transpose_lhs_hint = false} : vector<576x384xf32>, vector<576x384xf32>, vector<576x576xf32> -> vector<576x576xf32>
    %get3A_345 = arith.constant 3 : index
    %get3A_346 = arith.constant 0 : index
    %get3A_347 = arith.constant 0 : index
    %get3A_348 = vector.load %arg1[%get3A_345, %get3A_346, %get3A_347] : memref<4x576x2xf32, #tpu.memory_space<vmem>>, vector<1x576x2xf32>
    %get3A_349 = vector.shape_cast %get3A_348 : vector<1x576x2xf32> to vector<576x2xf32>
    %slice3A_350 = vector.extract_strided_slice %get3A_349 {offsets = [0, 0], sizes = [576, 1], strides = [1, 1]} : vector<576x2xf32> to vector<576x1xf32>
    %get3A_351 = arith.constant 3 : index
    %get3A_352 = arith.constant 0 : index
    %get3A_353 = arith.constant 0 : index
    %get3A_354 = vector.load %arg1[%get3A_351, %get3A_352, %get3A_353] : memref<4x576x2xf32, #tpu.memory_space<vmem>>, vector<1x576x2xf32>
    %get3A_355 = vector.shape_cast %get3A_354 : vector<1x576x2xf32> to vector<576x2xf32>
    %slice3A_356 = vector.extract_strided_slice %get3A_355 {offsets = [0, 1], sizes = [576, 1], strides = [1, 1]} : vector<576x2xf32> to vector<576x1xf32>
    %get3A_357 = arith.constant 3 : index
    %get3A_358 = arith.constant 0 : index
    %get3A_359 = arith.constant 0 : index
    %get3A_360 = vector.load %arg2[%get3A_357, %get3A_358, %get3A_359] : memref<4x2x576xf32, #tpu.memory_space<vmem>>, vector<1x2x576xf32>
    %get3A_361 = vector.shape_cast %get3A_360 : vector<1x2x576xf32> to vector<2x576xf32>
    %slice3A_362 = vector.extract_strided_slice %get3A_361 {offsets = [0, 0], sizes = [1, 576], strides = [1, 1]} : vector<2x576xf32> to vector<1x576xf32>
    %get3A_363 = arith.constant 3 : index
    %get3A_364 = arith.constant 0 : index
    %get3A_365 = arith.constant 0 : index
    %get3A_366 = vector.load %arg2[%get3A_363, %get3A_364, %get3A_365] : memref<4x2x576xf32, #tpu.memory_space<vmem>>, vector<1x2x576xf32>
    %get3A_367 = vector.shape_cast %get3A_366 : vector<1x2x576xf32> to vector<2x576xf32>
    %slice3A_368 = vector.extract_strided_slice %get3A_367 {offsets = [1, 0], sizes = [1, 576], strides = [1, 1]} : vector<2x576xf32> to vector<1x576xf32>
    %sub3A_369 = vector.broadcast %slice3A_350 : vector<576x1xf32> to vector<576x576xf32>
    %sub3A_370 = vector.broadcast %slice3A_362 : vector<1x576xf32> to vector<576x576xf32>
    %sub3A_371 = arith.subf %sub3A_369, %sub3A_370 : vector<576x576xf32>
    %sub3A_372 = vector.broadcast %slice3A_356 : vector<576x1xf32> to vector<576x576xf32>
    %sub3A_373 = vector.broadcast %slice3A_368 : vector<1x576xf32> to vector<576x576xf32>
    %sub3A_374 = arith.subf %sub3A_372, %sub3A_373 : vector<576x576xf32>
    %mul3A_375 = arith.mulf %sub3A_371, %sub3A_371 : vector<576x576xf32>
    %mul3A_376 = arith.mulf %sub3A_374, %sub3A_374 : vector<576x576xf32>
    %add3A_377 = arith.addf %mul3A_375, %mul3A_376 : vector<576x576xf32>
    %sqrt3A_378 = math.sqrt %add3A_377 : vector<576x576xf32>
    %mul3A_379 = arith.mulf %sqrt3A_378, %sqrt3A_378 : vector<576x576xf32>
    %neg3A_380 = arith.constant 0.000000e+00 : f32
    %neg3A_381 = vector.broadcast %neg3A_380 : f32 to vector<576x576xf32>
    %neg3A_382 = arith.subf %neg3A_381, %mul3A_379 : vector<576x576xf32>
    %div3A_383 = arith.constant 1.000000e+04 : f32
    %div3A_384 = vector.broadcast %div3A_383 : f32 to vector<576x576xf32>
    %div3A_385 = arith.divf %neg3A_382, %div3A_384 : vector<576x576xf32>
    %exp3A_386 = math.exp %div3A_385 : vector<576x576xf32>
    %mul3A_387 = arith.constant 5.000000e-01 : f32
    %mul3A_388 = vector.broadcast %mul3A_387 : f32 to vector<576x576xf32>
    %mul3A_389 = arith.mulf %mul3A_388, %exp3A_386 : vector<576x576xf32>
    %add3A_390 = arith.addf %dot_general3A_344, %mul3A_389 : vector<576x576xf32>
    %swap3A_391 = arith.constant 3 : index
    %swap3A_392 = arith.constant 0 : index
    %swap3A_393 = arith.constant 0 : index
    %swap3A_394 = vector.load %arg3[%swap3A_391, %swap3A_392, %swap3A_393] : memref<4x576x576xf32, #tpu.memory_space<vmem>>, vector<1x576x576xf32>
    %swap3A_395 = vector.shape_cast %swap3A_394 : vector<1x576x576xf32> to vector<576x576xf32>
    %swap3A_396 = vector.shape_cast %add3A_390 : vector<576x576xf32> to vector<1x576x576xf32>
    tpu.vector_store %arg3[%swap3A_391, %swap3A_392, %swap3A_393], %swap3A_396 {strides = array<i32>} : memref<4x576x576xf32, #tpu.memory_space<vmem>>, vector<1x576x576xf32>,
    %get3A_397 = arith.constant 3 : index
    %get3A_398 = arith.constant 0 : index
    %get3A_399 = arith.constant 0 : index
    %get3A_400 = vector.load %arg3[%get3A_397, %get3A_398, %get3A_399] : memref<4x576x576xf32, #tpu.memory_space<vmem>>, vector<1x576x576xf32>
    %get3A_401 = vector.shape_cast %get3A_400 : vector<1x576x576xf32> to vector<576x576xf32>
    %reduce_sum3A_402 = arith.constant dense<0.000000e+00> : vector<576xf32>
    %reduce_sum3A_403 = vector.multi_reduction <add>, %get3A_401, %reduce_sum3A_402 [1] : vector<576x576xf32> to vector<576xf32>
    %broadcast_in_dim3A_404 = vector.shape_cast %reduce_sum3A_403 : vector<576xf32> to vector<576x1xf32>
    %reduce_max3A_405 = vector.shape_cast %broadcast_in_dim3A_404 : vector<576x1xf32> to vector<1x576x1xf32>
    %reduce_max3A_406 = arith.constant dense<0xFF800000> : vector<1xf32>
    %reduce_max3A_407 = vector.multi_reduction <maximumf>, %reduce_max3A_405, %reduce_max3A_406 [1, 2] : vector<1x576x1xf32> to vector<1xf32>
    %reduce_max3A_408 = vector.shape_cast %reduce_max3A_407 : vector<1xf32> to vector<1x1x1xf32>
    %reduce_max3A_409 = vector.extract %reduce_max3A_408[0, 0, 0] : f32 from vector<1x1x1xf32>
    %iota3A_410 = tpu.iota {dimensions = array<i32: 0>} : vector<576x1xi32>
    %eq3A_411 = vector.broadcast %reduce_max3A_409 : f32 to vector<576x1xf32>
    %eq3A_412 = arith.cmpf oeq, %broadcast_in_dim3A_404, %eq3A_411 : vector<576x1xf32>
    %jit3A_413 = arith.constant 576 : i32
    %broadcast_in_dim3A_414 = vector.broadcast %jit3A_413 : i32 to vector<576x1xi32>
    %select_n3A_415 = arith.select %eq3A_412, %iota3A_410, %broadcast_in_dim3A_414 : vector<576x1xi1>, vector<576x1xi32>
    %reduce_min3A_416 = vector.shape_cast %select_n3A_415 : vector<576x1xi32> to vector<1x576x1xi32>
    %reduce_min3A_417 = arith.constant dense<2147483647> : vector<1xi32>
    %reduce_min3A_418 = vector.multi_reduction <minsi>, %reduce_min3A_416, %reduce_min3A_417 [1, 2] : vector<1x576x1xi32> to vector<1xi32>
    %reduce_min3A_419 = vector.shape_cast %reduce_min3A_418 : vector<1xi32> to vector<1x1x1xi32>
    %reduce_min3A_420 = vector.extract %reduce_min3A_419[0, 0, 0] : i32 from vector<1x1x1xi32>
    %eq3A_421 = vector.broadcast %reduce_min3A_420 : i32 to vector<1x576xi32>
    %eq3A_422 = arith.cmpi eq, %iota3A, %eq3A_421 : vector<1x576xi32>
    %jit3A_423 = arith.constant -3.000000e+38 : f32
    %jit3A_424 = arith.constant 0.000000e+00 : f32
    %broadcast_in_dim3A_425 = vector.broadcast %jit3A_423 : f32 to vector<1x576xf32>
    %broadcast_in_dim3A_426 = vector.broadcast %jit3A_424 : f32 to vector<1x576xf32>
    %select_n3A_427 = arith.select %eq3A_422, %broadcast_in_dim3A_425, %broadcast_in_dim3A_426 : vector<1x576xi1>, vector<1x576xf32>
    %swap3A_428 = arith.constant 3 : index
    %swap3A_429 = arith.constant 0 : index
    %swap3A_430 = vector.load %arg4[%swap3A_428, %swap3A_429] : memref<4x576xf32, #tpu.memory_space<vmem>>, vector<1x576xf32>
    tpu.vector_store %arg4[%swap3A_428, %swap3A_429], %select_n3A_427 {strides = array<i32>} : memref<4x576xf32, #tpu.memory_space<vmem>>, vector<1x576xf32>,
    %get3A_431 = arith.constant 3 : index
    %get3A_432 = arith.index_cast %reduce_min3A_420 : i32 to index
    %get3A_433 = arith.constant 0 : index
    %get3A_434 = vector.load %arg3[%get3A_431, %get3A_432, %get3A_433] : memref<4x576x576xf32, #tpu.memory_space<vmem>>, vector<1x1x576xf32>
    %get3A_435 = vector.shape_cast %get3A_434 : vector<1x1x576xf32> to vector<1x576xf32>
    %swap3A_436 = arith.constant 3 : index
    %swap3A_437 = arith.constant 0 : index
    %swap3A_438 = vector.load %arg5[%swap3A_436, %swap3A_437] : memref<4x576xf32, #tpu.memory_space<vmem>>, vector<1x576xf32>
    tpu.vector_store %arg5[%swap3A_436, %swap3A_437], %get3A_435 {strides = array<i32>} : memref<4x576xf32, #tpu.memory_space<vmem>>, vector<1x576xf32>,
    %broadcast_in_dim3A_439 = vector.broadcast %reduce_min3A_420 : i32 to vector<1x576xi32>
    %convert_element_type3A_440 = arith.sitofp %broadcast_in_dim3A_439 : vector<1x576xi32> to vector<1x576xf32>
    %swap3A_441 = arith.constant 3 : index
    %swap3A_442 = arith.constant 0 : index
    %swap3A_443 = vector.load %arg6[%swap3A_441, %swap3A_442] : memref<4x576xf32, #tpu.memory_space<vmem>>, vector<1x576xf32>
    tpu.vector_store %arg6[%swap3A_441, %swap3A_442], %convert_element_type3A_440 {strides = array<i32>} : memref<4x576xf32, #tpu.memory_space<vmem>>, vector<1x576xf32>,
    return
  }
}

</mosaic_0001>

<sc_bundles>
// kernel: kernel.4.cloned.1.call-start
scs
__scs_entry_jumppad:
0x0: {  	(pc) =	sbr.rel $0x88, $3  }
0x1: {  	(tag) =	ssettag $0x0;
	lr =	simm.s32 $0x1  }
0x2: {  	[smem:$0x3F9F] =	sst lr;
	_ =	strace $0xD0000000  }
0x3: {  	_ = 	snop  }
0x4: {  	_ = 	snop  }
0x5: {  	_ = 	snop  }
0x6: {  	_ = 	snop  }
0x7: {  	_ = 	snop  }
__scs_overlays_trampoline_lowered:
0x8: {  	[smem:$0x3FAE] =	sst s0  }
0x9: {  	[smem:$0x3FAF] =	sst s1  }
0xa: {  	[smem:$0x3FB0] =	sst s2  }
0xb: {  	[smem:$0x3FB1] =	sst s3  }
0xc: {  	[smem:$0x3FB2] =	sst s4  }
0xd: {  	[smem:$0x3FB3] =	sst s5  }
0xe: {  	[smem:$0x3FB4] =	sst s6  }
0xf: {  	[smem:$0x3FB5] =	sst s7  }
0x10: {  	[smem:$0x3FB6] =	sst s8  }
0x11: {  	[smem:$0x3FB7] =	sst s9;
	s0 =	simm.s32 @!p0 $0x0  }
0x12: {  	s1 =	sld [smem:$0x3F9D];
	s0 =	simm.s32 @p0 $0x1  }
0x13: {  	[smem:$0x3FB8] =	sst s0;
	s0 =	simm.s32 @!p1 $0x0  }
0x14: {  	s2 =	sld [smem:$0x3F9C];
	s0 =	simm.s32 @p1 $0x1  }
0x15: {  	[smem:$0x3FB9] =	sst s0;
	s0 =	simm.s32 @!p2 $0x0  }
0x16: {  	s3 =	sld [smem:$0x3FDB];
	s0 =	simm.s32 @p2 $0x1  }
0x17: {  	s4 =	simm.s32 $0x1BF5;
	[smem:$0x3FBB] =	sst s0  }
0x18: {  	s0 =	sld [smem:$0x3F9E];
	_ =	swait.ge [sflag:s4], $0x0  }
0x19: {  	s7 =	sld [smem:$0x3F9F]  }
0x1a: {  	s8 =	sadd.s32 $0xFFFFE003, lr  }
0x1b: {  	s9 =	sadd.s32 $0xFFFFFEF7, lr;
	s5 =	simm.s32 $0xFFFFFFFF;
	p2 =	slt.u32 s8, $0xFFFFF086  }
0x1c: {  	p1 =	slt.u32 s9, $0xF7A;
	s5 =	simm.s32 @!p2 $0x0  }
0x1d: {  	s5 =	simm.s32 @p1 $0x1;
	p0 =	seq.s32 s7, s2  }
0x1e: {  	s7 =	smul.u32 @!p0 $0xF7A, s2;
	p2 =	seq.s32 @!p0 s5, $0x0  }
0x1f: {  	s9 =	smul.u32 $0xF7A, s1;
	s8 =	simm.s32 @!p0 $0x1BF5;
	p2 =	por !p2, p0  }
0x20: {  	[sflag:s8] =	ssyncset.s32 @!p0 $0xFFFFF086;
	s6 =	sadd.s32 @!p0 s3, s7;
	s7 =	simm.s32 @!p0 $0x108  }
0x21: {  	s3 =	sadd.s32 s3, s9;
	s6 =	sadd.s32 @!p0 $0x88, s6;
	s7 =	simm.s32 @p2 $0x1082  }
0x22: {  	[simem:s7], [sflag:s8] =	dma.local @!p0 [hbm:s6], $0xF7A  }
0x23: {  	s9 =	sor.u32 $0xD0000000, s2;
	s6 =	simm.s32 $0x108;
	_ =	swait.ge @!p0 [sflag:s8], $0x0  }
0x24: {  	s3 =	sadd.s32 $0x88, s3;
	s6 =	simm.s32 @!p1 $0x1082;
	[sflag:s4] =	ssyncset.s32 $0xFFFFF086  }
0x25: {  	[simem:s6], [sflag:s4] =	dma.local [hbm:s3], $0xF7A  }
0x26: {  	[smem:$0x3F9F] =	sst s1;
	(tag) =	ssettag s2;
	_ =	strace s9  }
0x27: {  	s1 =	sld [smem:$0x3FAF]  }
0x28: {  	s2 =	sld [smem:$0x3FB0]  }
0x29: {  	s4 =	sld [smem:$0x3FB2]  }
0x2a: {  	p0 =	seq.s32 s5, $0x0;
	s5 =	sld [smem:$0x3FB3]  }
0x2b: {  	s6 =	sld [smem:$0x3FB4]  }
0x2c: {  	s7 =	sld [smem:$0x3FB5]  }
0x2d: {  	s3 =	simm.s32 $0x108;
	s8 =	sld [smem:$0x3FB6]  }
0x2e: {  	s3 =	simm.s32 @!p0 $0x1082;
	s9 =	sld [smem:$0x3FB7]  }
0x2f: {  	lr =	sadd.s32 s0, s3;
	s0 =	sld [smem:$0x3FAE]  }
0x30: {  	s3 =	sld [smem:$0x3FB1]  }
0x31: {  	[smem:$0x3FBA] =	sst s10  }
0x32: {  	s10 =	sld [smem:$0x3FB8];
	_ =	sdelay $0x3  }
0x33: {  	p0 =	seq.s32 s10, $0x1;
	s10 =	sld [smem:$0x3FBA];
	_ =	sdelay $0x3  }
0x34: {  	[smem:$0x3FBA] =	sst s10  }
0x35: {  	s10 =	sld [smem:$0x3FB9];
	_ =	sdelay $0x3  }
0x36: {  	p1 =	seq.s32 s10, $0x1;
	s10 =	sld [smem:$0x3FBA];
	_ =	sdelay $0x3  }
0x37: {  	[smem:$0x3FBA] =	sst s10  }
0x38: {  	s10 =	sld [smem:$0x3FBB]  }
0x39: {  	_ = 	snop;
	(pc) =	sbr.ind lr, $3  }
0x3a: {  	_ = 	snop  }
0x3b: {  	_ = 	snop  }
0x3c: {  	p2 =	seq.s32 s10, $0x1;
	s10 =	sld [smem:$0x3FBA]  }
0x3d: {  	_ =	shalt  }
0x3e: {  	_ =	shalt  }
0x3f: {  	_ =	shalt  }
0x40: {  	_ =	shalt  }
0x41: {  	_ =	shalt  }
0x42: {  	_ =	shalt  }
0x43: {  	_ =	shalt  }
0x44: {  	_ =	shalt  }
0x45: {  	_ =	shalt  }
0x46: {  	_ =	shalt  }
0x47: {  	_ =	shalt  }
0x48: {  	_ =	shalt  }
0x49: {  	_ =	shalt  }
0x4a: {  	_ =	shalt  }
0x4b: {  	_ =	shalt  }
0x4c: {  	_ =	shalt  }
0x4d: {  	_ =	shalt  }
0x4e: {  	_ =	shalt  }
0x4f: {  	_ =	shalt  }
0x50: {  	_ =	shalt  }
0x51: {  	_ =	shalt  }
0x52: {  	_ =	shalt  }
0x53: {  	_ =	shalt  }
0x54: {  	_ =	shalt  }
0x55: {  	_ =	shalt  }
0x56: {  	_ =	shalt  }
0x57: {  	_ =	shalt  }
0x58: {  	_ =	shalt  }
0x59: {  	_ =	shalt  }
0x5a: {  	_ =	shalt  }
0x5b: {  	_ =	shalt  }
0x5c: {  	_ =	shalt  }
0x5d: {  	_ =	shalt  }
0x5e: {  	_ =	shalt  }
0x5f: {  	_ =	shalt  }
0x60: {  	_ =	shalt  }
0x61: {  	_ =	shalt  }
0x62: {  	_ =	shalt  }
0x63: {  	_ =	shalt  }
0x64: {  	_ =	shalt  }
0x65: {  	_ =	shalt  }
0x66: {  	_ =	shalt  }
0x67: {  	_ =	shalt  }
0x68: {  	_ =	shalt  }
0x69: {  	_ =	shalt  }
0x6a: {  	_ =	shalt  }
0x6b: {  	_ =	shalt  }
0x6c: {  	_ =	shalt  }
0x6d: {  	_ =	shalt  }
0x6e: {  	_ =	shalt  }
0x6f: {  	_ =	shalt  }
0x70: {  	_ =	shalt  }
0x71: {  	_ =	shalt  }
0x72: {  	_ =	shalt  }
0x73: {  	_ =	shalt  }
0x74: {  	_ =	shalt  }
0x75: {  	_ =	shalt  }
0x76: {  	_ =	shalt  }
0x77: {  	_ =	shalt  }
0x78: {  	_ =	shalt  }
0x79: {  	_ =	shalt  }
0x7a: {  	_ =	shalt  }
0x7b: {  	_ =	shalt  }
0x7c: {  	_ =	shalt  }
0x7d: {  	_ =	shalt  }
0x7e: {  	_ =	shalt  }
0x7f: {  	_ =	shalt  }
0x80: {  	_ =	shalt  }
0x81: {  	_ =	shalt  }
0x82: {  	_ =	shalt  }
0x83: {  	_ =	shalt  }
0x84: {  	_ =	shalt  }
0x85: {  	_ =	shalt  }
0x86: {  	_ =	shalt  }
0x87: {  	_ =	shalt  }
.Lfunc_end0:
.L_simem_size_0:
called_computation_lowered:
.L_overlay_start_0:
0x88: {  	s2 =	sld [smem:$0x3FD9]  }
0x89: {  	s3 =	sld [smem:$0x3FFE];
	_ =	sdelay $0x1  }
0x8a: {  	s1 =	srdreg.scid  }
0x8b: {  	s0 =	sand.u32 $0x1, s1  }
0x8c: {  	s14 =	sshll.u32 s0, $0xA;
	s2 =	sadd.s32 s3, s2  }
0x8d: {  	s2 =	sadd.s32 s2, s14  }
0x8e: {  	[smem:$0x3FC6] =	sst s2  }
0x8f: {  	_ = 	snop  }
0x90: {  	s2 =	sld [smem:$0x3FD0];
	_ =	sdelay $0x2  }
0x91: {  	s4 =	simm.s32 $0xA;
	s5 =	simm.s32 $0x10;
	s15 =	sld [smem:$0x3FC9]  }
0x92: {  	[smem:s5], [sflag:s4] =	dma.local [hbm:s2], $0x1  }
0x93: {  	_ =	swait.eq [sflag:s4], $0x1  }
0x94: {  	[sflag:s4] =	ssyncset.done $0x0  }
0x95: {  	[sflag:s4] =	ssyncadd.s32 $0xFFFFFFFF  }
0x96: {  	s16 =	sld [smem:$0x10];
	(tm) =	ssettm $0x1  }
0x97: {  	s17 =	sld [smem:$0x3FFB];
	_ =	sdelay $0x3  }
0x98: {  	_ =	strace s17  }
0x99: {  	s4 =	sld [smem:$0x3FFC];
	_ =	sdelay $0x3  }
0x9a: {  	_ =	strace s4  }
0x9b: {  	s4 =	sld [smem:$0x3FFD];
	_ =	sdelay $0x3  }
0x9c: {  	_ =	strace s4  }
0x9d: {  	_ =	strace $0x8FFFFFFF  }
0x9e: {  	s18 =	sld [smem:$0x3FDB];
	_ =	sdelay $0x1  }
0x9f: {  	s19 =	simm.s32 $_scs_section_size  }
0xa0: {  	s6 =	simm.s32 $_size__tile_overlayer_lowered;
	s7 =	simm.s32 $_tile_overlayer_lowered  }
0xa1: {  	s22 =	simm.s32 $0x1BFF;
	s21 =	sshll.u32 s7, $0x1;
	s4 =	sadd.s32 s19, s18  }
0xa2: {  	s8 =	simm.s32 $0x0;
	s20 =	sshll.u32 s6, $0x1;
	s6 =	sadd.s32 s21, s4  }
0xa3: {  	[timem:s8], [sflag:s22] =	dma.local [hbm:s6], s20  }
0xa4: {  	_ =	swait.ge [sflag:s22], s20  }
0xa5: {  	s5 =	ssub.s32 $0x0, s20;
	[sflag:s22] =	ssyncset.done $0x0  }
0xa6: {  	[sflag:s22] =	ssyncadd.s32 s5;
	_ =	sdelay $0x1  }
0xa7: {  	s23 =	simm.s32 $0x1B8B  }
0xa8: {  	_ =	swait.ge [sflag:s23], $0x1  }
0xa9: {  	[sflag:s23] =	ssyncset.done $0x0  }
0xaa: {  	s25 =	simm.s32 $0x1B8E;
	s24 =	sld [smem:$0x3FFE];
	[sflag:s23] =	ssyncadd.s32 $0xFFFFFFFF  }
0xab: {  	s26 =	simm.s32 $execute0_lowered;
	[smem:$0x3FD2] =	sst s25  }
0xac: {  	s6 =	sshll.u32 s26, $0x1;
	_ =	strace $0x80000046;
	[dreg:$0x1] =	wrdreg $0xFFFFFFFF  }
0xad: {  	s28 =	simm.s32 $_size_execute0_lowered;
	s4 =	sadd.s32 s4, s6;
	[dreg:$0x0] =	wrdreg $0x0  }
0xae: {  	s6 =	sshll.u32 s28, $0x1;
	[dreg:$0x2] =	wrdreg s4  }
0xaf: {  	[dreg:$0x3] =	wrdreg s6  }
0xb0: {  	[dreg:$0x4] =	wrdreg $0xC0  }
0xb1: {  	_ =	task [dreg:s8], $0x5FFFF  }
0xb2: {  	[dreg:$0x1] =	wrdreg $0xFFFFFFFF  }
0xb3: {  	[dreg:$0x0] =	wrdreg $0x60  }
0xb4: {  	[dreg:$0x2] =	wrdreg s24  }
0xb5: {  	[dreg:$0x3] =	wrdreg s15  }
0xb6: {  	[dreg:$0x4] =	wrdreg s16  }
0xb7: {  	[dreg:$0x5] =	wrdreg $0x0  }
0xb8: {  	[dreg:$0x6] =	wrdreg $0x9  }
0xb9: {  	_ =	task.clear_ibuf [dreg:s8], $0x7FFFF;
	_ =	strace $0x90000046  }
0xba: {  	s29 =	simm.s32 $0x9;
	_ =	strace $0x80000048  }
0xbb: {  	_ =	swait.ge [sflag:s29], $0x1  }
0xbc: {  	[sflag:s29] =	ssyncadd.s32 $0xFFFFFFFF  }
0xbd: {  	_ =	strace $0x90000048  }
0xbe: {  	_ =	sfence  }
0xbf: {  	s30 =	sld [smem:$0x0];
	_ =	sdelay $0x2  }
0xc0: {  	s31 =	sshll.u32 s1, $0xD;
	s1 =	sshrl.u32 s1, $0x2  }
0xc1: {  	s3 =	sand.u32 $0x4000, s31;
	s1 =	sadd.s32 s1, s30  }
0xc2: {  	s0 =	sor.u32 s3, s0;
	s1 =	sshll.u32 s1, $0x11  }
0xc3: {  	s0 =	sor.u32 s1, s0  }
0xc4: {  	s0 =	sadd.s32 $0x8F2B, s0  }
0xc5: {  	[sflag:s0] =	ssyncadd.remote.s32 $0x1  }
0xc6: {  	_ =	sfence.sel $0xFFFF  }
0xc7: {  	[dreg:$0x0] =	wrdreg $0xFFFFFFFF;
	(pc) =	sbr.abs _section_cstart, $3  }
0xc8: {  	[dreg:$0x1] =	wrdreg $0xFFFFFFFF  }
0xc9: {  	_ =	task.clear_ibuf [dreg:s8], $0x2FFFF;
	_ =	strace $0x9FFFFFFF  }
0xca: {  	(tm) =	ssettm $0x7FFFFFFF  }
0xcb: {  	_ =	shalt  }
tec
execute0_lowered:
.L_overlay_start_1:
0x0: {  	(tag) =	ssettag $0x1  }
0x1: {  	v0 =	vimm.f32 $1.500000000e+01  }
0x2: {  	vm14 =	vcmask $0x300;
	vm13 =	vcmask $0x704;
	vm12 =	vcmask $0xB08  }
0x3: {  	vm11 =	vcmask $0xF0C;
	vm10 =	vcmask $0x1310;
	vm9 =	vcmask $0x1714  }
0x4: {  	vm8 =	vcmask $0x1B18;
	vm7 =	vcmask $0x1F1C;
	v1 =	vimm.f32 $3.100000000e+01  }
0x5: {  	vm5 =	vcmask $0x2320;
	vm6 =	vcmask $0x2724;
	vm4 =	vcmask $0x2B28  }
0x6: {  	vm3 =	vcmask $0x2F2C;
	vm2 =	vcmask $0x3330;
	vm1 =	vcmask $0x3734  }
0x7: {  	v2 =	vimm.f32 $4.700000000e+01;
	vm0 =	vcmask $0x3B38;
	v63 =	vimm.f32 $6.300000000e+01  }
0x8: {  	v6 =	vimm.f32 $7.900000000e+01;
	v9 =	vimm.f32 $9.500000000e+01;
	v12 =	vimm.f32 $1.110000000e+02  }
0x9: {  	v32 =	vimm.f32 $1.270000000e+02;
	v35 =	vimm.f32 $1.430000000e+02;
	v38 =	vimm.f32 $1.590000000e+02  }
0xa: {  	v41 =	vimm.f32 $1.750000000e+02;
	v44 =	vimm.f32 $1.910000000e+02;
	v47 =	vimm.f32 $2.070000000e+02  }
0xb: {  	v50 =	vimm.f32 $2.230000000e+02;
	v53 =	vimm.f32 $2.390000000e+02;
	v56 =	vimm.f32 $2.550000000e+02  }
0xc: {  	v59 =	vimm.f32 $2.710000000e+02;
	v3 =	vimm.s32 $0xBA98FEDC;
	v0 =	vsel vm14, $0x0, v0  }
0xd: {  	v1 =	vsel vm14, $0x41800000, v1;
	v2 =	vsel vm14, $0x42000000, v2;
	v3 =	vunpack.c.l.s4.s8 v3  }
0xe: {  	v0 =	vsel vm13, $0x3F800000, v0;
	v1 =	vsel vm13, $0x41880000, v1;
	v62 =	vsel vm13, $0x42040000, v2  }
0xf: {  	v2 =	vsel vm14, $0x42400000, v63;
	v0 =	vsel vm12, $0x40000000, v0;
	v1 =	vsel vm12, $0x41900000, v1  }
0x10: {  	v2 =	vsel vm13, $0x42440000, v2;
	v0 =	vsel vm11, $0x40400000, v0;
	v1 =	vsel vm11, $0x41980000, v1  }
0x11: {  	v2 =	vsel vm12, $0x42480000, v2;
	v0 =	vsel vm10, $0x40800000, v0;
	v1 =	vsel vm10, $0x41A00000, v1  }
0x12: {  	v2 =	vsel vm11, $0x424C0000, v2;
	v0 =	vsel vm9, $0x40A00000, v0;
	v1 =	vsel vm9, $0x41A80000, v1  }
0x13: {  	v5 =	vsel vm10, $0x42500000, v2;
	v2 =	vsel vm14, $0x42800000, v6;
	v0 =	vsel vm8, $0x40C00000, v0  }
0x14: {  	v1 =	vsel vm8, $0x41B00000, v1;
	v2 =	vsel vm13, $0x42820000, v2;
	v0 =	vsel vm7, $0x40E00000, v0  }
0x15: {  	v1 =	vsel vm7, $0x41B80000, v1;
	v2 =	vsel vm12, $0x42840000, v2;
	v0 =	vsel vm5, $0x41000000, v0  }
0x16: {  	v61 =	vsel vm5, $0x41C00000, v1;
	v1 =	vsel vm12, $0x42080000, v62;
	v2 =	vsel vm11, $0x42860000, v2  }
0x17: {  	v62 =	vimm.f32 $2.870000000e+02;
	v0 =	vsel vm6, $0x41100000, v0;
	v1 =	vsel vm11, $0x420C0000, v1  }
0x18: {  	v2 =	vsel vm10, $0x42880000, v2;
	v0 =	vsel vm4, $0x41200000, v0;
	v1 =	vsel vm10, $0x42100000, v1  }
0x19: {  	v8 =	vsel vm9, $0x428A0000, v2;
	v2 =	vsel vm14, $0x42A00000, v9;
	v0 =	vsel vm3, $0x41300000, v0  }
0x1a: {  	v1 =	vsel vm9, $0x42140000, v1;
	v11 =	vsel vm13, $0x42A20000, v2;
	v2 =	vsel vm14, $0x42C00000, v12  }
0x1b: {  	v0 =	vsel vm2, $0x41400000, v0;
	v1 =	vsel vm8, $0x42180000, v1;
	v2 =	vsel vm13, $0x42C20000, v2  }
0x1c: {  	v0 =	vsel vm1, $0x41500000, v0;
	v4 =	vsel vm7, $0x421C0000, v1;
	v1 =	vsel vm9, $0x42540000, v5  }
0x1d: {  	v2 =	vsel vm12, $0x42C40000, v2;
	v5 =	vimm.f32 $3.030000000e+02;
	v0 =	vsel vm0, $0x41600000, v0  }
0x1e: {  	v1 =	vsel vm8, $0x42580000, v1;
	v2 =	vsel vm11, $0x42C60000, v2;
	[tilespmem:$0x1FE00] =	vst v0;
	v0 =	vsel vm6, $0x41C80000, v61  }
0x1f: {  	v1 =	vsel vm7, $0x425C0000, v1;
	v14 =	vsel vm10, $0x42C80000, v2;
	v2 =	vsel vm14, $0x42E00000, v32  }
0x20: {  	v0 =	vsel vm4, $0x41D00000, v0;
	v1 =	vsel vm5, $0x42600000, v1;
	v2 =	vsel vm13, $0x42E20000, v2  }
0x21: {  	v0 =	vsel vm3, $0x41D80000, v0;
	v1 =	vsel vm6, $0x42640000, v1;
	v2 =	vsel vm12, $0x42E40000, v2  }
0x22: {  	v0 =	vsel vm2, $0x41E00000, v0;
	v1 =	vsel vm4, $0x42680000, v1;
	v2 =	vsel vm11, $0x42E60000, v2  }
0x23: {  	v0 =	vsel vm1, $0x41E80000, v0;
	v7 =	vsel vm3, $0x426C0000, v1;
	v1 =	vsel vm8, $0x428C0000, v8  }
0x24: {  	v2 =	vsel vm10, $0x42E80000, v2;
	v8 =	vimm.f32 $3.190000000e+02;
	v0 =	vsel vm0, $0x41F00000, v0  }
0x25: {  	v1 =	vsel vm7, $0x428E0000, v1;
	v34 =	vsel vm9, $0x42EA0000, v2;
	v2 =	vsel vm14, $0x43000000, v35  }
0x26: {  	[tilespmem:$0x1FE10] =	vst v0;
	v0 =	vsel vm5, $0x42200000, v4;
	v10 =	vsel vm5, $0x42900000, v1;
	v1 =	vsel vm12, $0x42A40000, v11  }
0x27: {  	v37 =	vsel vm13, $0x43010000, v2;
	v2 =	vsel vm14, $0x43100000, v38;
	v11 =	vimm.f32 $3.350000000e+02  }
0x28: {  	v0 =	vsel vm6, $0x42240000, v0;
	v1 =	vsel vm11, $0x42A60000, v1;
	v2 =	vsel vm13, $0x43110000, v2  }
0x29: {  	v0 =	vsel vm4, $0x42280000, v0;
	v1 =	vsel vm10, $0x42A80000, v1;
	v2 =	vsel vm12, $0x43120000, v2  }
0x2a: {  	v0 =	vsel vm3, $0x422C0000, v0;
	v1 =	vsel vm9, $0x42AA0000, v1;
	v2 =	vsel vm11, $0x43130000, v2  }
0x2b: {  	v0 =	vsel vm2, $0x42300000, v0;
	v1 =	vsel vm8, $0x42AC0000, v1;
	v40 =	vsel vm10, $0x43140000, v2  }
0x2c: {  	v2 =	vsel vm14, $0x43200000, v41;
	v0 =	vsel vm1, $0x42340000, v0;
	v13 =	vsel vm7, $0x42AE0000, v1  }
0x2d: {  	v1 =	vsel vm9, $0x42CA0000, v14;
	v2 =	vsel vm13, $0x43210000, v2;
	v14 =	vimm.f32 $3.510000000e+02  }
0x2e: {  	v0 =	vsel vm0, $0x42380000, v0;
	v1 =	vsel vm8, $0x42CC0000, v1;
	v2 =	vsel vm12, $0x43220000, v2  }
0x2f: {  	[tilespmem:$0x1FE20] =	vst v0;
	v0 =	vsel vm2, $0x42700000, v7;
	v1 =	vsel vm7, $0x42CE0000, v1;
	v2 =	vsel vm11, $0x43230000, v2  }
0x30: {  	v0 =	vsel vm1, $0x42740000, v0;
	v1 =	vsel vm5, $0x42D00000, v1;
	v2 =	vsel vm10, $0x43240000, v2  }
0x31: {  	v0 =	vsel vm0, $0x42780000, v0;
	v1 =	vsel vm6, $0x42D20000, v1;
	v43 =	vsel vm9, $0x43250000, v2  }
0x32: {  	v2 =	vsel vm14, $0x43300000, v44;
	[tilespmem:$0x1FE30] =	vst v0;
	v0 =	vsel vm6, $0x42920000, v10;
	v1 =	vsel vm4, $0x42D40000, v1  }
0x33: {  	v46 =	vsel vm13, $0x43310000, v2;
	v2 =	vsel vm14, $0x43400000, v47;
	v0 =	vsel vm4, $0x42940000, v0  }
0x34: {  	v33 =	vsel vm3, $0x42D60000, v1;
	v1 =	vsel vm8, $0x42EC0000, v34;
	v2 =	vsel vm13, $0x43410000, v2  }
0x35: {  	v0 =	vsel vm3, $0x42960000, v0;
	v1 =	vsel vm7, $0x42EE0000, v1;
	v2 =	vsel vm12, $0x43420000, v2  }
0x36: {  	v0 =	vsel vm2, $0x42980000, v0;
	v36 =	vsel vm5, $0x42F00000, v1;
	v1 =	vsel vm12, $0x43020000, v37  }
0x37: {  	v2 =	vsel vm11, $0x43430000, v2;
	v0 =	vsel vm1, $0x429A0000, v0;
	v1 =	vsel vm11, $0x43030000, v1  }
0x38: {  	v49 =	vsel vm10, $0x43440000, v2;
	v2 =	vsel vm14, $0x43500000, v50;
	v0 =	vsel vm0, $0x429C0000, v0  }
0x39: {  	v1 =	vsel vm10, $0x43040000, v1;
	v2 =	vsel vm13, $0x43510000, v2;
	[tilespmem:$0x1FE40] =	vst v0;
	v0 =	vsel vm5, $0x42B00000, v13  }
0x3a: {  	v1 =	vsel vm9, $0x43050000, v1;
	v2 =	vsel vm12, $0x43520000, v2;
	v0 =	vsel vm6, $0x42B20000, v0  }
0x3b: {  	v1 =	vsel vm8, $0x43060000, v1;
	v2 =	vsel vm11, $0x43530000, v2;
	v0 =	vsel vm4, $0x42B40000, v0  }
0x3c: {  	v39 =	vsel vm7, $0x43070000, v1;
	v1 =	vsel vm9, $0x43150000, v40;
	v2 =	vsel vm10, $0x43540000, v2  }
0x3d: {  	v0 =	vsel vm3, $0x42B60000, v0;
	v1 =	vsel vm8, $0x43160000, v1;
	v52 =	vsel vm9, $0x43550000, v2  }
0x3e: {  	v2 =	vsel vm14, $0x43600000, v53;
	v0 =	vsel vm2, $0x42B80000, v0;
	v1 =	vsel vm7, $0x43170000, v1  }
0x3f: {  	v55 =	vsel vm13, $0x43610000, v2;
	v2 =	vsel vm14, $0x43700000, v56;
	v0 =	vsel vm1, $0x42BA0000, v0  }
0x40: {  	v1 =	vsel vm5, $0x43180000, v1;
	v2 =	vsel vm13, $0x43710000, v2;
	v0 =	vsel vm0, $0x42BC0000, v0  }
0x41: {  	v1 =	vsel vm6, $0x43190000, v1;
	v2 =	vsel vm12, $0x43720000, v2;
	[tilespmem:$0x1FE50] =	vst v0;
	v0 =	vsel vm2, $0x42D80000, v33  }
0x42: {  	v1 =	vsel vm4, $0x431A0000, v1;
	v2 =	vsel vm11, $0x43730000, v2;
	v0 =	vsel vm1, $0x42DA0000, v0  }
0x43: {  	v42 =	vsel vm3, $0x431B0000, v1;
	v1 =	vsel vm8, $0x43260000, v43;
	v58 =	vsel vm10, $0x43740000, v2  }
0x44: {  	v2 =	vsel vm14, $0x43800000, v59;
	v0 =	vsel vm0, $0x42DC0000, v0;
	v1 =	vsel vm7, $0x43270000, v1  }
0x45: {  	v2 =	vsel vm13, $0x43808000, v2;
	[tilespmem:$0x1FE60] =	vst v0;
	v0 =	vsel vm6, $0x42F20000, v36;
	v45 =	vsel vm5, $0x43280000, v1  }
0x46: {  	v1 =	vsel vm12, $0x43320000, v46;
	v2 =	vsel vm12, $0x43810000, v2;
	v36 =	vimm.f32 $3.670000000e+02  }
0x47: {  	v0 =	vsel vm4, $0x42F40000, v0;
	v1 =	vsel vm11, $0x43330000, v1;
	v2 =	vsel vm11, $0x43818000, v2  }
0x48: {  	v0 =	vsel vm3, $0x42F60000, v0;
	v1 =	vsel vm10, $0x43340000, v1;
	v2 =	vsel vm10, $0x43820000, v2  }
0x49: {  	v0 =	vsel vm2, $0x42F80000, v0;
	v1 =	vsel vm9, $0x43350000, v1;
	v61 =	vsel vm9, $0x43828000, v2  }
0x4a: {  	v2 =	vsel vm14, $0x43880000, v62;
	v0 =	vsel vm1, $0x42FA0000, v0;
	v1 =	vsel vm8, $0x43360000, v1  }
0x4b: {  	v4 =	vsel vm13, $0x43888000, v2;
	v2 =	vsel vm14, $0x43900000, v5;
	v0 =	vsel vm0, $0x42FC0000, v0  }
0x4c: {  	v48 =	vsel vm7, $0x43370000, v1;
	v1 =	vsel vm9, $0x43450000, v49;
	v2 =	vsel vm13, $0x43908000, v2  }
0x4d: {  	[tilespmem:$0x1FE70] =	vst v0;
	v0 =	vsel vm5, $0x43080000, v39;
	v1 =	vsel vm8, $0x43460000, v1;
	v2 =	vsel vm12, $0x43910000, v2  }
0x4e: {  	v0 =	vsel vm6, $0x43090000, v0;
	v1 =	vsel vm7, $0x43470000, v1;
	v2 =	vsel vm11, $0x43918000, v2  }
0x4f: {  	v0 =	vsel vm4, $0x430A0000, v0;
	v1 =	vsel vm5, $0x43480000, v1;
	v7 =	vsel vm10, $0x43920000, v2  }
0x50: {  	v2 =	vsel vm14, $0x43980000, v8;
	v0 =	vsel vm3, $0x430B0000, v0;
	v1 =	vsel vm6, $0x43490000, v1  }
0x51: {  	v2 =	vsel vm13, $0x43988000, v2;
	v0 =	vsel vm2, $0x430C0000, v0;
	v1 =	vsel vm4, $0x434A0000, v1  }
0x52: {  	v2 =	vsel vm12, $0x43990000, v2;
	v0 =	vsel vm1, $0x430D0000, v0;
	v51 =	vsel vm3, $0x434B0000, v1  }
0x53: {  	v1 =	vsel vm8, $0x43560000, v52;
	v2 =	vsel vm11, $0x43998000, v2;
	v33 =	vsel vm0, $0x430E0000, v0  }
0x54: {  	v0 =	vsel vm2, $0x431C0000, v42;
	v1 =	vsel vm7, $0x43570000, v1;
	v2 =	vsel vm10, $0x439A0000, v2  }
0x55: {  	v42 =	vimm.f32 $3.830000000e+02;
	v0 =	vsel vm1, $0x431D0000, v0;
	v54 =	vsel vm5, $0x43580000, v1  }
0x56: {  	v1 =	vsel vm12, $0x43620000, v55;
	v10 =	vsel vm9, $0x439A8000, v2;
	v2 =	vsel vm14, $0x43A00000, v11  }
0x57: {  	v38 =	vsel vm0, $0x431E0000, v0;
	v0 =	vsel vm6, $0x43290000, v45;
	v1 =	vsel vm11, $0x43630000, v1  }
0x58: {  	v13 =	vsel vm13, $0x43A08000, v2;
	v2 =	vsel vm14, $0x43A80000, v14;
	v45 =	vimm.f32 $3.990000000e+02  }
0x59: {  	v0 =	vsel vm4, $0x432A0000, v0;
	v1 =	vsel vm10, $0x43640000, v1;
	v2 =	vsel vm13, $0x43A88000, v2  }
0x5a: {  	v0 =	vsel vm3, $0x432B0000, v0;
	v1 =	vsel vm9, $0x43650000, v1;
	v2 =	vsel vm12, $0x43A90000, v2  }
0x5b: {  	v0 =	vsel vm2, $0x432C0000, v0;
	v1 =	vsel vm8, $0x43660000, v1;
	v2 =	vsel vm11, $0x43A98000, v2  }
0x5c: {  	v0 =	vsel vm1, $0x432D0000, v0;
	v57 =	vsel vm7, $0x43670000, v1;
	v1 =	vsel vm9, $0x43750000, v58  }
0x5d: {  	v34 =	vsel vm10, $0x43AA0000, v2;
	v2 =	vsel vm14, $0x43B00000, v36;
	v29 =	vsel vm0, $0x432E0000, v0  }
0x5e: {  	v0 =	vsel vm5, $0x43380000, v48;
	v1 =	vsel vm8, $0x43760000, v1;
	v2 =	vsel vm13, $0x43B08000, v2  }
0x5f: {  	v48 =	vimm.f32 $4.150000000e+02;
	v0 =	vsel vm6, $0x43390000, v0;
	v1 =	vsel vm7, $0x43770000, v1  }
0x60: {  	v2 =	vsel vm12, $0x43B10000, v2;
	v0 =	vsel vm4, $0x433A0000, v0;
	v1 =	vsel vm5, $0x43780000, v1  }
0x61: {  	v2 =	vsel vm11, $0x43B18000, v2;
	v0 =	vsel vm3, $0x433B0000, v0;
	v1 =	vsel vm6, $0x43790000, v1  }
0x62: {  	v2 =	vsel vm10, $0x43B20000, v2;
	v0 =	vsel vm2, $0x433C0000, v0;
	v1 =	vsel vm4, $0x437A0000, v1  }
0x63: {  	v39 =	vsel vm9, $0x43B28000, v2;
	v2 =	vsel vm14, $0x43B80000, v42;
	v0 =	vsel vm1, $0x433D0000, v0  }
0x64: {  	v60 =	vsel vm3, $0x437B0000, v1;
	v1 =	vsel vm8, $0x43830000, v61;
	v44 =	vsel vm13, $0x43B88000, v2  }
0x65: {  	v2 =	vsel vm14, $0x43C00000, v45;
	v30 =	vsel vm0, $0x433E0000, v0;
	v0 =	vsel vm2, $0x434C0000, v51  }
0x66: {  	v1 =	vsel vm7, $0x43838000, v1;
	v2 =	vsel vm13, $0x43C08000, v2;
	v0 =	vsel vm1, $0x434D0000, v0  }
0x67: {  	v63 =	vsel vm5, $0x43840000, v1;
	v1 =	vsel vm12, $0x43890000, v4;
	v2 =	vsel vm12, $0x43C10000, v2  }
0x68: {  	v41 =	vsel vm0, $0x434E0000, v0;
	v0 =	vsel vm6, $0x43590000, v54;
	v1 =	vsel vm11, $0x43898000, v1  }
0x69: {  	v2 =	vsel vm11, $0x43C18000, v2;
	v54 =	vimm.f32 $4.310000000e+02;
	v0 =	vsel vm4, $0x435A0000, v0  }
0x6a: {  	v1 =	vsel vm10, $0x438A0000, v1;
	v47 =	vsel vm10, $0x43C20000, v2;
	v2 =	vsel vm14, $0x43C80000, v48  }
0x6b: {  	v0 =	vsel vm3, $0x435B0000, v0;
	v1 =	vsel vm9, $0x438A8000, v1;
	v2 =	vsel vm13, $0x43C88000, v2  }
0x6c: {  	v0 =	vsel vm2, $0x435C0000, v0;
	v1 =	vsel vm8, $0x438B0000, v1;
	v2 =	vsel vm12, $0x43C90000, v2  }
0x6d: {  	v0 =	vsel vm1, $0x435D0000, v0;
	v6 =	vsel vm7, $0x438B8000, v1;
	v1 =	vsel vm9, $0x43928000, v7  }
0x6e: {  	v2 =	vsel vm11, $0x43C98000, v2;
	v40 =	vsel vm0, $0x435E0000, v0;
	v0 =	vsel vm5, $0x43680000, v57  }
0x6f: {  	v1 =	vsel vm8, $0x43930000, v1;
	v2 =	vsel vm10, $0x43CA0000, v2;
	v57 =	vimm.f32 $4.470000000e+02  }
0x70: {  	v0 =	vsel vm6, $0x43690000, v0;
	v1 =	vsel vm7, $0x43938000, v1;
	v53 =	vsel vm9, $0x43CA8000, v2  }
0x71: {  	v2 =	vsel vm14, $0x43D00000, v54;
	v0 =	vsel vm4, $0x436A0000, v0;
	v1 =	vsel vm5, $0x43940000, v1  }
0x72: {  	v56 =	vsel vm13, $0x43D08000, v2;
	v2 =	vsel vm14, $0x43D80000, v57;
	v0 =	vsel vm3, $0x436B0000, v0  }
0x73: {  	v1 =	vsel vm6, $0x43948000, v1;
	v2 =	vsel vm13, $0x43D88000, v2;
	v0 =	vsel vm2, $0x436C0000, v0  }
0x74: {  	v1 =	vsel vm4, $0x43950000, v1;
	v2 =	vsel vm12, $0x43D90000, v2;
	v0 =	vsel vm1, $0x436D0000, v0  }
0x75: {  	v9 =	vsel vm3, $0x43958000, v1;
	v1 =	vsel vm8, $0x439B0000, v10;
	v2 =	vsel vm11, $0x43D98000, v2  }
0x76: {  	v27 =	vsel vm0, $0x436E0000, v0;
	v0 =	vsel vm2, $0x437C0000, v60;
	v1 =	vsel vm7, $0x439B8000, v1  }
0x77: {  	v59 =	vsel vm10, $0x43DA0000, v2;
	v60 =	vimm.f32 $4.630000000e+02;
	v0 =	vsel vm1, $0x437D0000, v0  }
0x78: {  	v12 =	vsel vm5, $0x439C0000, v1;
	v1 =	vsel vm12, $0x43A10000, v13;
	v2 =	vsel vm14, $0x43E00000, v60  }
0x79: {  	v13 =	vimm.f32 $5.110000000e+02;
	v28 =	vsel vm0, $0x437E0000, v0;
	v0 =	vsel vm6, $0x43848000, v63  }
0x7a: {  	v1 =	vsel vm11, $0x43A18000, v1;
	v2 =	vsel vm13, $0x43E08000, v2;
	v63 =	vimm.f32 $4.790000000e+02  }
0x7b: {  	v0 =	vsel vm4, $0x43850000, v0;
	v1 =	vsel vm10, $0x43A20000, v1;
	v2 =	vsel vm12, $0x43E10000, v2  }
0x7c: {  	v0 =	vsel vm3, $0x43858000, v0;
	v1 =	vsel vm9, $0x43A28000, v1;
	v2 =	vsel vm11, $0x43E18000, v2  }
0x7d: {  	v0 =	vsel vm2, $0x43860000, v0;
	v1 =	vsel vm8, $0x43A30000, v1;
	v2 =	vsel vm10, $0x43E20000, v2  }
0x7e: {  	v0 =	vsel vm1, $0x43868000, v0;
	v32 =	vsel vm7, $0x43A38000, v1;
	v1 =	vsel vm9, $0x43AA8000, v34  }
0x7f: {  	v62 =	vsel vm9, $0x43E28000, v2;
	v2 =	vsel vm14, $0x43E80000, v63;
	v34 =	vimm.f32 $5.270000000e+02  }
0x80: {  	v20 =	vsel vm0, $0x43870000, v0;
	v0 =	vsel vm5, $0x438C0000, v6;
	v1 =	vsel vm8, $0x43AB0000, v1  }
0x81: {  	v5 =	vsel vm13, $0x43E88000, v2;
	v6 =	vimm.f32 $4.950000000e+02;
	v0 =	vsel vm6, $0x438C8000, v0  }
0x82: {  	v1 =	vsel vm7, $0x43AB8000, v1;
	v2 =	vsel vm14, $0x43F00000, v6;
	v6 =	vimm.s32 $0x67452301  }
0x83: {  	v0 =	vsel vm4, $0x438D0000, v0;
	v1 =	vsel vm5, $0x43AC0000, v1;
	v2 =	vsel vm13, $0x43F08000, v2  }
0x84: {  	v6 =	vunpack.c.l.s4.s8 v6;
	v0 =	vsel vm3, $0x438D8000, v0;
	v1 =	vsel vm6, $0x43AC8000, v1  }
0x85: {  	v2 =	vsel vm12, $0x43F10000, v2;
	v0 =	vsel vm2, $0x438E0000, v0;
	v1 =	vsel vm4, $0x43AD0000, v1  }
0x86: {  	v2 =	vsel vm11, $0x43F18000, v2;
	v6 =	vunpack.c.0.s8.s32 v6;
	v0 =	vsel vm1, $0x438E8000, v0  }
0x87: {  	v37 =	vsel vm3, $0x43AD8000, v1;
	v21 =	vsel vm0, $0x438F0000, v0;
	v0 =	vsel vm2, $0x43960000, v9  }
0x88: {  	v1 =	vsel vm8, $0x43B30000, v39;
	v39 =	vimm.f32 $5.430000000e+02;
	v0 =	vsel vm1, $0x43968000, v0  }
0x89: {  	v1 =	vsel vm7, $0x43B38000, v1;
	v35 =	vsel vm0, $0x43970000, v0;
	v0 =	vsel vm6, $0x439C8000, v12  }
0x8a: {  	v43 =	vsel vm5, $0x43B40000, v1;
	v1 =	vsel vm12, $0x43B90000, v44;
	v0 =	vsel vm4, $0x439D0000, v0  }
0x8b: {  	v44 =	vimm.f32 $5.590000000e+02;
	v1 =	vsel vm11, $0x43B98000, v1;
	v0 =	vsel vm3, $0x439D8000, v0  }
0x8c: {  	v12 =	vsel vm10, $0x43F20000, v2;
	v2 =	vsel vm14, $0x43F80000, v13;
	v0 =	vsel vm2, $0x439E0000, v0  }
0x8d: {  	v1 =	vsel vm10, $0x43BA0000, v1;
	v2 =	vsel vm13, $0x43F88000, v2;
	v0 =	vsel vm1, $0x439E8000, v0  }
0x8e: {  	v1 =	vsel vm9, $0x43BA8000, v1;
	v50 =	vsel vm0, $0x439F0000, v0;
	v0 =	vsel vm5, $0x43A40000, v32  }
0x8f: {  	v2 =	vsel vm12, $0x43F90000, v2;
	v1 =	vsel vm8, $0x43BB0000, v1;
	v0 =	vsel vm6, $0x43A48000, v0  }
0x90: {  	v2 =	vsel vm11, $0x43F98000, v2;
	v46 =	vsel vm7, $0x43BB8000, v1;
	v0 =	vsel vm4, $0x43A50000, v0  }
0x91: {  	v1 =	vsel vm9, $0x43C28000, v47;
	v2 =	vsel vm10, $0x43FA0000, v2;
	v0 =	vsel vm3, $0x43A58000, v0  }
0x92: {  	v47 =	vimm.f32 $5.750000000e+02;
	v1 =	vsel vm8, $0x43C30000, v1;
	v0 =	vsel vm2, $0x43A60000, v0  }
0x93: {  	v32 =	vsel vm9, $0x43FA8000, v2;
	v1 =	vsel vm7, $0x43C38000, v1;
	v0 =	vsel vm1, $0x43A68000, v0  }
0x94: {  	v1 =	vsel vm5, $0x43C40000, v1;
	v51 =	vsel vm0, $0x43A70000, v0;
	v0 =	vsel vm2, $0x43AE0000, v37  }
0x95: {  	v2 =	vsel vm14, $0x44000000, v34;
	v1 =	vsel vm6, $0x43C48000, v1;
	v0 =	vsel vm1, $0x43AE8000, v0  }
0x96: {  	v1 =	vsel vm4, $0x43C50000, v1;
	v52 =	vsel vm0, $0x43AF0000, v0;
	v0 =	vsel vm6, $0x43B48000, v43  }
0x97: {  	v49 =	vsel vm3, $0x43C58000, v1;
	v1 =	vsel vm8, $0x43CB0000, v53;
	v0 =	vsel vm4, $0x43B50000, v0  }
0x98: {  	v1 =	vsel vm7, $0x43CB8000, v1;
	v37 =	vsel vm13, $0x44004000, v2;
	v0 =	vsel vm3, $0x43B58000, v0  }
0x99: {  	v2 =	vsel vm14, $0x44040000, v39;
	v55 =	vsel vm5, $0x43CC0000, v1;
	v0 =	vsel vm2, $0x43B60000, v0  }
0x9a: {  	v1 =	vsel vm12, $0x43D10000, v56;
	v2 =	vsel vm13, $0x44044000, v2;
	v0 =	vsel vm1, $0x43B68000, v0  }
0x9b: {  	v56 =	vunpack.c.0.s8.s32 v3;
	v7 =	vsel vm0, $0x43B70000, v0;
	v0 =	vsel vm5, $0x43BC0000, v46  }
0x9c: {  	v1 =	vsel vm11, $0x43D18000, v1;
	v2 =	vsel vm12, $0x44048000, v2;
	v0 =	vsel vm6, $0x43BC8000, v0  }
0x9d: {  	v1 =	vsel vm10, $0x43D20000, v1;
	v2 =	vsel vm11, $0x4404C000, v2;
	v0 =	vsel vm4, $0x43BD0000, v0  }
0x9e: {  	v1 =	vsel vm9, $0x43D28000, v1;
	v43 =	vsel vm10, $0x44050000, v2;
	v0 =	vsel vm3, $0x43BD8000, v0  }
0x9f: {  	v2 =	vsel vm14, $0x44080000, v44;
	v1 =	vsel vm8, $0x43D30000, v1;
	v0 =	vsel vm2, $0x43BE0000, v0  }
0xa0: {  	v2 =	vsel vm13, $0x44084000, v2;
	v58 =	vsel vm7, $0x43D38000, v1;
	v0 =	vsel vm1, $0x43BE8000, v0  }
0xa1: {  	v1 =	vsel vm9, $0x43DA8000, v59;
	v8 =	vsel vm0, $0x43BF0000, v0;
	v0 =	vsel vm2, $0x43C60000, v49  }
0xa2: {  	v2 =	vsel vm12, $0x44088000, v2;
	v1 =	vsel vm8, $0x43DB0000, v1;
	v0 =	vsel vm1, $0x43C68000, v0  }
0xa3: {  	v2 =	vsel vm11, $0x4408C000, v2;
	v1 =	vsel vm7, $0x43DB8000, v1;
	v0 =	vsel vm0, $0x43C70000, v0  }
0xa4: {  	v2 =	vsel vm10, $0x44090000, v2;
	v1 =	vsel vm5, $0x43DC0000, v1;
	[tilespmem:$0x1FE80] =	vst v0;
	v0 =	vsel vm6, $0x43CC8000, v55  }
0xa5: {  	v46 =	vsel vm9, $0x44094000, v2;
	v1 =	vsel vm6, $0x43DC8000, v1;
	v0 =	vsel vm4, $0x43CD0000, v0  }
0xa6: {  	v2 =	vsel vm14, $0x440C0000, v47;
	v1 =	vsel vm4, $0x43DD0000, v1;
	v0 =	vsel vm3, $0x43CD8000, v0  }
0xa7: {  	v61 =	vsel vm3, $0x43DD8000, v1;
	v1 =	vsel vm8, $0x43E30000, v62;
	v0 =	vsel vm2, $0x43CE0000, v0  }
0xa8: {  	v2 =	vsel vm13, $0x440C4000, v2;
	v1 =	vsel vm7, $0x43E38000, v1;
	v0 =	vsel vm1, $0x43CE8000, v0  }
0xa9: {  	v4 =	vsel vm5, $0x43E40000, v1;
	v1 =	vsel vm12, $0x43E90000, v5;
	v0 =	vsel vm0, $0x43CF0000, v0  }
0xaa: {  	v2 =	vsel vm12, $0x440C8000, v2;
	v1 =	vsel vm11, $0x43E98000, v1;
	[tilespmem:$0x1FE90] =	vst v0;
	v0 =	vsel vm5, $0x43D40000, v58  }
0xab: {  	v5 =	vimm.s32 $0xEFCDAB89;
	v1 =	vsel vm10, $0x43EA0000, v1;
	v0 =	vsel vm6, $0x43D48000, v0  }
0xac: {  	v5 =	vunpack.c.l.s4.s8 v5;
	v1 =	vsel vm9, $0x43EA8000, v1;
	v0 =	vsel vm4, $0x43D50000, v0  }
0xad: {  	v55 =	vsel vm11, $0x440CC000, v2;
	v1 =	vsel vm8, $0x43EB0000, v1;
	v0 =	vsel vm3, $0x43D58000, v0  }
0xae: {  	v11 =	vsel vm7, $0x43EB8000, v1;
	v1 =	vsel vm9, $0x43F28000, v12;
	v0 =	vsel vm2, $0x43D60000, v0  }
0xaf: {  	v5 =	vunpack.c.0.s8.s32 v5;
	v1 =	vsel vm8, $0x43F30000, v1;
	v0 =	vsel vm1, $0x43D68000, v0  }
0xb0: {  	v1 =	vsel vm7, $0x43F38000, v1;
	v9 =	vsel vm0, $0x43D70000, v0;
	v0 =	vsel vm2, $0x43DE0000, v61  }
0xb1: {  	v5 =	vcombine.low v6, v5;
	v1 =	vsel vm5, $0x43F40000, v1;
	v0 =	vsel vm1, $0x43DE8000, v0  }
0xb2: {  	v1 =	vsel vm6, $0x43F48000, v1;
	v10 =	vsel vm0, $0x43DF0000, v0;
	v0 =	vsel vm6, $0x43E48000, v4  }
0xb3: {  	v58 =	vimm.s32 $0xDCFE98BA;
	v1 =	vsel vm4, $0x43F50000, v1;
	v0 =	vsel vm4, $0x43E50000, v0  }
0xb4: {  	v14 =	vsel vm3, $0x43F58000, v1;
	v1 =	vsel vm8, $0x43FB0000, v32;
	v0 =	vsel vm3, $0x43E58000, v0  }
0xb5: {  	v60 =	vunpack.c.l.s4.s8 v58;
	v1 =	vsel vm7, $0x43FB8000, v1;
	v0 =	vsel vm2, $0x43E60000, v0  }
0xb6: {  	v36 =	vsel vm5, $0x43FC0000, v1;
	v1 =	vsel vm12, $0x44008000, v37;
	v0 =	vsel vm1, $0x43E68000, v0  }
0xb7: {  	v1 =	vsel vm11, $0x4400C000, v1;
	v53 =	vsel vm0, $0x43E70000, v0;
	v0 =	vsel vm5, $0x43EC0000, v11  }
0xb8: {  	v1 =	vsel vm10, $0x44010000, v1;
	v4 =	vimm.s32 $0x32107654;
	v0 =	vsel vm6, $0x43EC8000, v0  }
0xb9: {  	v1 =	vsel vm9, $0x44014000, v1;
	v4 =	vunpack.c.l.s4.s8 v4;
	v0 =	vsel vm4, $0x43ED0000, v0  }
0xba: {  	s5 =	rddreg [dreg:$0x0];
	v61 =	vimm.s32 $0x54761032;
	v1 =	vsel vm8, $0x44018000, v1;
	v0 =	vsel vm3, $0x43ED8000, v0  }
0xbb: {  	s0 =	rddreg [dreg:$0x1];
	s2 =	srdreg.scid;
	v57 =	vunpack.c.0.s8.s32 v4;
	v4 =	vunpack.c.l.s4.s8 v61;
	v0 =	vsel vm2, $0x43EE0000, v0  }
0xbc: {  	s19 =	stileid.u32;
	s1 =	rddreg [dreg:$0x2];
	s3 =	simm.s32 $0x0;
	v3 =	vunpack.c.0.s8.s32 v60;
	v42 =	vsel vm7, $0x4401C000, v1;
	v0 =	vsel vm1, $0x43EE8000, v0  }
0xbd: {  	s31 =	simm.s32 $0xAD00;
	s30 =	simm.s32 $0xC500;
	s28 =	simm.s32 $0x11500;
	v1 =	vsel vm9, $0x44054000, v43;
	v4 =	vunpack.c.0.s8.s32 v4;
	v0 =	vsel vm0, $0x43EF0000, v0  }
0xbe: {  	s29 =	simm.s32 $0x1;
	s6 =	sand.u32 $0x1, s2;
	[smem:$0x7FF] =	sst s3;
	v1 =	vsel vm8, $0x44058000, v1;
	v2 =	vcombine.low v57, v56;
	[tilespmem:$0x1FEA0] =	vst v0;
	v0 =	vsel vm2, $0x43F60000, v14  }
0xbf: {  	s7 =	smul.u32 $0x5100, s19;
	s2 =	rddreg [dreg:$0x3];
	v1 =	vsel vm7, $0x4405C000, v1;
	v3 =	vcombine.low v4, v3;
	v0 =	vsel vm1, $0x43F68000, v0;
	_ =	strace $0x80000047;
	[tilespmem:$0x1FEB0] =	vst v20  }
0xc0: {  	s12 =	sshrl.u32 s19, $0x3;
	s13 =	sadd.s32 $0x29C00, s5;
	s16 =	sand.u32 $0x7, s19;
	v18 =	vand.u32 $0xF, v2;
	[tilespmem:$0x1FEC0] =	vst v21;
	v49 =	vsel vm0, $0x43F70000, v0;
	v0 =	vsel vm6, $0x43FC8000, v36  }
0xc1: {  	s17 =	sshll.u32 s19, $0x6;
	s4 =	smul.u32 $0xA2000, s6;
	s8 =	sshll.u32 s6, $0x1;
	v1 =	vsel vm5, $0x44060000, v1;
	v19 =	vand.u32 $0xF, v3;
	[tilespmem:$0x1FF00] =	vst v18;
	v0 =	vsel vm4, $0x43FD0000, v0  }
0xc2: {  	s18 =	smul.u32 $0x144000, s19;
	s6 =	ssub.s32 $0x2, s6;
	s9 =	sor.u32 s19, s8;
	v24 =	vand.u32 $0xF, v5;
	v1 =	vsel vm6, $0x44064000, v1;
	[tilespmem:$0x1FF10] =	vst v19;
	v0 =	vsel vm3, $0x43FD8000, v0  }
0xc3: {  	s8 =	sor.u32 s12, s8;
	s10 =	sadd.s32 s7, s4;
	s4 =	smul.u32 $0x240, s9;
	v63 =	vimm.s32 $0x76543210;
	v1 =	vsel vm4, $0x44068000, v1;
	[tilespmem:$0x1FF20] =	vst v24;
	v0 =	vsel vm2, $0x43FE0000, v0  }
0xc4: {  	p0 =	sgt.u32 s19, $0x1;
	s15 =	sshrl.u32 s6, $0x1;
	s12 =	smul.u32 $0x240, s8;
	v62 =	vimm.s32 $0xFEDCBA98;
	v45 =	vsel vm3, $0x4406C000, v1;
	[tilespmem:$0x1FF30] =	vst v27;
	v0 =	vsel vm1, $0x43FE8000, v0  }
0xc5: {  	s19 =	simm.s32 $0x4;
	s14 =	ssub.s32 s6, s15;
	s15 =	smul.u32 $0x48, s16;
	v1 =	vsel vm8, $0x44098000, v46;
	[tilespmem:$0x1FF40] =	vst v30;
	v54 =	vsel vm0, $0x43FF0000, v0;
	v0 =	vsel vm5, $0x44020000, v42  }
0xc6: {  	s16 =	sadd.s32 $0x100, s0;
	s25 =	sshrl.u32 s10, $0x3;
	s26 =	sshrl.u32 s4, $0x3;
	v6 =	vunpack.c.l.s4.s8 v63;
	v1 =	vsel vm7, $0x4409C000, v1;
	[tilespmem:$0x1FF50] =	vst v28;
	v0 =	vsel vm6, $0x44024000, v0  }
0xc7: {  	s9 =	sadd.s32 s25, s5;
	s12 =	sadd.s32 s15, s12;
	s11 =	sadd.s32 s26, s5;
	v48 =	vsel vm5, $0x440A0000, v1;
	v1 =	vsel vm10, $0x440D0000, v55;
	[tilespmem:$0x1FF60] =	vst v7;
	v0 =	vsel vm4, $0x44028000, v0  }
0xc8: {  	s5 =	sadd.s32 s7, s2;
	s6 =	sadd.s32 $0xE00, s9;
	s7 =	sor.u32 $0x1C04, s17;
	v4 =	vunpack.c.l.s4.s8 v62;
	v1 =	vsel vm9, $0x440D4000, v1;
	[tilespmem:$0x1FF70] =	vst v8;
	v0 =	vsel vm3, $0x4402C000, v0  }
0xc9: {  	s8 =	sadd.s32 $0xB000, s9;
	s23 =	sshrl.u32 s12, $0x3;
	s9 =	sshrl.u32 s18, $0x2;
	v6 =	vunpack.c.0.s8.s32 v6;
	v1 =	vsel vm8, $0x440D8000, v1;
	[tilespmem:$0x1FF80] =	vst v9;
	v0 =	vsel vm2, $0x44030000, v0  }
0xca: {  	s18 =	smax.u32 s14, $0x1;
	s14 =	simm.s32 $0xC100;
	s20 =	sadd.s32 $0x51000, s5;
	v4 =	vunpack.c.0.s8.s32 v4;
	v1 =	vsel vm7, $0x440DC000, v1;
	[tilespmem:$0x1FF90] =	vst v10;
	v0 =	vsel vm1, $0x44034000, v0  }
0xcb: {  	s26 =	sadd.s32 s13, s26;
	s21 =	sadd.s32 $0x29800, s11;
	s22 =	sadd.s32 $0x29600, s11;
	[tilespmem:$0x1FFB0] =	vst v38;
	v1 =	vsel vm5, $0x440E0000, v1;
	v59 =	vsel vm0, $0x44038000, v0;
	v0 =	vsel vm2, $0x44070000, v45  }
0xcc: {  	s24 =	sadd.s32 $0x29A00, s11;
	s17 =	smul.u32 $0x180, s23;
	s12 =	sadd.s32 s9, s2;
	v4 =	vand.u32 $0xF, v4;
	[tilespmem:$0x1FFC0] =	vst v40;
	v1 =	vsel vm6, $0x440E4000, v1;
	v0 =	vsel vm1, $0x44074000, v0  }
0xcd: {  	s25 =	sadd.s32 $0x29E00, s11;
	s15 =	sadd.s32 s13, s23;
	s2 =	simm.s32 $0xAC80;
	[tilespmem:$0x1FFD0] =	vst v33;
	v1 =	vsel vm4, $0x440E8000, v1;
	v31 =	vsel vm0, $0x44078000, v0;
	v0 =	vsel vm6, $0x440A4000, v48  }
0xce: {  	s11 =	simm.s32 $0xB500;
	s13 =	simm.s32 $0xB900;
	v17 =	vcombine.low v4, v6;
	[dreg:$0x5] =	wrdreg s21;
	[tilespmem:$0x1FFE0] =	vst v41;
	v1 =	vsel vm3, $0x440EC000, v1;
	v0 =	vsel vm4, $0x440A8000, v0  }
.Ltmp0:
0xcf: {  	s23 =	simm.s32 $0x10D00;
	[dreg:$0x6] =	wrdreg s22;
	[tilespmem:$0x1FFF0] =	vst v53;
	v1 =	vsel vm2, $0x440F0000, v1;
	v0 =	vsel vm3, $0x440AC000, v0;
	(pc) =	sbr.rel .LBB2_1-.Ltmp0, $4  }
0xd0: {  	s9 =	simm.s32 $0x0;
	s20 =	sshrl.u32 s20, $0x3;
	[dreg:$0x7] =	wrdreg s24;
	[tilespmem:$0x1FEF0] =	vst v17;
	v1 =	vsel vm1, $0x440F4000, v1;
	v0 =	vsel vm2, $0x440B0000, v0  }
0xd1: {  	s17 =	sadd.s32 s1, s17;
	s1 =	simm.s32 $0x10100;
	[dreg:$0x8] =	wrdreg s25;
	[tilespmem:$0x1FFA0] =	vst v49;
	v23 =	vsel vm0, $0x440F8000, v1;
	v0 =	vsel vm1, $0x440B4000, v0  }
0xd2: {  	[dreg:$0x9] =	wrdreg s26;
	s21 =	simm.s32 $0xA200;
	s24 =	simm.s32 $0xA320;
	[tilespmem:$0x1FEE0] =	vst v23;
	v22 =	vsel vm0, $0x440B8000, v0  }
0xd3: {  	v16 =	vlaneseq.u32;
	s25 =	simm.s32 $0x3;
	s26 =	simm.s32 $0x2;
	s22 =	simm.s32 $0x10900;
	[tilespmem:$0x1FED0] =	vst v22  }
.LBB2_4:
0xd4: {  	s2 =	scvt.f32.s32 s13;
	_ =	sdelay $0x1  }
0xd5: {  	s11 =	smul.u32 $0x900, s2;
	_ =	sdelay $0x1  }
0xd6: {  	s11 =	sshra.s32 s11, $0x2  }
0xd7: {  	s11 =	sadd.s32 s11, s12  }
0xd8: {  	[tilespmem:s21], [sflag:$0x2] =	stream.linear.gather [spmem:s11], $0x120, $0x38;
	[tilespmem:$0x11900] =	vst v63  }
0xd9: {  	s13 =	sand.u32 $0x3F0, s10;
	s11 =	sadd.s32 $0x120, s11  }
0xda: {  	[tilespmem:s24], [sflag:$0x3] =	stream.linear.gather [spmem:s11], $0x120, $0x38;
	[tilespmem:$0x11900] =	vst v63  }
0xdb: {  	v0 =	vld [tilespmem:s13+$0xA700]  }
0xdc: {  	v1 =	vld [tilespmem:s13+$0xA980]  }
0xdd: {  	s11 =	sand.u32 $0xF, s10  }
0xde: {  	v2 =	vmov s11  }
0xdf: {  	vm0 =	veq.s32 v2, v16  }
0xe0: {  	s14 =	sadd.s32 s2, s4;
	v0 =	vsel vm0, s2, v0  }
0xe1: {  	v63 =	vsel vm0, s14, v1;
	[tilespmem:s13+$0xA700] =	vst v0  }
0xe2: {  	[tilespmem:s13+$0xA980] =	vst v63  }
0xe3: {  	_ =	swait.ge [sflag:s26], $0x120  }
0xe4: {  	[sflag:s26] =	ssyncset.done $0x0  }
0xe5: {  	[sflag:s26] =	ssyncadd.s32 $0xFFFFFEE0  }
0xe6: {  	_ =	swait.ge [sflag:s25], $0x120  }
0xe7: {  	[sflag:s25] =	ssyncset.done $0x0  }
0xe8: {  	s11 =	simm.s32 $0xA700;
	s10 =	rddreg [dreg:$0x8];
	[sflag:s25] =	ssyncadd.s32 $0xFFFFFEE0  }
0xe9: {  	[hbm4b:s10+s3] =	stream.linear.scatter [tilespmem:s11], [sflag:$0x4], $0x240, $0x38;
	[tilespmem:$0x11900] =	vst v63  }
0xea: {  	_ =	swait.ge [sflag:s19], $0x240  }
0xeb: {  	[sflag:s19] =	ssyncset.done $0x0  }
0xec: {  	s14 =	simm.s32 $0xA980;
	s13 =	rddreg [dreg:$0x9];
	[sflag:s19] =	ssyncadd.s32 $0xFFFFFDC0  }
0xed: {  	[hbm4b:s13+s3] =	stream.linear.scatter [tilespmem:s14], [sflag:$0x4], $0x240, $0x38;
	[tilespmem:$0x11900] =	vst v63  }
0xee: {  	s30 =	simm.s32 $0xC500;
	_ =	swait.ge [sflag:s19], $0x240  }
0xef: {  	s2 =	simm.s32 $0xAC80;
	s11 =	simm.s32 $0xB500;
	[sflag:s19] =	ssyncset.done $0x0  }
0xf0: {  	s13 =	simm.s32 $0xB900;
	s14 =	simm.s32 $0xC100;
	[sflag:s19] =	ssyncadd.s32 $0xFFFFFDC0  }
.LBB2_5:
0xf1: {  	[bflag:$0x0] =	sbarrier.arrive $0xFFFF  }
0xf2: {  	[tilespmem:s2], [sflag:$0x4] =	stream.linear.gather [hbm4b:s15+s3], $0x48, $0x38;
	[tilespmem:$0x11900] =	vst v63  }
0xf3: {  	_ =	swait.ge [sflag:s19], $0x48  }
0xf4: {  	[sflag:s19] =	ssyncset.done $0x0  }
0xf5: {  	[sflag:s19] =	ssyncadd.s32 $0xFFFFFFB8  }
0xf6: {  	v0 =	vld [tilespmem:$0xAC80];
	_ =	sdelay $0x4  }
0xf7: {  	v1 =	vshrl.u32 v0, $0x3  }
0xf8: {  	v1 =	vmul.u32 $0x18, v1  }
0xf9: {  	v0 =	vand.u32 $0x7, v0  }
0xfa: {  	v58 =	vand.u32 $0x7, v16;
	v2 =	vshrl.u32 v16, $0x3;
	v0 =	vor.u32 v0, v1  }
0xfb: {  	v2 =	vmul.u32 $0x8, v2;
	v3 =	vperm.xlane v0, v58;
	_ =	sdelay $0x1  }
0xfc: {  	v3 =	vadd.s32 v2, v3  }
0xfd: {  	v4 =	vor.u32 $0x8, v16  }
0xfe: {  	v0 =	vperm.xlane v0, v4;
	_ =	sdelay $0x1  }
0xff: {  	vm0 =	vmmov $0xffff;
	v0 =	vadd.s32 v2, v0  }
0x100: {  	[tilespmem:s31], [sflag:$0x1] =	stream.indirect_vreg.gather [hbm4b:s0+s3], $0x80, v3, vm0, $0xb8;
	[tilespmem:$0x11900] =	vst v63  }
0x101: {  	vm1 =	vmmov $0xff  }
0x102: {  	[tilespmem:s11], [sflag:$0x1] =	stream.indirect_vreg.gather [hbm4b:s16+s3], $0x80, v3, vm1, $0xb8;
	[tilespmem:$0x11900] =	vst v63  }
0x103: {  	_ = 	snop  }
0x104: {  	[tilespmem:s13], [sflag:$0x1] =	stream.indirect_vreg.gather [hbm4b:s0+s3], $0x80, v0, vm0, $0xb8;
	[tilespmem:$0x11900] =	vst v63  }
0x105: {  	_ = 	snop  }
0x106: {  	[tilespmem:s14], [sflag:$0x1] =	stream.indirect_vreg.gather [hbm4b:s16+s3], $0x80, v0, vm1, $0xb8;
	[tilespmem:$0x11900] =	vst v63  }
0x107: {  	v0 =	vld [tilespmem:$0xAC90];
	_ =	sdelay $0x4  }
0x108: {  	v60 =	vshrl.u32 v0, $0x3  }
0x109: {  	v3 =	vmul.u32 $0x18, v60  }
0x10a: {  	v0 =	vand.u32 $0x7, v0  }
0x10b: {  	v0 =	vor.u32 v0, v3  }
0x10c: {  	v3 =	vperm.xlane v0, v58;
	_ =	sdelay $0x1  }
0x10d: {  	v3 =	vadd.s32 v2, v3;
	_ =	sdelay $0x1  }
0x10e: {  	v0 =	vperm.xlane v0, v4;
	_ =	sdelay $0x1  }
0x10f: {  	v0 =	vadd.s32 v2, v0  }
0x110: {  	[tilespmem:s30], [sflag:$0x1] =	stream.indirect_vreg.gather [hbm4b:s0+s3], $0x80, v3, vm0, $0xb8;
	[tilespmem:$0x11900] =	vst v63  }
0x111: {  	s10 =	simm.s32 $0xCD00  }
0x112: {  	[tilespmem:s10], [sflag:$0x1] =	stream.indirect_vreg.gather [hbm4b:s16+s3], $0x80, v3, vm1, $0xb8;
	[tilespmem:$0x11900] =	vst v63  }
0x113: {  	s10 =	simm.s32 $0xD100  }
0x114: {  	[tilespmem:s10], [sflag:$0x1] =	stream.indirect_vreg.gather [hbm4b:s0+s3], $0x80, v0, vm0, $0xb8;
	[tilespmem:$0x11900] =	vst v63  }
0x115: {  	s10 =	simm.s32 $0xD900  }
0x116: {  	[tilespmem:s10], [sflag:$0x1] =	stream.indirect_vreg.gather [hbm4b:s16+s3], $0x80, v0, vm1, $0xb8;
	[tilespmem:$0x11900] =	vst v63  }
0x117: {  	v0 =	vld [tilespmem:$0xACA0];
	_ =	sdelay $0x4  }
0x118: {  	v61 =	vshrl.u32 v0, $0x3  }
0x119: {  	v3 =	vmul.u32 $0x18, v61  }
0x11a: {  	v0 =	vand.u32 $0x7, v0  }
0x11b: {  	v0 =	vor.u32 v0, v3  }
0x11c: {  	v3 =	vperm.xlane v0, v58;
	_ =	sdelay $0x1  }
0x11d: {  	v3 =	vadd.s32 v2, v3;
	_ =	sdelay $0x1  }
0x11e: {  	v0 =	vperm.xlane v0, v4;
	_ =	sdelay $0x1  }
0x11f: {  	s10 =	simm.s32 $0xDD00;
	v0 =	vadd.s32 v2, v0  }
0x120: {  	[tilespmem:s10], [sflag:$0x1] =	stream.indirect_vreg.gather [hbm4b:s0+s3], $0x80, v3, vm0, $0xb8;
	[tilespmem:$0x11900] =	vst v63  }
0x121: {  	s10 =	simm.s32 $0xE500  }
0x122: {  	[tilespmem:s10], [sflag:$0x1] =	stream.indirect_vreg.gather [hbm4b:s16+s3], $0x80, v3, vm1, $0xb8;
	[tilespmem:$0x11900] =	vst v63  }
0x123: {  	s10 =	simm.s32 $0xE900  }
0x124: {  	[tilespmem:s10], [sflag:$0x1] =	stream.indirect_vreg.gather [hbm4b:s0+s3], $0x80, v0, vm0, $0xb8;
	[tilespmem:$0x11900] =	vst v63  }
0x125: {  	s10 =	simm.s32 $0xF100  }
0x126: {  	[tilespmem:s10], [sflag:$0x1] =	stream.indirect_vreg.gather [hbm4b:s16+s3], $0x80, v0, vm1, $0xb8;
	[tilespmem:$0x11900] =	vst v63  }
0x127: {  	v0 =	vld [tilespmem:$0xACB0];
	_ =	sdelay $0x4  }
0x128: {  	v62 =	vshrl.u32 v0, $0x3  }
0x129: {  	v3 =	vmul.u32 $0x18, v62  }
0x12a: {  	v0 =	vand.u32 $0x7, v0  }
0x12b: {  	v0 =	vor.u32 v0, v3  }
0x12c: {  	v3 =	vperm.xlane v0, v58;
	_ =	sdelay $0x1  }
0x12d: {  	v3 =	vadd.s32 v2, v3;
	_ =	sdelay $0x1  }
0x12e: {  	v0 =	vperm.xlane v0, v4;
	_ =	sdelay $0x1  }
0x12f: {  	s10 =	simm.s32 $0xF500;
	v0 =	vadd.s32 v2, v0  }
0x130: {  	[tilespmem:s10], [sflag:$0x1] =	stream.indirect_vreg.gather [hbm4b:s0+s3], $0x80, v3, vm0, $0xb8;
	[tilespmem:$0x11900] =	vst v63  }
0x131: {  	s10 =	simm.s32 $0xFD00  }
0x132: {  	[tilespmem:s10], [sflag:$0x1] =	stream.indirect_vreg.gather [hbm4b:s16+s3], $0x80, v3, vm1, $0xb8;
	[tilespmem:$0x11900] =	vst v63  }
0x133: {  	_ = 	snop  }
0x134: {  	[tilespmem:s1], [sflag:$0x1] =	stream.indirect_vreg.gather [hbm4b:s0+s3], $0x80, v0, vm0, $0xb8;
	[tilespmem:$0x11900] =	vst v63  }
0x135: {  	_ = 	snop  }
0x136: {  	[tilespmem:s22], [sflag:$0x1] =	stream.indirect_vreg.gather [hbm4b:s16+s3], $0x80, v0, vm1, $0xb8;
	[tilespmem:$0x11900] =	vst v63  }
0x137: {  	v0 =	vld.msk [tilespmem:$0xACC0], $0xff;
	_ =	sdelay $0x4  }
0x138: {  	v63 =	vshrl.u32 v0, $0x3  }
0x139: {  	v3 =	vmul.u32 $0x18, v63  }
0x13a: {  	v0 =	vand.u32 $0x7, v0  }
0x13b: {  	v0 =	vor.u32 v0, v3  }
0x13c: {  	v0 =	vperm.xlane v0, v58;
	_ =	sdelay $0x1  }
0x13d: {  	v0 =	vadd.s32 v2, v0;
	_ =	sdelay $0x4  }
0x13e: {  	[tilespmem:s23], [sflag:$0x1] =	stream.indirect_vreg.gather [hbm4b:s0+s3], $0x80, v0, vm0, $0xb8;
	[tilespmem:$0x11900] =	vst v63  }
0x13f: {  	_ = 	snop  }
0x140: {  	[tilespmem:s28], [sflag:$0x1] =	stream.indirect_vreg.gather [hbm4b:s16+s3], $0x80, v0, vm1, $0xb8;
	[tilespmem:$0x11900] =	vst v63  }
0x141: {  	s9 =	sadd.s32 $0x1, s9;
	_ =	swait.ge [sflag:s29], $0x6C00  }
0x142: {  	p1 =	sne.s32 s9, s18;
	[sflag:s29] =	ssyncset.done $0x0  }
.Ltmp1:
0x143: {  	[sflag:s29] =	ssyncadd.s32 $0xFFFF9400;
	(pc) =	sbr.rel @!p1 .LBB2_6-.Ltmp1, $4  }
0x144: {  	[hbm4b:s17+s3] =	stream.linear.scatter [tilespmem:s31], [sflag:$0x4], $0x6C00, $0x38;
	[tilespmem:$0x11900] =	vst v63  }
0x145: {  	_ =	swait.ge [sflag:s19], $0x6C00  }
0x146: {  	[sflag:s19] =	ssyncset.done $0x0  }
0x147: {  	[sflag:s19] =	ssyncadd.s32 $0xFFFF9400  }
.LBB2_1:
0x148: {  	s10 =	sshrl.u32 s5, $0x3  }
0x149: {  	[spmem:s10], [sflag:s7] =	dma.local [hbm:s6], $0xA20  }
0x14a: {  	_ =	swait.ge [sflag:s19], $0xA20  }
0x14b: {  	[sflag:s19] =	ssyncset.done $0x0  }
0x14c: {  	[sflag:s19] =	ssyncadd.s32 $0xFFFFF5E0  }
0x14d: {  	[spmem:s20], [sflag:s7] =	dma.local [hbm:s8], $0xA20  }
.Ltmp2:
0x14e: {  	_ =	swait.ge [sflag:s19], $0xA20;
	(pc) =	sbr.rel @p0 .LBB2_5-.Ltmp2, $3  }
0x14f: {  	[sflag:s19] =	ssyncset.done $0x0  }
0x150: {  	[sflag:s19] =	ssyncadd.s32 $0xFFFFF5E0  }
0x151: {  	[bflag:$0x0] =	sbarrier.arrive $0xFFFF;
	_ =	sdelay $0x1  }
0x152: {  	s2 =	rddreg [dreg:$0x5]  }
0x153: {  	[tilespmem:s21], [sflag:$0x4] =	stream.linear.gather [hbm4b:s2+s3], $0x240, $0x38;
	[tilespmem:$0x11900] =	vst v63  }
0x154: {  	_ =	swait.ge [sflag:s19], $0x240  }
0x155: {  	[sflag:s19] =	ssyncset.done $0x0  }
0x156: {  	s10 =	simm.s32 $0xA480;
	s30 =	rddreg [dreg:$0x6];
	[sflag:s19] =	ssyncadd.s32 $0xFFFFFDC0  }
0x157: {  	[tilespmem:s10], [sflag:$0x4] =	stream.linear.gather [hbm4b:s30+s3], $0x240, $0x38;
	[tilespmem:$0x11900] =	vst v63  }
0x158: {  	_ =	swait.ge [sflag:s19], $0x240  }
0x159: {  	[sflag:s19] =	ssyncset.done $0x0  }
0x15a: {  	s13 =	simm.s32 $0xAC00;
	s11 =	rddreg [dreg:$0x7];
	[sflag:s19] =	ssyncadd.s32 $0xFFFFFDC0  }
0x15b: {  	[tilespmem:s13], [sflag:$0x4] =	stream.linear.gather [hbm4b:s11+s3], $0x10, $0x38;
	[tilespmem:$0x11900] =	vst v63  }
0x15c: {  	_ =	swait.ge [sflag:s19], $0x10  }
0x15d: {  	[sflag:s19] =	ssyncset.done $0x0  }
0x15e: {  	[sflag:s19] =	ssyncadd.s32 $0xFFFFFFF0  }
0x15f: {  	v1 =	vld [tilespmem:$0xAC00];
	_ =	sdelay $0x4  }
0x160: {  	(v2sf) =	vpush v1, $0x0;
	v1 =	vld [tilespmem:$0xA5A0];
	_ =	sdelay $0x4  }
0x161: {  	[tilespmem:$0x1FC80] =	vst v1;
	v1 =	vld [tilespmem:$0xA5B0];
	_ =	sdelay $0x4  }
0x162: {  	[tilespmem:$0x1FC70] =	vst v1;
	v1 =	vld [tilespmem:$0xA5C0]  }
0x163: {  	v13 =	vld [tilespmem:$0xA700]  }
0x164: {  	v0 =	vld [tilespmem:$0xA980]  }
0x165: {  	v25 =	vld [tilespmem:$0xA480]  }
0x166: {  	v62 =	vld [tilespmem:$0xA490]  }
0x167: {  	[tilespmem:$0x1FDA0] =	vst v1;
	v1 =	vld [tilespmem:$0xA5D0]  }
0x168: {  	v60 =	vld [tilespmem:$0xA4A0]  }
0x169: {  	v36 =	vld [tilespmem:$0xA4B0]  }
0x16a: {  	v45 =	vld [tilespmem:$0xA4C0]  }
0x16b: {  	v58 =	vld [tilespmem:$0xA4D0]  }
0x16c: {  	[tilespmem:$0x1FC90] =	vst v1;
	v1 =	vld [tilespmem:$0xA5F0]  }
0x16d: {  	v61 =	vld [tilespmem:$0xA4E0]  }
0x16e: {  	v37 =	vld [tilespmem:$0xA4F0]  }
0x16f: {  	v55 =	vld [tilespmem:$0xA500]  }
0x170: {  	v43 =	vld [tilespmem:$0xA510]  }
0x171: {  	[tilespmem:$0x1FC50] =	vst v1;
	v1 =	vld [tilespmem:$0xA620]  }
0x172: {  	v39 =	vld [tilespmem:$0xA520]  }
0x173: {  	v26 =	vld [tilespmem:$0xA530]  }
0x174: {  	v44 =	vld [tilespmem:$0xA540]  }
0x175: {  	v47 =	vld [tilespmem:$0xA550]  }
0x176: {  	[tilespmem:$0x1FC40] =	vst v1;
	v1 =	vld [tilespmem:$0xA630]  }
0x177: {  	v12 =	vld [tilespmem:$0xA560]  }
0x178: {  	v48 =	vld [tilespmem:$0xA570]  }
0x179: {  	v14 =	vld [tilespmem:$0xA580]  }
0x17a: {  	v11 =	vld [tilespmem:$0xA590]  }
0x17b: {  	s14 =	spop (v2sf);
	[tilespmem:$0x1FBF0] =	vst v1;
	v1 =	vld [tilespmem:$0xA640]  }
0x17c: {  	v63 =	vld [tilespmem:$0xA5E0];
	s10 =	scvt.f32.s32 s14  }
0x17d: {  	vm0 =	veq.s32 v16, $0x0;
	v57 =	vld [tilespmem:$0xA600]  }
0x17e: {  	v56 =	vld [tilespmem:$0xA610];
	s11 =	smul.u32 $0x900, s10;
	v13 =	vsel vm0, s10, v13;
	s10 =	sadd.s32 s10, s4  }
0x17f: {  	[tilespmem:$0xA700] =	vst v13;
	v13 =	vsel vm0, s10, v0;
	v0 =	vld [tilespmem:$0xA6A0]  }
0x180: {  	[tilespmem:$0x1FCA0] =	vst v1;
	v1 =	vld [tilespmem:$0xA650]  }
0x181: {  	v46 =	vld [tilespmem:$0xA670]  }
0x182: {  	v42 =	vld [tilespmem:$0xA680];
	s11 =	sshra.s32 s11, $0x2  }
0x183: {  	v34 =	vld [tilespmem:$0xA690];
	[tilespmem:$0xA980] =	vst v13;
	s30 =	sadd.s32 s11, s12  }
0x184: {  	s10 =	sadd.s32 $0x120, s30;
	[tilespmem:$0x1FCB0] =	vst v0;
	v0 =	vld [tilespmem:$0xA6B0]  }
0x185: {  	[tilespmem:$0x1FC60] =	vst v1;
	v1 =	vld [tilespmem:$0xA660];
	[tilespmem:s24], [sflag:$0x3] =	stream.linear.gather [spmem:s10], $0x120, $0x38  }
0x186: {  	v13 =	vld [tilespmem:$0xA200]  }
0x187: {  	v5 =	vld [tilespmem:$0xA310]  }
0x188: {  	v3 =	vld [tilespmem:$0xA300]  }
0x189: {  	[tilespmem:$0x1FCC0] =	vst v0;
	v0 =	vld [tilespmem:$0xA2F0]  }
0x18a: {  	v4 =	vld [tilespmem:$0xA2D0]  }
0x18b: {  	v2 =	vld [tilespmem:$0xA2C0]  }
0x18c: {  	[tilespmem:$0x1FD20] =	vst v36;
	v7 =	vld [tilespmem:$0xA2B0]  }
0x18d: {  	[tilespmem:$0x1FC30] =	vst v1;
	v1 =	vld [tilespmem:$0xA2E0]  }
0x18e: {  	[tilespmem:$0x1FD50] =	vst v45;
	v6 =	vld [tilespmem:$0xA2A0]  }
0x18f: {  	[tilespmem:$0x1FD80] =	vst v58;
	v9 =	vld [tilespmem:$0xA280]  }
0x190: {  	[tilespmem:$0x1FDC0] =	vst v37;
	v8 =	vld [tilespmem:$0xA290]  }
0x191: {  	[tilespmem:$0x1FDF0] =	vst v55;
	v15 =	vld [tilespmem:$0xA270]  }
0x192: {  	[tilespmem:$0x1FDD0] =	vst v39;
	v10 =	vld [tilespmem:$0xA260];
	v0 =	vadd.f32 v0, v48;
	v1 =	vadd.f32 v1, v12  }
0x193: {  	[tilespmem:$0x1FD30] =	vst v14;
	v14 =	vadd.f32 v3, v14;
	v2 =	vadd.f32 v2, v44;
	v3 =	vld [tilespmem:$0xA240]  }
0x194: {  	[tilespmem:$0x1FD90] =	vst v12;
	v4 =	vadd.f32 v4, v47;
	v55 =	vadd.f32 v9, v55;
	v9 =	vld [tilespmem:$0xA210];
	vm1 =	vgt.f32 v0, v1  }
0x195: {  	[tilespmem:$0x1FD40] =	vst v11;
	v12 =	vld [tilespmem:$0xA250];
	v0 =	vsel vm1, v0, v1;
	v1 =	vadd.f32 v6, v39  }
0x196: {  	[tilespmem:$0x1FDE0] =	vst v57;
	vm2 =	vgt.f32 v4, v2;
	v6 =	vadd.f32 v7, v26;
	v7 =	vadd.f32 v8, v43;
	v8 =	vld [tilespmem:$0xA220]  }
0x197: {  	v2 =	vsel vm2, v4, v2;
	v39 =	vld [tilespmem:$0xA230];
	_ =	swait.ge [sflag:s25], $0x120  }
0x198: {  	v3 =	vadd.f32 v3, v45;
	vm3 =	vgt.f32 v0, v2;
	v45 =	vld [tilespmem:$0x1FE60]  }
0x199: {  	v32 =	vadd.f32 v5, v11;
	v11 =	vadd.f32 v15, v37;
	v15 =	vsel vm3, v0, v2;
	v0 =	vld [tilespmem:$0x1FE70]  }
0x19a: {  	v10 =	vadd.f32 v10, v61;
	_ =	sdelay $0x1  }
0x19b: {  	vm6 =	vgt.f32 v11, v10;
	vm5 =	vgt.f32 v7, v55  }
0x19c: {  	vm4 =	vgt.f32 v6, v1;
	v4 =	vsel vm5, v7, v55;
	v55 =	vadd.f32 v8, v60;
	v8 =	vld [tilespmem:$0x1FE40]  }
0x19d: {  	v12 =	vadd.f32 v12, v58;
	v1 =	vsel vm4, v6, v1;
	v6 =	vsel vm6, v0, v45;
	v0 =	vld [tilespmem:$0x1FE50]  }
0x19e: {  	v13 =	vadd.f32 v13, v25  }
0x19f: {  	vm0 =	vgt.f32 v32, v14;
	[sflag:s25] =	ssyncset.done $0x0;
	vm7 =	vgt.f32 v12, v3;
	v5 =	vadd.f32 v39, v36  }
0x1a0: {  	v9 =	vadd.f32 v9, v62;
	v2 =	vsel vm6, v11, v10;
	[sflag:s25] =	ssyncadd.s32 $0xFFFFFEE0;
	v3 =	vsel vm7, v12, v3  }
0x1a1: {  	v10 =	vld [tilespmem:$0xA390];
	v12 =	vsel vm5, v38, v33;
	vm6 =	vgt.f32 v2, v3;
	vm8 =	vgt.f32 v5, v55  }
0x1a2: {  	v37 =	vld [tilespmem:$0xA410];
	v5 =	vsel vm8, v5, v55;
	v11 =	vsel vm7, v0, v8;
	v8 =	vsel vm6, v2, v3  }
0x1a3: {  	v39 =	vld [tilespmem:$0xA3F0];
	vm7 =	vgt.f32 v1, v4;
	v0 =	vsel vm2, v40, v41;
	v2 =	vsel vm0, v32, v14  }
0x1a4: {  	v45 =	vld [tilespmem:$0xA3B0];
	v36 =	vsel vm6, v6, v11;
	vm6 =	vgt.f32 v9, v13;
	v1 =	vsel vm7, v1, v4  }
0x1a5: {  	v55 =	vld [tilespmem:$0xA3A0];
	v11 =	vsel vm4, v30, v29;
	v58 =	vsel vm6, v9, v13;
	v13 =	vsel vm1, v28, v27  }
0x1a6: {  	[tilespmem:$0x1FCD0] =	vst v2;
	v2 =	vld [tilespmem:$0x1FE20];
	v11 =	vsel vm7, v11, v12;
	vm1 =	vgt.f32 v15, v1;
	v0 =	vsel vm3, v13, v0  }
0x1a7: {  	v32 =	vsel vm1, v0, v11;
	v0 =	vld [tilespmem:$0x1FE30]  }
0x1a8: {  	v14 =	vld [tilespmem:$0x1FC40]  }
0x1a9: {  	v9 =	vld [tilespmem:$0xA380]  }
0x1aa: {  	v12 =	vld [tilespmem:$0xA400]  }
0x1ab: {  	v13 =	vld [tilespmem:$0xA3E0]  }
0x1ac: {  	v11 =	vsel vm8, v0, v2;
	v2 =	vld [tilespmem:$0x1FE00]  }
0x1ad: {  	v0 =	vld [tilespmem:$0x1FE10]  }
0x1ae: {  	vm2 =	vgt.f32 v5, v58;
	v1 =	vsel vm1, v15, v1;
	v15 =	vld [tilespmem:$0xA3D0]  }
0x1af: {  	v4 =	vsel vm2, v5, v58;
	v58 =	vld [tilespmem:$0xA340]  }
0x1b0: {  	v6 =	vadd.f32 v55, v14;
	v14 =	vld [tilespmem:$0x1FCA0]  }
0x1b1: {  	vm3 =	vgt.f32 v8, v4;
	v55 =	vld [tilespmem:$0x1FE90]  }
0x1b2: {  	v4 =	vsel vm3, v8, v4;
	v8 =	vld [tilespmem:$0xA360];
	v0 =	vsel vm6, v0, v2  }
0x1b3: {  	v3 =	vsel vm2, v11, v0;
	v0 =	vld [tilespmem:$0x1FBF0]  }
0x1b4: {  	v12 =	vadd.f32 v12, v42;
	v11 =	vadd.f32 v37, v34;
	v3 =	vsel vm3, v36, v3;
	v36 =	vld [tilespmem:$0x1FC30]  }
0x1b5: {  	v2 =	vadd.f32 v10, v56;
	v10 =	vld [tilespmem:$0xA370]  }
0x1b6: {  	[tilespmem:$0x1FBE0] =	vst v56;
	v56 =	vld [tilespmem:$0x1FC70];
	vm3 =	vgt.f32 v11, v12  }
0x1b7: {  	v11 =	vsel vm3, v11, v12;
	v12 =	vld [tilespmem:$0x1FC50]  }
0x1b8: {  	v37 =	vld [tilespmem:$0xA320];
	v7 =	vadd.f32 v45, v0  }
0x1b9: {  	vm2 =	vgt.f32 v1, v4;
	v0 =	vadd.f32 v39, v46;
	v39 =	vld [tilespmem:$0xA330];
	v13 =	vadd.f32 v13, v36  }
0x1ba: {  	[tilespmem:$0x1FC10] =	vst v46;
	v46 =	vsel vm2, v1, v4;
	v1 =	vld [tilespmem:$0xA350]  }
0x1bb: {  	v45 =	vld [tilespmem:$0x1FC80];
	vm4 =	vgt.f32 v0, v13  }
0x1bc: {  	v10 =	vadd.f32 v10, v12;
	v12 =	vld [tilespmem:$0x1FC60];
	v0 =	vsel vm4, v0, v13  }
0x1bd: {  	[tilespmem:$0x1FC20] =	vst v42;
	v42 =	vsel vm4, v54, v49;
	v13 =	vld [tilespmem:$0x1FDA0];
	vm4 =	vgt.f32 v11, v0  }
0x1be: {  	v9 =	vadd.f32 v9, v57;
	v0 =	vsel vm4, v11, v0;
	v11 =	vld [tilespmem:$0x1FC90]  }
0x1bf: {  	v57 =	vld [tilespmem:$0x1FCB0]  }
0x1c0: {  	[tilespmem:$0x1FC00] =	vst v34;
	v8 =	vadd.f32 v8, v63;
	v34 =	vld [tilespmem:$0xA420];
	vm1 =	vgt.f32 v2, v9;
	v3 =	vsel vm2, v32, v3  }
0x1c1: {  	v2 =	vsel vm1, v2, v9;
	v9 =	vld [tilespmem:$0xA3C0];
	v4 =	vadd.f32 v39, v56;
	v5 =	vadd.f32 v37, v45  }
0x1c2: {  	vm5 =	vgt.f32 v10, v8;
	v39 =	vld [tilespmem:$0x1FE80];
	v12 =	vadd.f32 v15, v12;
	v13 =	vadd.f32 v58, v13  }
0x1c3: {  	v37 =	vld [tilespmem:$0x1FEA0];
	v1 =	vadd.f32 v1, v11;
	v11 =	vsel vm3, v31, v59;
	vm3 =	vgt.f32 v4, v5  }
0x1c4: {  	v15 =	vld [tilespmem:$0x1FF70];
	v58 =	vsel vm5, v10, v8;
	v32 =	vsel vm4, v11, v42;
	v4 =	vsel vm3, v4, v5  }
0x1c5: {  	v8 =	vld [tilespmem:$0x1FF60];
	v11 =	vsel vm3, v50, v35;
	vm3 =	vgt.f32 v2, v58;
	vm4 =	vgt.f32 v1, v13  }
0x1c6: {  	v2 =	vsel vm3, v2, v58;
	v58 =	vld [tilespmem:$0x1FF80];
	v1 =	vsel vm4, v1, v13  }
0x1c7: {  	v9 =	vadd.f32 v9, v14;
	v13 =	vld [tilespmem:$0xA430];
	vm7 =	vgt.f32 v1, v4  }
0x1c8: {  	v42 =	vsel vm7, v1, v4;
	v1 =	vld [tilespmem:$0x1FF90]  }
0x1c9: {  	vm2 =	vgt.f32 v7, v6;
	vm6 =	vgt.f32 v12, v9;
	v4 =	vadd.f32 v34, v57;
	v34 =	vld [tilespmem:$0x1FCC0]  }
0x1ca: {  	v6 =	vsel vm2, v7, v6;
	v36 =	vsel vm1, v55, v39;
	v9 =	vsel vm6, v12, v9  }
0x1cb: {  	v12 =	vsel vm6, v37, v53;
	v10 =	vsel vm4, v52, v51;
	vm4 =	vgt.f32 v9, v6  }
0x1cc: {  	v5 =	vsel vm4, v9, v6;
	v10 =	vsel vm7, v10, v11;
	v11 =	vsel vm5, v15, v8  }
0x1cd: {  	v6 =	vsel vm3, v36, v11;
	vm1 =	vgt.f32 v2, v42;
	v36 =	vld [tilespmem:$0x1FCD0];
	v9 =	vsel vm2, v1, v58  }
0x1ce: {  	v1 =	vmovc v57;
	vm2 =	vgt.f32 v0, v5;
	v11 =	vadd.f32 v13, v34;
	v57 =	vsel vm1, v2, v42  }
0x1cf: {  	v2 =	vsel vm1, v6, v10;
	v9 =	vsel vm4, v12, v9;
	v0 =	vsel vm2, v0, v5  }
0x1d0: {  	v32 =	vsel vm2, v32, v9;
	vm1 =	vgt.f32 v0, v57;
	vm2 =	vgt.f32 v11, v4  }
0x1d1: {  	v37 =	vmovc v34;
	v42 =	vsel vm0, v21, v20;
	v0 =	vsel vm1, v0, v57;
	v34 =	vsel vm2, v11, v4  }
0x1d2: {  	vm3 =	vgt.f32 v36, v46;
	v2 =	vsel vm1, v32, v2;
	vm1 =	vgt.f32 v34, v0  }
0x1d3: {  	v4 =	vsel vm3, v36, v46;
	v46 =	vsel vm2, v23, v22;
	v0 =	vsel vm1, v34, v0  }
0x1d4: {  	v3 =	vsel vm3, v42, v3;
	v2 =	vsel vm1, v46, v2;
	vm0 =	vgt.f32 v0, v4  }
0x1d5: {  	v0 =	vsel vm0, v0, v4;
	v57 =	vsel vm0, v2, v3  }
0x1d6: {  	v2 =	vperm.xlane v0, v17;
	v3 =	vperm.xlane v57, v17;
	_ =	sdelay $0x1  }
0x1d7: {  	vm0 =	veq.f32 v2, v0;
	vm1 =	vlt.f32 v3, v57  }
0x1d8: {  	vm2 =	vgt.f32 v2, v0;
	vm0 =	vmand vm0, vm1  }
0x1d9: {  	vm0 =	vmor vm2, vm0  }
0x1da: {  	v0 =	vsel vm0, v2, v0;
	v4 =	vsel vm0, v3, v57  }
0x1db: {  	v2 =	vperm.xlane v0, v18;
	v3 =	vperm.xlane v4, v18;
	_ =	sdelay $0x1  }
0x1dc: {  	vm0 =	veq.f32 v2, v0;
	vm1 =	vlt.f32 v3, v4  }
0x1dd: {  	vm2 =	vgt.f32 v2, v0;
	vm0 =	vmand vm0, vm1  }
0x1de: {  	vm0 =	vmor vm2, vm0  }
0x1df: {  	v0 =	vsel vm0, v2, v0;
	v4 =	vsel vm0, v3, v4  }
0x1e0: {  	v2 =	vperm.xlane v0, v19;
	v3 =	vperm.xlane v4, v19;
	_ =	sdelay $0x1  }
0x1e1: {  	vm0 =	veq.f32 v2, v0;
	vm1 =	vlt.f32 v3, v4  }
0x1e2: {  	vm2 =	vgt.f32 v2, v0;
	vm0 =	vmand vm0, vm1  }
0x1e3: {  	vm0 =	vmor vm2, vm0  }
0x1e4: {  	v0 =	vsel vm0, v2, v0;
	v4 =	vsel vm0, v3, v4  }
0x1e5: {  	v2 =	vperm.xlane v0, v24;
	v3 =	vperm.xlane v4, v24;
	_ =	sdelay $0x1  }
0x1e6: {  	vm0 =	veq.f32 v2, v0;
	vm1 =	vlt.f32 v3, v4  }
0x1e7: {  	vm2 =	vgt.f32 v2, v0;
	vm0 =	vmand vm0, vm1  }
0x1e8: {  	vm0 =	vmor vm2, vm0  }
0x1e9: {  	v0 =	vsel vm0, v3, v4  }
0x1ea: {  	(v2sf) =	vpush v0, $0x0;
	v13 =	vbroadcast v0, $0x0;
	v0 =	vld [tilespmem:$0x1FE00];
	_ =	sdelay $0x4  }
0x1eb: {  	vm0 =	veq.f32 v13, v0;
	v0 =	vimm.s32 $0x0  }
0x1ec: {  	v0 =	vsel vm0, $0xFFFFFFFF, v0  }
0x1ed: {  	[tilespmem:$0x1FCE0] =	vst v0;
	v0 =	vld [tilespmem:$0x1FE10];
	_ =	sdelay $0x4  }
0x1ee: {  	vm0 =	veq.f32 v13, v0;
	v0 =	vimm.s32 $0x0  }
0x1ef: {  	v0 =	vsel vm0, $0xFFFFFFFF, v0  }
0x1f0: {  	[tilespmem:$0x1FCF0] =	vst v0;
	v0 =	vld [tilespmem:$0x1FE20];
	_ =	sdelay $0x4  }
0x1f1: {  	vm0 =	veq.f32 v13, v0;
	v0 =	vimm.s32 $0x0  }
0x1f2: {  	v0 =	vsel vm0, $0xFFFFFFFF, v0  }
0x1f3: {  	[tilespmem:$0x1FD00] =	vst v0;
	v0 =	vld [tilespmem:$0x1FE30];
	_ =	sdelay $0x4  }
0x1f4: {  	vm9 =	veq.f32 v13, v0;
	v0 =	vld [tilespmem:$0x1FE40];
	_ =	sdelay $0x4  }
0x1f5: {  	vm11 =	veq.f32 v13, v0;
	v0 =	vld [tilespmem:$0x1FE50];
	_ =	sdelay $0x4  }
0x1f6: {  	vm12 =	veq.f32 v13, v0;
	v0 =	vld [tilespmem:$0x1FE60];
	_ =	sdelay $0x4  }
0x1f7: {  	vm4 =	veq.f32 v13, v0;
	v0 =	vld [tilespmem:$0x1FE70];
	_ =	sdelay $0x4  }
0x1f8: {  	vm14 =	veq.f32 v13, v0;
	v0 =	vld [tilespmem:$0x1FFD0];
	_ =	sdelay $0x4  }
0x1f9: {  	vm1 =	veq.f32 v13, v0;
	v0 =	vld [tilespmem:$0x1FFB0];
	_ =	sdelay $0x4  }
0x1fa: {  	vm0 =	veq.f32 v13, v0;
	v0 =	vimm.s32 $0x0  }
0x1fb: {  	v0 =	vsel vm0, $0xFFFFFFFF, v0  }
0x1fc: {  	[tilespmem:$0x1FD10] =	vst v0;
	v0 =	vld [tilespmem:$0x1FFE0];
	_ =	sdelay $0x4  }
0x1fd: {  	vm6 =	veq.f32 v13, v0;
	v0 =	vld [tilespmem:$0x1FFC0];
	_ =	sdelay $0x4  }
0x1fe: {  	vm7 =	veq.f32 v13, v0;
	v0 =	vld [tilespmem:$0x1FD20];
	_ =	sdelay $0x4  }
0x1ff: {  	v11 =	vsel vm9, $0xFF61B1E6, v0;
	v0 =	vld [tilespmem:$0x1FD30];
	_ =	sdelay $0x3  }
0x200: {  	vm10 =	veq.f32 v13, v20  }
0x201: {  	v42 =	vsel vm10, $0xFF61B1E6, v0;
	v0 =	vld [tilespmem:$0x1FD40];
	_ =	sdelay $0x3  }
0x202: {  	vm9 =	veq.f32 v13, v21  }
0x203: {  	v46 =	vsel vm9, $0xFF61B1E6, v0;
	v0 =	vld [tilespmem:$0x1FD50];
	_ =	sdelay $0x3  }
0x204: {  	vm9 =	veq.f32 v13, v35  }
0x205: {  	v12 =	vsel vm11, $0xFF61B1E6, v0;
	vm11 =	veq.f32 v13, v50;
	v0 =	vsel vm9, $0xFF61B1E6, v45  }
0x206: {  	[tilespmem:$0x1FD60] =	vst v0;
	v0 =	vsel vm11, $0xFF61B1E6, v56  }
0x207: {  	[tilespmem:$0x1FD70] =	vst v0;
	v0 =	vld [tilespmem:$0x1FD80];
	_ =	sdelay $0x4  }
0x208: {  	v56 =	vsel vm12, $0xFF61B1E6, v0;
	v0 =	vld [tilespmem:$0x1FD90]  }
0x209: {  	v2 =	vld [tilespmem:$0x1FDD0];
	_ =	sdelay $0x2  }
0x20a: {  	vm13 =	veq.f32 v13, v27  }
0x20b: {  	vm8 =	veq.f32 v13, v29;
	v45 =	vsel vm13, $0xFF61B1E6, v0;
	v0 =	vld [tilespmem:$0x1FDA0]  }
0x20c: {  	v34 =	vsel vm8, $0xFF61B1E6, v2;
	v2 =	vld [tilespmem:$0x1FDE0];
	_ =	sdelay $0x2  }
0x20d: {  	vm9 =	veq.f32 v13, v51  }
0x20e: {  	v0 =	vsel vm9, $0xFF61B1E6, v0;
	vm9 =	veq.f32 v13, v39  }
0x20f: {  	v9 =	vsel vm9, $0xFF61B1E6, v2;
	v2 =	vld [tilespmem:$0x1FDF0];
	_ =	sdelay $0x4  }
0x210: {  	v36 =	vsel vm1, $0xFF61B1E6, v2;
	v2 =	vld [tilespmem:$0x1FF90];
	_ =	sdelay $0x3  }
0x211: {  	[tilespmem:$0x1FDB0] =	vst v0;
	v0 =	vld [tilespmem:$0x1FDC0]  }
0x212: {  	vm8 =	veq.f32 v13, v2;
	v2 =	vld [tilespmem:$0x1FFF0];
	_ =	sdelay $0x2  }
0x213: {  	vm5 =	veq.f32 v13, v30;
	vm15 =	veq.f32 v13, v55;
	vm10 =	veq.f32 v13, v28  }
0x214: {  	vm11 =	veq.f32 v13, v52;
	vm12 =	veq.f32 v13, v8;
	vm13 =	veq.f32 v13, v15  }
0x215: {  	s11 =	simm.s32 $0x2;
	s10 =	simm.s32 $0x1;
	s13 =	spop (v2sf);
	v0 =	vsel vm14, $0xFF61B1E6, v0;
	vm14 =	veq.f32 v13, v58;
	vm9 =	veq.f32 v13, v2  }
.LBB2_3:
0x216: {  	v6 =	vld [tilespmem:$0x1FC30];
	s13 =	scvt.f32.s32 s13  }
0x217: {  	v39 =	vld [tilespmem:$0x1FEA0]  }
0x218: {  	v2 =	vld [tilespmem:$0x1FBE0];
	s30 =	smul.u32 $0x900, s13  }
0x219: {  	v7 =	vld [tilespmem:$0x1FC10]  }
0x21a: {  	vm1 =	veq.f32 v13, v49;
	v4 =	vld [tilespmem:$0x1FC60];
	s30 =	sshra.s32 s30, $0x2  }
0x21b: {  	v58 =	vmovc v54;
	vm2 =	veq.f32 v13, v54;
	v5 =	vld [tilespmem:$0x1FCF0];
	v54 =	vsel vm1, $0xFF61B1E6, v6;
	vm1 =	veq.f32 v13, v22;
	s30 =	sadd.s32 s30, s12  }
0x21c: {  	v32 =	vld [tilespmem:$0x1FD00];
	v1 =	vsel vm1, $0xFF61B1E6, v1;
	[tilespmem:s21], [sflag:$0x2] =	stream.linear.gather [spmem:s30], $0x120, $0x38  }
0x21d: {  	vm1 =	veq.f32 v13, v23;
	[tilespmem:$0x1FCB0] =	vst v1;
	v1 =	vld [tilespmem:$0x1FCE0]  }
0x21e: {  	[tilespmem:$0x1FBB0] =	vst v0;
	vm3 =	veq.f32 v13, v31;
	s2 =	sand.u32 $0x3F0, s10;
	s30 =	sadd.s32 $0x120, s30;
	v10 =	vsel vm1, $0xFF61B1E6, v37;
	v37 =	vld [tilespmem:$0x1FD10]  }
0x21f: {  	v47 =	vsel vm7, $0xFF61B1E6, v47;
	vm0 =	veq.f32 v13, v39;
	v2 =	vsel vm15, $0xFF61B1E6, v2;
	[tilespmem:s24], [sflag:$0x3] =	stream.linear.gather [spmem:s30], $0x120, $0x38;
	[tilespmem:$0x11900] =	vst v63  }
0x220: {  	[tilespmem:$0x1FB90] =	vst v46;
	vm15 =	veq.f32 v13, v59;
	v4 =	vsel vm0, $0xFF61B1E6, v4;
	vm0 =	vnez.u8 v5;
	v13 =	vld [tilespmem:s2+$0xA700]  }
0x221: {  	[tilespmem:$0x1FB80] =	vst v42;
	v48 =	vsel vm10, $0xFF61B1E6, v48;
	v62 =	vsel vm0, $0xFF61B1E6, v62;
	vm0 =	vnez.u8 v32;
	v14 =	vld [tilespmem:s2+$0xA980]  }
0x222: {  	v26 =	vsel vm5, $0xFF61B1E6, v26;
	[tilespmem:$0x1FB50] =	vst v47;
	v49 =	vsel vm2, $0xFF61B1E6, v7;
	v60 =	vsel vm0, $0xFF61B1E6, v60;
	s30 =	sand.u32 $0xF, s10  }
0x223: {  	[tilespmem:$0x1FB60] =	vst v48;
	v15 =	vmov s30;
	vm2 =	vnez.u8 v1;
	vm0 =	vnez.u8 v37  }
0x224: {  	v3 =	vld [tilespmem:$0x1FC40];
	[tilespmem:$0x1FB40] =	vst v26;
	v25 =	vsel vm2, $0xFF61B1E6, v25;
	v43 =	vsel vm0, $0xFF61B1E6, v43;
	vm0 =	veq.s32 v15, v16  }
0x225: {  	v8 =	vld [tilespmem:$0x1FC00];
	s30 =	sadd.s32 s13, s4;
	[tilespmem:$0x1FB70] =	vst v25;
	v13 =	vsel vm0, s13, v13  }
0x226: {  	v7 =	vld [tilespmem:$0x1FC20];
	[tilespmem:s2+$0xA700] =	vst v13;
	v13 =	vsel vm0, s30, v14  }
0x227: {  	v6 =	vld [tilespmem:$0x1FC90];
	[tilespmem:s2+$0xA980] =	vst v13  }
0x228: {  	v1 =	vld [tilespmem:$0x1FC50];
	_ =	swait.ge [sflag:s26], $0x120  }
0x229: {  	v32 =	vld [tilespmem:$0x1FBF0];
	[sflag:s26] =	ssyncset.done $0x0  }
0x22a: {  	v55 =	vld [tilespmem:$0x1FCA0];
	[sflag:s26] =	ssyncadd.s32 $0xFFFFFEE0  }
0x22b: {  	v13 =	vld [tilespmem:$0xA200]  }
0x22c: {  	v14 =	vld [tilespmem:$0xA310]  }
0x22d: {  	v15 =	vld [tilespmem:$0xA300]  }
0x22e: {  	v16 =	vld [tilespmem:$0xA2F0]  }
0x22f: {  	v17 =	vld [tilespmem:$0xA2E0]  }
0x230: {  	v18 =	vld [tilespmem:$0xA2D0]  }
0x231: {  	v19 =	vld [tilespmem:$0xA2C0]  }
0x232: {  	v20 =	vld [tilespmem:$0xA2B0]  }
0x233: {  	v21 =	vld [tilespmem:$0xA2A0]  }
0x234: {  	v22 =	vld [tilespmem:$0xA290]  }
0x235: {  	v44 =	vsel vm6, $0xFF61B1E6, v44;
	v23 =	vld [tilespmem:$0xA280];
	v16 =	vadd.f32 v16, v48  }
0x236: {  	v24 =	vld [tilespmem:$0xA270];
	v17 =	vadd.f32 v17, v45;
	v19 =	vadd.f32 v19, v44  }
0x237: {  	v18 =	vadd.f32 v18, v47;
	v13 =	vadd.f32 v13, v25;
	v25 =	vld [tilespmem:$0xA260]  }
0x238: {  	v20 =	vadd.f32 v20, v26;
	v26 =	vld [tilespmem:$0xA240];
	vm1 =	vgt.f32 v16, v17  }
0x239: {  	[tilespmem:$0x1FBA0] =	vst v45;
	v21 =	vadd.f32 v21, v34;
	vm2 =	vgt.f32 v18, v19;
	v16 =	vsel vm1, v16, v17;
	v17 =	vld [tilespmem:$0xA250]  }
0x23a: {  	[tilespmem:$0x1FBC0] =	vst v34;
	v18 =	vsel vm2, v18, v19;
	v19 =	vsel vm1, v28, v27;
	v27 =	vld [tilespmem:$0xA230]  }
0x23b: {  	v8 =	vsel vm3, $0xFF61B1E6, v8;
	[tilespmem:$0x1FBD0] =	vst v36;
	v22 =	vadd.f32 v22, v43;
	vm3 =	vgt.f32 v20, v21;
	v28 =	vld [tilespmem:$0xA220]  }
0x23c: {  	v23 =	vadd.f32 v23, v36;
	v20 =	vsel vm3, v20, v21;
	v21 =	vsel vm3, v30, v29;
	v30 =	vld [tilespmem:$0xA210];
	_ =	swait.ge [sflag:s25], $0x120  }
0x23d: {  	v14 =	vadd.f32 v14, v46;
	v48 =	vmovc v44;
	v44 =	vmovc v29;
	v46 =	vmov v40;
	v29 =	vsel vm2, v40, v41;
	v40 =	vld [tilespmem:$0x1FE70]  }
0x23e: {  	vm2 =	vgt.f32 v22, v23;
	v34 =	vld [tilespmem:$0x1FE60]  }
0x23f: {  	v15 =	vadd.f32 v15, v42;
	v42 =	vmovc v38;
	v22 =	vsel vm2, v22, v23;
	v23 =	vsel vm2, v38, v33;
	v38 =	vld [tilespmem:$0x1FE50]  }
0x240: {  	v5 =	vsel vm9, $0xFF61B1E6, v55;
	v37 =	vld [tilespmem:$0x1FE40]  }
0x241: {  	v55 =	vmovc v53;
	v53 =	vmovc v52;
	v52 =	vmov v51;
	v51 =	vmov v50;
	v50 =	vmov v35;
	v35 =	vld [tilespmem:$0x1FE20]  }
0x242: {  	v36 =	vld [tilespmem:$0x1FE30]  }
0x243: {  	v61 =	vsel vm4, $0xFF61B1E6, v61;
	v45 =	vmov v41;
	v41 =	vmov v33;
	[sflag:s25] =	ssyncset.done $0x0;
	v33 =	vld [tilespmem:$0x1FE00]  }
0x244: {  	v24 =	vadd.f32 v24, v0;
	vm1 =	vgt.f32 v16, v18;
	v0 =	vld [tilespmem:$0x1FDB0];
	v25 =	vadd.f32 v25, v61;
	[sflag:s25] =	ssyncadd.s32 $0xFFFFFEE0  }
0x245: {  	v57 =	vmovc v31;
	v47 =	vmov v43;
	v16 =	vsel vm1, v16, v18;
	v18 =	vadd.f32 v26, v12;
	v31 =	vld [tilespmem:$0xA3F0]  }
0x246: {  	v43 =	vmovc v39;
	v19 =	vsel vm1, v19, v29;
	v29 =	vld [tilespmem:$0xA340];
	vm2 =	vgt.f32 v24, v25;
	v17 =	vadd.f32 v17, v56  }
0x247: {  	v24 =	vsel vm2, v24, v25;
	v25 =	vsel vm2, v40, v34;
	vm2 =	vgt.f32 v20, v22;
	v39 =	vmovc v34;
	v34 =	vld [tilespmem:$0x1FE10]  }
0x248: {  	v26 =	vadd.f32 v28, v60;
	v27 =	vadd.f32 v27, v11;
	v20 =	vsel vm2, v20, v22;
	v22 =	vld [tilespmem:$0xA390]  }
0x249: {  	v28 =	vadd.f32 v30, v62;
	vm3 =	vgt.f32 v17, v18;
	v21 =	vsel vm2, v21, v23;
	v23 =	vld [tilespmem:$0xA400]  }
0x24a: {  	vm6 =	vgt.f32 v27, v26;
	v17 =	vsel vm3, v17, v18;
	v18 =	vld [tilespmem:$0xA410]  }
0x24b: {  	vm5 =	vgt.f32 v28, v13;
	v26 =	vsel vm6, v27, v26;
	v27 =	vld [tilespmem:$0xA3B0]  }
0x24c: {  	vm0 =	vgt.f32 v14, v15;
	vm4 =	vgt.f32 v16, v20;
	v13 =	vsel vm5, v28, v13;
	v28 =	vld [tilespmem:$0xA3D0]  }
0x24d: {  	v14 =	vsel vm0, v14, v15;
	v30 =	vsel vm3, v38, v37;
	v15 =	vsel vm4, v19, v21;
	v19 =	vld [tilespmem:$0xA3E0]  }
0x24e: {  	vm3 =	vgt.f32 v24, v17;
	v21 =	vsel vm6, v36, v35;
	v16 =	vsel vm4, v16, v20;
	v20 =	vld [tilespmem:$0xA3A0]  }
0x24f: {  	v17 =	vsel vm3, v24, v17;
	v24 =	vld [tilespmem:$0xA380];
	v25 =	vsel vm3, v25, v30;
	vm3 =	vgt.f32 v26, v13  }
0x250: {  	[tilespmem:$0x1FC10] =	vst v49;
	v30 =	vadd.f32 v31, v49;
	v49 =	vld [tilespmem:$0x1FE90];
	v13 =	vsel vm3, v26, v13;
	v26 =	vsel vm5, v34, v33  }
0x251: {  	v7 =	vsel vm15, $0xFF61B1E6, v7;
	v21 =	vsel vm3, v21, v26;
	v26 =	vld [tilespmem:$0xA370]  }
0x252: {  	[tilespmem:$0x1FC20] =	vst v7;
	v23 =	vadd.f32 v23, v7;
	v7 =	vld [tilespmem:$0x1FD70]  }
0x253: {  	[tilespmem:$0x1FBE0] =	vst v2;
	vm1 =	vgt.f32 v17, v13;
	v22 =	vadd.f32 v22, v2;
	v2 =	vld [tilespmem:$0x1FF90]  }
0x254: {  	v32 =	vsel vm8, $0xFF61B1E6, v32;
	v13 =	vsel vm1, v17, v13;
	v17 =	vsel vm1, v25, v21;
	v21 =	vld [tilespmem:$0xA360]  }
0x255: {  	v63 =	vsel vm12, $0xFF61B1E6, v63;
	v3 =	vsel vm14, $0xFF61B1E6, v3;
	v27 =	vadd.f32 v27, v32;
	v25 =	vld [tilespmem:$0xA320]  }
0x256: {  	v1 =	vsel vm13, $0xFF61B1E6, v1;
	[tilespmem:$0x1FC60] =	vst v4;
	v18 =	vadd.f32 v18, v8;
	v28 =	vadd.f32 v28, v4;
	v4 =	vld [tilespmem:$0x1FFA0]  }
0x257: {  	[tilespmem:$0x1FC00] =	vst v8;
	v8 =	vld [tilespmem:$0x1FD60];
	v19 =	vadd.f32 v19, v54;
	vm1 =	vgt.f32 v16, v13;
	v20 =	vadd.f32 v20, v3  }
0x258: {  	[tilespmem:$0x1FC30] =	vst v54;
	v54 =	vld [tilespmem:$0x1FE80];
	v24 =	vadd.f32 v24, v9;
	vm3 =	vgt.f32 v18, v23;
	v13 =	vsel vm1, v16, v13  }
0x259: {  	v15 =	vsel vm1, v15, v17;
	v16 =	vld [tilespmem:$0xA330];
	vm1 =	vgt.f32 v30, v19;
	v18 =	vsel vm3, v18, v23  }
0x25a: {  	[tilespmem:$0x1FC50] =	vst v1;
	v17 =	vld [tilespmem:$0xA350];
	v31 =	vsel vm3, v57, v59;
	vm2 =	vgt.f32 v22, v24;
	v26 =	vadd.f32 v26, v1  }
0x25b: {  	v23 =	vld [tilespmem:$0xA3C0];
	v19 =	vsel vm1, v30, v19;
	v1 =	vmovc v63;
	v22 =	vsel vm2, v22, v24;
	v24 =	vsel vm1, v58, v4  }
0x25c: {  	v21 =	vadd.f32 v21, v63;
	v63 =	vmovc v61;
	v61 =	vmovc v60;
	v60 =	vmov v57;
	v57 =	vmov v4;
	v4 =	vld [tilespmem:$0x1FF80]  }
0x25d: {  	v6 =	vsel vm11, $0xFF61B1E6, v6;
	v29 =	vadd.f32 v29, v0;
	vm3 =	vgt.f32 v18, v19  }
0x25e: {  	v25 =	vadd.f32 v25, v8;
	v30 =	vsel vm2, v49, v54;
	vm2 =	vgt.f32 v27, v20  }
0x25f: {  	v18 =	vsel vm3, v18, v19;
	v24 =	vsel vm3, v31, v24;
	v16 =	vadd.f32 v16, v7  }
0x260: {  	[tilespmem:$0x1FC40] =	vst v3;
	v3 =	vld [tilespmem:$0x1FF70];
	v20 =	vsel vm2, v27, v20;
	v17 =	vadd.f32 v17, v6;
	v19 =	vadd.f32 v23, v5  }
0x261: {  	[tilespmem:$0x1FBF0] =	vst v32;
	vm4 =	vgt.f32 v16, v25;
	v32 =	vsel vm2, v2, v4;
	vm2 =	vgt.f32 v26, v21;
	v2 =	vld [tilespmem:$0x1FF60]  }
0x262: {  	vm3 =	vgt.f32 v17, v29;
	v16 =	vsel vm4, v16, v25;
	v21 =	vsel vm2, v26, v21  }
0x263: {  	v25 =	vld [tilespmem:$0xA420];
	v17 =	vsel vm3, v17, v29;
	v26 =	vsel vm3, v53, v52;
	vm3 =	vgt.f32 v22, v21  }
0x264: {  	v21 =	vsel vm3, v22, v21;
	v22 =	vld [tilespmem:$0x1FCB0]  }
0x265: {  	[tilespmem:$0x1FCA0] =	vst v5;
	v31 =	vmov v60;
	v27 =	vld [tilespmem:$0xA430];
	vm5 =	vgt.f32 v28, v19;
	v5 =	vsel vm4, v51, v50  }
0x266: {  	v60 =	vmovc v61;
	v19 =	vsel vm5, v28, v19;
	v23 =	vsel vm2, v3, v2;
	vm2 =	vgt.f32 v17, v16  }
0x267: {  	v61 =	vmovc v63;
	v16 =	vsel vm2, v17, v16;
	v17 =	vsel vm2, v26, v5;
	vm2 =	vgt.f32 v19, v20  }
0x268: {  	v63 =	vmovc v1;
	v28 =	vsel vm5, v43, v55;
	v23 =	vsel vm3, v30, v23;
	v19 =	vsel vm2, v19, v20  }
0x269: {  	v20 =	vsel vm2, v28, v32;
	vm2 =	vgt.f32 v21, v16;
	v1 =	vmovc v22;
	v22 =	vadd.f32 v25, v22  }
0x26a: {  	vm3 =	vgt.f32 v18, v19;
	v25 =	vadd.f32 v27, v10;
	v16 =	vsel vm2, v21, v16;
	v21 =	vld [tilespmem:$0x1FEC0]  }
0x26b: {  	v17 =	vsel vm2, v23, v17;
	v23 =	vld [tilespmem:$0x1FEE0];
	v18 =	vsel vm3, v18, v19  }
0x26c: {  	v19 =	vsel vm3, v24, v20;
	v20 =	vld [tilespmem:$0x1FEB0];
	vm2 =	vgt.f32 v18, v16;
	vm3 =	vgt.f32 v25, v22  }
0x26d: {  	v17 =	vsel vm2, v19, v17;
	v19 =	vsel vm3, v25, v22;
	v22 =	vld [tilespmem:$0x1FED0];
	_ =	sdelay $0x2  }
0x26e: {  	vm1 =	vgt.f32 v14, v13  }
0x26f: {  	v13 =	vsel vm1, v14, v13;
	v16 =	vsel vm2, v18, v16  }
0x270: {  	v18 =	vsel vm0, v21, v20;
	vm0 =	vgt.f32 v19, v16;
	v14 =	vsel vm3, v23, v22  }
0x271: {  	v14 =	vsel vm0, v14, v17;
	v17 =	vld [tilespmem:$0x1FEF0];
	_ =	sdelay $0x1  }
0x272: {  	v16 =	vsel vm0, v19, v16  }
0x273: {  	v15 =	vsel vm1, v18, v15;
	vm0 =	vgt.f32 v16, v13  }
0x274: {  	v13 =	vsel vm0, v16, v13;
	v14 =	vsel vm0, v14, v15  }
0x275: {  	v15 =	vperm.xlane v13, v17;
	v16 =	vperm.xlane v14, v17  }
0x276: {  	v18 =	vld [tilespmem:$0x1FF00]  }
0x277: {  	vm1 =	veq.f32 v15, v13;
	vm2 =	vlt.f32 v16, v14  }
0x278: {  	vm0 =	vgt.f32 v15, v13;
	vm1 =	vmand vm1, vm2  }
0x279: {  	vm0 =	vmor vm0, vm1  }
0x27a: {  	v13 =	vsel vm0, v15, v13;
	v14 =	vsel vm0, v16, v14  }
0x27b: {  	v15 =	vperm.xlane v13, v18;
	v16 =	vperm.xlane v14, v18  }
0x27c: {  	v19 =	vld [tilespmem:$0x1FF10]  }
0x27d: {  	vm1 =	veq.f32 v15, v13;
	vm2 =	vlt.f32 v16, v14  }
0x27e: {  	vm0 =	vgt.f32 v15, v13;
	vm1 =	vmand vm1, vm2  }
0x27f: {  	vm0 =	vmor vm0, vm1  }
0x280: {  	v13 =	vsel vm0, v15, v13;
	v14 =	vsel vm0, v16, v14  }
0x281: {  	v15 =	vperm.xlane v13, v19;
	v16 =	vperm.xlane v14, v19  }
0x282: {  	v24 =	vld [tilespmem:$0x1FF20]  }
0x283: {  	vm1 =	veq.f32 v15, v13;
	vm2 =	vlt.f32 v16, v14  }
0x284: {  	vm0 =	vgt.f32 v15, v13;
	vm1 =	vmand vm1, vm2  }
0x285: {  	vm0 =	vmor vm0, vm1  }
0x286: {  	v13 =	vsel vm0, v15, v13;
	v14 =	vsel vm0, v16, v14  }
0x287: {  	v15 =	vperm.xlane v13, v24;
	v16 =	vperm.xlane v14, v24;
	_ =	sdelay $0x1  }
0x288: {  	vm1 =	veq.f32 v15, v13;
	vm2 =	vlt.f32 v16, v14  }
0x289: {  	vm0 =	vgt.f32 v15, v13;
	vm1 =	vmand vm1, vm2  }
0x28a: {  	vm0 =	vmor vm0, vm1  }
0x28b: {  	v14 =	vsel vm0, v16, v14  }
0x28c: {  	v13 =	vbroadcast v14, $0x0  }
0x28d: {  	[tilespmem:$0x1FC90] =	vst v6;
	v6 =	vmovc v37;
	v37 =	vmov v10;
	v10 =	vimm.s32 $0x0;
	v16 =	vlaneseq.u32  }
0x28e: {  	v30 =	vld [tilespmem:$0x1FF40];
	(v2sf) =	vpush v14, $0x0;
	vm0 =	veq.f32 v13, v33;
	vm1 =	veq.f32 v13, v6  }
0x28f: {  	v28 =	vld [tilespmem:$0x1FF50];
	vm2 =	veq.f32 v13, v38;
	vm4 =	veq.f32 v13, v39;
	v10 =	vsel vm0, $0xFFFFFFFF, v10  }
0x290: {  	vm9 =	veq.f32 v13, v40;
	vm0 =	veq.f32 v13, v34;
	[tilespmem:$0x1FCE0] =	vst v10;
	v10 =	vimm.s32 $0x0  }
0x291: {  	v29 =	vmovc v44;
	vm8 =	veq.f32 v13, v41;
	vm3 =	veq.f32 v13, v42;
	v10 =	vsel vm0, $0xFFFFFFFF, v10  }
0x292: {  	vm14 =	veq.f32 v13, v29;
	v39 =	vld [tilespmem:$0x1FB90];
	vm0 =	veq.f32 v13, v35;
	[tilespmem:$0x1FCF0] =	vst v10;
	v10 =	vimm.s32 $0x0  }
0x293: {  	v5 =	vmovc v49;
	vm5 =	veq.f32 v13, v30;
	v10 =	vsel vm0, $0xFFFFFFFF, v10;
	vm0 =	veq.f32 v13, v36;
	v36 =	vld [tilespmem:$0x1FB80]  }
0x294: {  	v49 =	vmovc v57;
	v57 =	vld [tilespmem:$0x1FBC0];
	vm6 =	veq.f32 v13, v45;
	vm7 =	veq.f32 v13, v46;
	vm10 =	veq.f32 v13, v28  }
0x295: {  	v32 =	vmovc v54;
	v54 =	vmovc v58;
	v58 =	vld [tilespmem:$0x1FBD0];
	vm11 =	veq.f32 v13, v20;
	vm13 =	veq.f32 v13, v52;
	v35 =	vimm.s32 $0x0  }
0x296: {  	v27 =	vld [tilespmem:$0x1FF30];
	vm12 =	veq.f32 v13, v21;
	v0 =	vsel vm13, $0xFF61B1E6, v0;
	v6 =	vsel vm3, $0xFFFFFFFF, v35  }
0x297: {  	v40 =	vmovc v46;
	[tilespmem:$0x1FDB0] =	vst v0;
	v0 =	vld [tilespmem:$0x1FBB0];
	v46 =	vsel vm12, $0xFF61B1E6, v39;
	vm12 =	veq.f32 v13, v2;
	v11 =	vsel vm0, $0xFF61B1E6, v11  }
0x298: {  	v38 =	vmovc v42;
	v2 =	vld [tilespmem:$0x1FF90];
	v35 =	vmovc v50;
	vm0 =	veq.f32 v13, v50;
	v42 =	vsel vm11, $0xFF61B1E6, v36;
	vm11 =	veq.f32 v13, v51  }
0x299: {  	p1 =	sne.s32 s11, $0x23F;
	v50 =	vmovc v51;
	v51 =	vmovc v52;
	v52 =	vmov v53;
	v7 =	vsel vm11, $0xFF61B1E6, v7;
	vm11 =	veq.f32 v13, v53;
	v53 =	vld [tilespmem:$0x1FBA0]  }
.Ltmp3:
0x29a: {  	vm15 =	veq.f32 v13, v5;
	v12 =	vsel vm1, $0xFF61B1E6, v12;
	v56 =	vsel vm2, $0xFF61B1E6, v56;
	(pc) =	sbr.rel @p1 .LBB2_3-.Ltmp3, $4  }
0x29b: {  	v44 =	vmovc v48;
	v48 =	vld [tilespmem:$0x1FB60];
	vm13 =	veq.f32 v13, v3;
	v34 =	vsel vm14, $0xFF61B1E6, v57;
	vm14 =	veq.f32 v13, v4;
	[tilespmem:$0x1FD10] =	vst v6  }
0x29c: {  	v43 =	vmovc v47;
	v47 =	vld [tilespmem:$0x1FB50];
	vm3 =	veq.f32 v13, v27;
	[tilespmem:$0x1FD00] =	vst v10;
	v8 =	vsel vm0, $0xFF61B1E6, v8;
	vm0 =	veq.f32 v13, v32  }
0x29d: {  	s14 =	smov.u32 s11;
	v26 =	vld [tilespmem:$0x1FB40];
	v33 =	vmovc v41;
	v0 =	vsel vm9, $0xFF61B1E6, v0;
	vm9 =	veq.f32 v13, v55;
	[tilespmem:$0x1FD60] =	vst v8;
	v9 =	vsel vm0, $0xFF61B1E6, v9  }
0x29e: {  	s11 =	sadd.s32 $0x1, s11;
	s10 =	smov.u32 s14;
	v25 =	vld [tilespmem:$0x1FB70];
	v41 =	vmovc v45;
	v36 =	vsel vm8, $0xFF61B1E6, v58;
	vm8 =	veq.f32 v13, v2;
	[tilespmem:$0x1FD70] =	vst v7;
	s13 =	spop (v2sf);
	v45 =	vsel vm3, $0xFF61B1E6, v53;
	v53 =	vmovc v55  }
.Ltmp4:
0x29f: {  	_ = 	snop;
	(pc) =	sbr.rel .LBB2_4-.Ltmp4, $1  }
0x2a0: {  	_ =	sdelay $0x3  }
.LBB2_6:
0x2a1: {  	_ =	sfence.sel $0x180000  }
0x2a2: {  	[bflag:$0x0] =	sbarrier.arrive $0xFFFF  }
0x2a3: {  	_ =	strace $0x90000047  }
0x2a4: {  	s0 =	stileid.u32;
	[bflag:$0x2] =	sbarrier.arrive $0xFFFF  }
0x2a5: {  	p0 =	sne.s32 s0, $0x0;
	s0 =	rddreg [dreg:$0x4]  }
0x2a6: {  	s0 =	sadd.s32 @!p0 $0x100000, s0  }
0x2a7: {  	[sflag:s0] =	ssyncadd.tile.s32 @!p0 $0x1;
	_ =	shalt  }
.Lfunc_end2:
_tile_overlayer_lowered:
.L_overlay_start_2:
0x2a8: {  	(tag) =	ssettag $0x2  }
0x2a9: {  	s0 =	rddreg [dreg:$0x0];
	s2 =	stileid.u32  }
0x2aa: {  	s1 =	rddreg [dreg:$0x1];
	p0 =	sne.s32 s2, $0x0  }
0x2ab: {  	s3 =	rddreg [dreg:$0x2];
	[bflag:$0x3] =	sbarrier.arrive $0xFFFF;
	s2 =	simm.s32 @!p0 $0x1C04  }
0x2ac: {  	[timem:s3], [sflag:s2] =	dma.local @!p0 [hbm:s0], s1  }
0x2ad: {  	s0 =	simm.s32 @!p0 $0x4  }
0x2ae: {  	_ =	swait.ge @!p0 [sflag:s0], s1  }
0x2af: {  	s1 =	ssub.s32 @!p0 $0x0, s1;
	[sflag:s0] =	ssyncset.done @!p0 $0x0  }
0x2b0: {  	[sflag:s0] =	ssyncadd.s32 @!p0 s1  }
0x2b1: {  	[bflag:$0x3] =	sbarrier.arrive $0xFFFF  }
0x2b2: {  	_ =	shalt  }

</sc_bundles>
